<compile_context>
chip_gen: v7x
topology: tpu7x:2x2x1
jax: 0.10.2.dev20260603
libtpu: 0.0.44.dev20260713+nightly
codegen_flags: <defaults>
</compile_context>

<pallas_src>
import jax
import jax.numpy as jnp
from jax import lax
from jax.experimental import pallas as pl
from jax.experimental.pallas import tpu as pltpu
from jax.experimental.pallas import tpu_sc as plsc

T_OUT = 2048
T_IN = 512
NC = 2
NS = 16
L = 16
ROWS_PER_W = T_OUT // (NC * NS)
GROUPS = ROWS_PER_W // L
BINS_PER_S = T_IN // NS


def _sc_body(att_hbm, out_hbm, slab, idxbuf, ones2d, binbuf, outbuf, hist,
             sem0, sem1):
    cid = lax.axis_index("c")
    sid = lax.axis_index("s")
    base = cid * (NS * ROWS_PER_W) + sid * ROWS_PER_W

    half = (ROWS_PER_W // 2) * T_IN
    cp0 = pltpu.async_copy(
        att_hbm.at[pl.ds(base * T_IN, half)], slab.at[pl.ds(0, half)], sem0)
    cp1 = pltpu.async_copy(
        att_hbm.at[pl.ds(base * T_IN + half, half)], slab.at[pl.ds(half, half)], sem1)

    iota = lax.broadcasted_iota(jnp.int32, (L,), 0)
    ones16 = jnp.ones((L,), jnp.int32)

    for k in range(ROWS_PER_W):
        ones2d[k, :] = ones16
    for k in range(BINS_PER_S):
        binbuf[k, :] = jnp.zeros((L,), jnp.int32)

    rowoffs = [(iota + g * L) * T_IN for g in range(GROUPS)]

    for h, cp in ((0, cp0), (1, cp1)):
        cp.wait()
        init = tuple(
            (jnp.full((L,), -jnp.inf, jnp.float32), jnp.zeros((L,), jnp.int32))
            for _ in range(GROUPS // 2)
        )

        @plsc.parallel_loop(0, T_IN, unroll=32, carry=init)
        def sweep(c, carry, h=h):
            ci = (jnp.zeros((L,), jnp.int32) + c + iota) & (T_IN - 1)
            nxt = []
            for gg in range(GROUPS // 2):
                g = h * (GROUPS // 2) + gg
                bv, bi = carry[gg]
                col = plsc.load_gather(slab, [rowoffs[g] + ci])
                upd = (col > bv) | ((col == bv) & (ci < bi))
                nxt.append((jnp.where(upd, col, bv), jnp.where(upd, ci, bi)))
            return tuple(nxt)

        for gg in range(GROUPS // 2):
            g = h * (GROUPS // 2) + gg
            idxbuf[pl.ds(g * L, L)] = sweep[gg][1]

    pltpu.sync_copy(binbuf, hist.at[pl.ds(sid * BINS_PER_S, BINS_PER_S)])
    plsc.subcore_barrier()
    pltpu.sync_copy(ones2d, hist.at[idxbuf], add=True)
    plsc.subcore_barrier()

    pltpu.sync_copy(hist.at[pl.ds(sid * BINS_PER_S, BINS_PER_S)], binbuf)
    for k in range(BINS_PER_S // L):
        cvec = jnp.zeros((L,), jnp.int32)
        for r in range(L):
            cnt = lax.reduce_max(binbuf[k * L + r, :], axes=(0,))
            cvec = jnp.where(iota == r, jnp.zeros((L,), jnp.int32) + cnt, cvec)
        outbuf[pl.ds(k * L, L)] = cvec
    pltpu.sync_copy(outbuf, out_hbm.at[cid, pl.ds(sid * BINS_PER_S, BINS_PER_S)])


_sc_hist = pl.kernel(
    _sc_body,
    out_type=jax.ShapeDtypeStruct((NC, T_IN), jnp.int32),
    mesh=plsc.VectorSubcoreMesh(core_axis_name="c", subcore_axis_name="s"),
    compiler_params=pltpu.CompilerParams(
        needs_layout_passes=False, use_tc_tiling_on_sc=False),
    scratch_types=[
        pltpu.VMEM((ROWS_PER_W * T_IN,), jnp.float32),
        pltpu.VMEM((ROWS_PER_W,), jnp.int32),
        pltpu.VMEM((ROWS_PER_W, L), jnp.int32),
        pltpu.VMEM((BINS_PER_S, L), jnp.int32),
        pltpu.VMEM((BINS_PER_S,), jnp.int32),
        pltpu.VMEM_SHARED((T_IN, L), jnp.int32),
        pltpu.SemaphoreType.DMA,
        pltpu.SemaphoreType.DMA,
    ],
)


def _combine_body(p_ref, o_ref):
    o_ref[:, :] = (p_ref[0:1, :] + p_ref[1:2, :]) * 2


def kernel(att_ws):
    partial = _sc_hist(att_ws.reshape(-1))
    out = pl.pallas_call(
        _combine_body,
        out_shape=jax.ShapeDtypeStruct((1, T_IN), jnp.int32),
    )(partial)
    return out.reshape(-1)

# --- scband reference (transcript-rebuilt; emitter-appended) ---
"""Pipeline reference for scband-duration-calculator-9328668967632 (READ-ONLY COPY).

The authoritative reference and input builder live on the scoring server;
editing this copy changes nothing except your own understanding.
"""

import jax, jax.numpy as jnp
import numpy as np

REDUCTION_FACTOR = 2

def setup_inputs(seed: int = 0) -> dict:
    key = jax.random.key(seed)
    att_ws = jax.random.uniform(key, (2048, 512), dtype=jnp.float32)
    return {"att_ws": att_ws}

def reference(att_ws):
    # durations[i] = number of output frames whose argmax attention lands on input i
    idx = jnp.argmax(att_ws, axis=-1)  # [T_out]
    durations = jnp.bincount(idx, length=att_ws.shape[1])  # [T_in]
    return durations.reshape(-1) * REDUCTION_FACTOR

if __name__ == "__main__":
    import jax
    _d = setup_inputs()
    print(jax.jit(kernel)(*tuple(_d.values())))

</pallas_src>

<mosaic_0001>
#map = affine_map<(d0, d1) -> (0)>
#map1 = affine_map<(d0, d1) -> (0, 0)>
module attributes {stable_mosaic.version = 14 : i64} {
  func.func @_sc_body(%arg0: i32, %arg1: i32, %arg2: memref<1048576xf32, #tpu.memory_space<hbm>>, %arg3: memref<2x512xi32, #tpu.memory_space<hbm>>, %arg4: memref<32768xf32, #tpu.memory_space<vmem>>, %arg5: memref<64xi32, #tpu.memory_space<vmem>>, %arg6: memref<64x16xi32, #tpu.memory_space<vmem>>, %arg7: memref<32x16xi32, #tpu.memory_space<vmem>>, %arg8: memref<32xi32, #tpu.memory_space<vmem>>, %arg9: memref<512x16xi32, #tpu.memory_space<vmem_shared>>, %arg10: memref<!tpu.dma_semaphore, #tpu.memory_space<semaphore_mem>>, %arg11: memref<!tpu.dma_semaphore, #tpu.memory_space<semaphore_mem>>) attributes {dimension_semantics = [#tpu.dimension_semantics<core_parallel>, #tpu.dimension_semantics<subcore_parallel>], iteration_bounds = array<i64: 2, 16>, scalar_prefetch = 0 : i64, scratch_operands = 8 : i64, tpu.core_type = #tpu.core_type<sc_vector_subcore>, window_params = [{transform_indices = #map}, {transform_indices = #map1}]} {
    %mul3A = arith.constant 1024 : i32
    %mul3A_0 = arith.muli %arg0, %mul3A : i32
    %mul3A_1 = arith.constant 64 : i32
    %mul3A_2 = arith.muli %arg1, %mul3A_1 : i32
    %add3A = arith.addi %mul3A_0, %mul3A_2 : i32
    %mul3A_3 = arith.constant 512 : i32
    %mul3A_4 = arith.muli %add3A, %mul3A_3 : i32
    %dma_start3A = arith.constant 0 : i32
    %dma_start3A_5 = tpu.memref_slice %arg4[%dma_start3A] : memref<32768xf32, #tpu.memory_space<vmem>> -> memref<16384xf32, #tpu.memory_space<vmem>>
    %dma_start3A_6 = tpu.memref_slice %arg2[%mul3A_4] : memref<1048576xf32, #tpu.memory_space<hbm>> -> memref<16384xf32, #tpu.memory_space<hbm>>
    %dma_start3A_7 = arith.constant 0 : i32
    %dma_start3A_8 = tpu.memref_slice %arg4[%dma_start3A_7] : memref<32768xf32, #tpu.memory_space<vmem>> -> memref<16384xf32, #tpu.memory_space<vmem>>
    %dma_start3A_9 = tpu.memref_slice %arg2[%mul3A_4] : memref<1048576xf32, #tpu.memory_space<hbm>> -> memref<16384xf32, #tpu.memory_space<hbm>>
    tpu.enqueue_dma source(%dma_start3A_9 : memref<16384xf32, #tpu.memory_space<hbm>>) target(%dma_start3A_8 : memref<16384xf32, #tpu.memory_space<vmem>>) target_semaphore(%arg10 : memref<!tpu.dma_semaphore, #tpu.memory_space<semaphore_mem>>)
    %mul3A_10 = arith.constant 512 : i32
    %mul3A_11 = arith.muli %add3A, %mul3A_10 : i32
    %add3A_12 = arith.constant 16384 : i32
    %add3A_13 = arith.addi %mul3A_11, %add3A_12 : i32
    %dma_start3A_14 = arith.constant 16384 : i32
    %dma_start3A_15 = tpu.memref_slice %arg4[%dma_start3A_14] : memref<32768xf32, #tpu.memory_space<vmem>> -> memref<16384xf32, #tpu.memory_space<vmem>>
    %dma_start3A_16 = tpu.memref_slice %arg2[%add3A_13] : memref<1048576xf32, #tpu.memory_space<hbm>> -> memref<16384xf32, #tpu.memory_space<hbm>>
    %dma_start3A_17 = arith.constant 16384 : i32
    %dma_start3A_18 = tpu.memref_slice %arg4[%dma_start3A_17] : memref<32768xf32, #tpu.memory_space<vmem>> -> memref<16384xf32, #tpu.memory_space<vmem>>
    %dma_start3A_19 = tpu.memref_slice %arg2[%add3A_13] : memref<1048576xf32, #tpu.memory_space<hbm>> -> memref<16384xf32, #tpu.memory_space<hbm>>
    tpu.enqueue_dma source(%dma_start3A_19 : memref<16384xf32, #tpu.memory_space<hbm>>) target(%dma_start3A_18 : memref<16384xf32, #tpu.memory_space<vmem>>) target_semaphore(%arg11 : memref<!tpu.dma_semaphore, #tpu.memory_space<semaphore_mem>>)
    %iota3A = tpu.iota {dimensions = array<i32: 0>} : vector<16xi32>
    %broadcast_in_dim3A = arith.constant 1 : i32
    %broadcast_in_dim3A_20 = vector.broadcast %broadcast_in_dim3A : i32 to vector<16xi32>
    %swap3A = arith.constant 0 : i32
    %swap3A_21 = arith.index_cast %swap3A : i32 to index
    %swap3A_22 = arith.constant 0 : index
    %swap3A_23 = tpu.vector_load %arg6[%swap3A_21, %swap3A_22] {strides = array<i32>} : memref<64x16xi32, #tpu.memory_space<vmem>>, vector<16xi32>,
    tpu.vector_store %arg6[%swap3A_21, %swap3A_22], %broadcast_in_dim3A_20 {strides = array<i32>} : memref<64x16xi32, #tpu.memory_space<vmem>>, vector<16xi32>,
    %swap3A_24 = arith.constant 1 : i32
    %swap3A_25 = arith.index_cast %swap3A_24 : i32 to index
    %swap3A_26 = arith.constant 0 : index
    %swap3A_27 = tpu.vector_load %arg6[%swap3A_25, %swap3A_26] {strides = array<i32>} : memref<64x16xi32, #tpu.memory_space<vmem>>, vector<16xi32>,
    tpu.vector_store %arg6[%swap3A_25, %swap3A_26], %broadcast_in_dim3A_20 {strides = array<i32>} : memref<64x16xi32, #tpu.memory_space<vmem>>, vector<16xi32>,
    %swap3A_28 = arith.constant 2 : i32
    %swap3A_29 = arith.index_cast %swap3A_28 : i32 to index
    %swap3A_30 = arith.constant 0 : index
    %swap3A_31 = tpu.vector_load %arg6[%swap3A_29, %swap3A_30] {strides = array<i32>} : memref<64x16xi32, #tpu.memory_space<vmem>>, vector<16xi32>,
    tpu.vector_store %arg6[%swap3A_29, %swap3A_30], %broadcast_in_dim3A_20 {strides = array<i32>} : memref<64x16xi32, #tpu.memory_space<vmem>>, vector<16xi32>,
    %swap3A_32 = arith.constant 3 : i32
    %swap3A_33 = arith.index_cast %swap3A_32 : i32 to index
    %swap3A_34 = arith.constant 0 : index
    %swap3A_35 = tpu.vector_load %arg6[%swap3A_33, %swap3A_34] {strides = array<i32>} : memref<64x16xi32, #tpu.memory_space<vmem>>, vector<16xi32>,
    tpu.vector_store %arg6[%swap3A_33, %swap3A_34], %broadcast_in_dim3A_20 {strides = array<i32>} : memref<64x16xi32, #tpu.memory_space<vmem>>, vector<16xi32>,
    %swap3A_36 = arith.constant 4 : i32
    %swap3A_37 = arith.index_cast %swap3A_36 : i32 to index
    %swap3A_38 = arith.constant 0 : index
    %swap3A_39 = tpu.vector_load %arg6[%swap3A_37, %swap3A_38] {strides = array<i32>} : memref<64x16xi32, #tpu.memory_space<vmem>>, vector<16xi32>,
    tpu.vector_store %arg6[%swap3A_37, %swap3A_38], %broadcast_in_dim3A_20 {strides = array<i32>} : memref<64x16xi32, #tpu.memory_space<vmem>>, vector<16xi32>,
    %swap3A_40 = arith.constant 5 : i32
    %swap3A_41 = arith.index_cast %swap3A_40 : i32 to index
    %swap3A_42 = arith.constant 0 : index
    %swap3A_43 = tpu.vector_load %arg6[%swap3A_41, %swap3A_42] {strides = array<i32>} : memref<64x16xi32, #tpu.memory_space<vmem>>, vector<16xi32>,
    tpu.vector_store %arg6[%swap3A_41, %swap3A_42], %broadcast_in_dim3A_20 {strides = array<i32>} : memref<64x16xi32, #tpu.memory_space<vmem>>, vector<16xi32>,
    %swap3A_44 = arith.constant 6 : i32
    %swap3A_45 = arith.index_cast %swap3A_44 : i32 to index
    %swap3A_46 = arith.constant 0 : index
    %swap3A_47 = tpu.vector_load %arg6[%swap3A_45, %swap3A_46] {strides = array<i32>} : memref<64x16xi32, #tpu.memory_space<vmem>>, vector<16xi32>,
    tpu.vector_store %arg6[%swap3A_45, %swap3A_46], %broadcast_in_dim3A_20 {strides = array<i32>} : memref<64x16xi32, #tpu.memory_space<vmem>>, vector<16xi32>,
    %swap3A_48 = arith.constant 7 : i32
    %swap3A_49 = arith.index_cast %swap3A_48 : i32 to index
    %swap3A_50 = arith.constant 0 : index
    %swap3A_51 = tpu.vector_load %arg6[%swap3A_49, %swap3A_50] {strides = array<i32>} : memref<64x16xi32, #tpu.memory_space<vmem>>, vector<16xi32>,
    tpu.vector_store %arg6[%swap3A_49, %swap3A_50], %broadcast_in_dim3A_20 {strides = array<i32>} : memref<64x16xi32, #tpu.memory_space<vmem>>, vector<16xi32>,
    %swap3A_52 = arith.constant 8 : i32
    %swap3A_53 = arith.index_cast %swap3A_52 : i32 to index
    %swap3A_54 = arith.constant 0 : index
    %swap3A_55 = tpu.vector_load %arg6[%swap3A_53, %swap3A_54] {strides = array<i32>} : memref<64x16xi32, #tpu.memory_space<vmem>>, vector<16xi32>,
    tpu.vector_store %arg6[%swap3A_53, %swap3A_54], %broadcast_in_dim3A_20 {strides = array<i32>} : memref<64x16xi32, #tpu.memory_space<vmem>>, vector<16xi32>,
    %swap3A_56 = arith.constant 9 : i32
    %swap3A_57 = arith.index_cast %swap3A_56 : i32 to index
    %swap3A_58 = arith.constant 0 : index
    %swap3A_59 = tpu.vector_load %arg6[%swap3A_57, %swap3A_58] {strides = array<i32>} : memref<64x16xi32, #tpu.memory_space<vmem>>, vector<16xi32>,
    tpu.vector_store %arg6[%swap3A_57, %swap3A_58], %broadcast_in_dim3A_20 {strides = array<i32>} : memref<64x16xi32, #tpu.memory_space<vmem>>, vector<16xi32>,
    %swap3A_60 = arith.constant 10 : i32
    %swap3A_61 = arith.index_cast %swap3A_60 : i32 to index
    %swap3A_62 = arith.constant 0 : index
    %swap3A_63 = tpu.vector_load %arg6[%swap3A_61, %swap3A_62] {strides = array<i32>} : memref<64x16xi32, #tpu.memory_space<vmem>>, vector<16xi32>,
    tpu.vector_store %arg6[%swap3A_61, %swap3A_62], %broadcast_in_dim3A_20 {strides = array<i32>} : memref<64x16xi32, #tpu.memory_space<vmem>>, vector<16xi32>,
    %swap3A_64 = arith.constant 11 : i32
    %swap3A_65 = arith.index_cast %swap3A_64 : i32 to index
    %swap3A_66 = arith.constant 0 : index
    %swap3A_67 = tpu.vector_load %arg6[%swap3A_65, %swap3A_66] {strides = array<i32>} : memref<64x16xi32, #tpu.memory_space<vmem>>, vector<16xi32>,
    tpu.vector_store %arg6[%swap3A_65, %swap3A_66], %broadcast_in_dim3A_20 {strides = array<i32>} : memref<64x16xi32, #tpu.memory_space<vmem>>, vector<16xi32>,
    %swap3A_68 = arith.constant 12 : i32
    %swap3A_69 = arith.index_cast %swap3A_68 : i32 to index
    %swap3A_70 = arith.constant 0 : index
    %swap3A_71 = tpu.vector_load %arg6[%swap3A_69, %swap3A_70] {strides = array<i32>} : memref<64x16xi32, #tpu.memory_space<vmem>>, vector<16xi32>,
    tpu.vector_store %arg6[%swap3A_69, %swap3A_70], %broadcast_in_dim3A_20 {strides = array<i32>} : memref<64x16xi32, #tpu.memory_space<vmem>>, vector<16xi32>,
    %swap3A_72 = arith.constant 13 : i32
    %swap3A_73 = arith.index_cast %swap3A_72 : i32 to index
    %swap3A_74 = arith.constant 0 : index
    %swap3A_75 = tpu.vector_load %arg6[%swap3A_73, %swap3A_74] {strides = array<i32>} : memref<64x16xi32, #tpu.memory_space<vmem>>, vector<16xi32>,
    tpu.vector_store %arg6[%swap3A_73, %swap3A_74], %broadcast_in_dim3A_20 {strides = array<i32>} : memref<64x16xi32, #tpu.memory_space<vmem>>, vector<16xi32>,
    %swap3A_76 = arith.constant 14 : i32
    %swap3A_77 = arith.index_cast %swap3A_76 : i32 to index
    %swap3A_78 = arith.constant 0 : index
    %swap3A_79 = tpu.vector_load %arg6[%swap3A_77, %swap3A_78] {strides = array<i32>} : memref<64x16xi32, #tpu.memory_space<vmem>>, vector<16xi32>,
    tpu.vector_store %arg6[%swap3A_77, %swap3A_78], %broadcast_in_dim3A_20 {strides = array<i32>} : memref<64x16xi32, #tpu.memory_space<vmem>>, vector<16xi32>,
    %swap3A_80 = arith.constant 15 : i32
    %swap3A_81 = arith.index_cast %swap3A_80 : i32 to index
    %swap3A_82 = arith.constant 0 : index
    %swap3A_83 = tpu.vector_load %arg6[%swap3A_81, %swap3A_82] {strides = array<i32>} : memref<64x16xi32, #tpu.memory_space<vmem>>, vector<16xi32>,
    tpu.vector_store %arg6[%swap3A_81, %swap3A_82], %broadcast_in_dim3A_20 {strides = array<i32>} : memref<64x16xi32, #tpu.memory_space<vmem>>, vector<16xi32>,
    %swap3A_84 = arith.constant 16 : i32
    %swap3A_85 = arith.index_cast %swap3A_84 : i32 to index
    %swap3A_86 = arith.constant 0 : index
    %swap3A_87 = tpu.vector_load %arg6[%swap3A_85, %swap3A_86] {strides = array<i32>} : memref<64x16xi32, #tpu.memory_space<vmem>>, vector<16xi32>,
    tpu.vector_store %arg6[%swap3A_85, %swap3A_86], %broadcast_in_dim3A_20 {strides = array<i32>} : memref<64x16xi32, #tpu.memory_space<vmem>>, vector<16xi32>,
    %swap3A_88 = arith.constant 17 : i32
    %swap3A_89 = arith.index_cast %swap3A_88 : i32 to index
    %swap3A_90 = arith.constant 0 : index
    %swap3A_91 = tpu.vector_load %arg6[%swap3A_89, %swap3A_90] {strides = array<i32>} : memref<64x16xi32, #tpu.memory_space<vmem>>, vector<16xi32>,
    tpu.vector_store %arg6[%swap3A_89, %swap3A_90], %broadcast_in_dim3A_20 {strides = array<i32>} : memref<64x16xi32, #tpu.memory_space<vmem>>, vector<16xi32>,
    %swap3A_92 = arith.constant 18 : i32
    %swap3A_93 = arith.index_cast %swap3A_92 : i32 to index
    %swap3A_94 = arith.constant 0 : index
    %swap3A_95 = tpu.vector_load %arg6[%swap3A_93, %swap3A_94] {strides = array<i32>} : memref<64x16xi32, #tpu.memory_space<vmem>>, vector<16xi32>,
    tpu.vector_store %arg6[%swap3A_93, %swap3A_94], %broadcast_in_dim3A_20 {strides = array<i32>} : memref<64x16xi32, #tpu.memory_space<vmem>>, vector<16xi32>,
    %swap3A_96 = arith.constant 19 : i32
    %swap3A_97 = arith.index_cast %swap3A_96 : i32 to index
    %swap3A_98 = arith.constant 0 : index
    %swap3A_99 = tpu.vector_load %arg6[%swap3A_97, %swap3A_98] {strides = array<i32>} : memref<64x16xi32, #tpu.memory_space<vmem>>, vector<16xi32>,
    tpu.vector_store %arg6[%swap3A_97, %swap3A_98], %broadcast_in_dim3A_20 {strides = array<i32>} : memref<64x16xi32, #tpu.memory_space<vmem>>, vector<16xi32>,
    %swap3A_100 = arith.constant 20 : i32
    %swap3A_101 = arith.index_cast %swap3A_100 : i32 to index
    %swap3A_102 = arith.constant 0 : index
    %swap3A_103 = tpu.vector_load %arg6[%swap3A_101, %swap3A_102] {strides = array<i32>} : memref<64x16xi32, #tpu.memory_space<vmem>>, vector<16xi32>,
    tpu.vector_store %arg6[%swap3A_101, %swap3A_102], %broadcast_in_dim3A_20 {strides = array<i32>} : memref<64x16xi32, #tpu.memory_space<vmem>>, vector<16xi32>,
    %swap3A_104 = arith.constant 21 : i32
    %swap3A_105 = arith.index_cast %swap3A_104 : i32 to index
    %swap3A_106 = arith.constant 0 : index
    %swap3A_107 = tpu.vector_load %arg6[%swap3A_105, %swap3A_106] {strides = array<i32>} : memref<64x16xi32, #tpu.memory_space<vmem>>, vector<16xi32>,
    tpu.vector_store %arg6[%swap3A_105, %swap3A_106], %broadcast_in_dim3A_20 {strides = array<i32>} : memref<64x16xi32, #tpu.memory_space<vmem>>, vector<16xi32>,
    %swap3A_108 = arith.constant 22 : i32
    %swap3A_109 = arith.index_cast %swap3A_108 : i32 to index
    %swap3A_110 = arith.constant 0 : index
    %swap3A_111 = tpu.vector_load %arg6[%swap3A_109, %swap3A_110] {strides = array<i32>} : memref<64x16xi32, #tpu.memory_space<vmem>>, vector<16xi32>,
    tpu.vector_store %arg6[%swap3A_109, %swap3A_110], %broadcast_in_dim3A_20 {strides = array<i32>} : memref<64x16xi32, #tpu.memory_space<vmem>>, vector<16xi32>,
    %swap3A_112 = arith.constant 23 : i32
    %swap3A_113 = arith.index_cast %swap3A_112 : i32 to index
    %swap3A_114 = arith.constant 0 : index
    %swap3A_115 = tpu.vector_load %arg6[%swap3A_113, %swap3A_114] {strides = array<i32>} : memref<64x16xi32, #tpu.memory_space<vmem>>, vector<16xi32>,
    tpu.vector_store %arg6[%swap3A_113, %swap3A_114], %broadcast_in_dim3A_20 {strides = array<i32>} : memref<64x16xi32, #tpu.memory_space<vmem>>, vector<16xi32>,
    %swap3A_116 = arith.constant 24 : i32
    %swap3A_117 = arith.index_cast %swap3A_116 : i32 to index
    %swap3A_118 = arith.constant 0 : index
    %swap3A_119 = tpu.vector_load %arg6[%swap3A_117, %swap3A_118] {strides = array<i32>} : memref<64x16xi32, #tpu.memory_space<vmem>>, vector<16xi32>,
    tpu.vector_store %arg6[%swap3A_117, %swap3A_118], %broadcast_in_dim3A_20 {strides = array<i32>} : memref<64x16xi32, #tpu.memory_space<vmem>>, vector<16xi32>,
    %swap3A_120 = arith.constant 25 : i32
    %swap3A_121 = arith.index_cast %swap3A_120 : i32 to index
    %swap3A_122 = arith.constant 0 : index
    %swap3A_123 = tpu.vector_load %arg6[%swap3A_121, %swap3A_122] {strides = array<i32>} : memref<64x16xi32, #tpu.memory_space<vmem>>, vector<16xi32>,
    tpu.vector_store %arg6[%swap3A_121, %swap3A_122], %broadcast_in_dim3A_20 {strides = array<i32>} : memref<64x16xi32, #tpu.memory_space<vmem>>, vector<16xi32>,
    %swap3A_124 = arith.constant 26 : i32
    %swap3A_125 = arith.index_cast %swap3A_124 : i32 to index
    %swap3A_126 = arith.constant 0 : index
    %swap3A_127 = tpu.vector_load %arg6[%swap3A_125, %swap3A_126] {strides = array<i32>} : memref<64x16xi32, #tpu.memory_space<vmem>>, vector<16xi32>,
    tpu.vector_store %arg6[%swap3A_125, %swap3A_126], %broadcast_in_dim3A_20 {strides = array<i32>} : memref<64x16xi32, #tpu.memory_space<vmem>>, vector<16xi32>,
    %swap3A_128 = arith.constant 27 : i32
    %swap3A_129 = arith.index_cast %swap3A_128 : i32 to index
    %swap3A_130 = arith.constant 0 : index
    %swap3A_131 = tpu.vector_load %arg6[%swap3A_129, %swap3A_130] {strides = array<i32>} : memref<64x16xi32, #tpu.memory_space<vmem>>, vector<16xi32>,
    tpu.vector_store %arg6[%swap3A_129, %swap3A_130], %broadcast_in_dim3A_20 {strides = array<i32>} : memref<64x16xi32, #tpu.memory_space<vmem>>, vector<16xi32>,
    %swap3A_132 = arith.constant 28 : i32
    %swap3A_133 = arith.index_cast %swap3A_132 : i32 to index
    %swap3A_134 = arith.constant 0 : index
    %swap3A_135 = tpu.vector_load %arg6[%swap3A_133, %swap3A_134] {strides = array<i32>} : memref<64x16xi32, #tpu.memory_space<vmem>>, vector<16xi32>,
    tpu.vector_store %arg6[%swap3A_133, %swap3A_134], %broadcast_in_dim3A_20 {strides = array<i32>} : memref<64x16xi32, #tpu.memory_space<vmem>>, vector<16xi32>,
    %swap3A_136 = arith.constant 29 : i32
    %swap3A_137 = arith.index_cast %swap3A_136 : i32 to index
    %swap3A_138 = arith.constant 0 : index
    %swap3A_139 = tpu.vector_load %arg6[%swap3A_137, %swap3A_138] {strides = array<i32>} : memref<64x16xi32, #tpu.memory_space<vmem>>, vector<16xi32>,
    tpu.vector_store %arg6[%swap3A_137, %swap3A_138], %broadcast_in_dim3A_20 {strides = array<i32>} : memref<64x16xi32, #tpu.memory_space<vmem>>, vector<16xi32>,
    %swap3A_140 = arith.constant 30 : i32
    %swap3A_141 = arith.index_cast %swap3A_140 : i32 to index
    %swap3A_142 = arith.constant 0 : index
    %swap3A_143 = tpu.vector_load %arg6[%swap3A_141, %swap3A_142] {strides = array<i32>} : memref<64x16xi32, #tpu.memory_space<vmem>>, vector<16xi32>,
    tpu.vector_store %arg6[%swap3A_141, %swap3A_142], %broadcast_in_dim3A_20 {strides = array<i32>} : memref<64x16xi32, #tpu.memory_space<vmem>>, vector<16xi32>,
    %swap3A_144 = arith.constant 31 : i32
    %swap3A_145 = arith.index_cast %swap3A_144 : i32 to index
    %swap3A_146 = arith.constant 0 : index
    %swap3A_147 = tpu.vector_load %arg6[%swap3A_145, %swap3A_146] {strides = array<i32>} : memref<64x16xi32, #tpu.memory_space<vmem>>, vector<16xi32>,
    tpu.vector_store %arg6[%swap3A_145, %swap3A_146], %broadcast_in_dim3A_20 {strides = array<i32>} : memref<64x16xi32, #tpu.memory_space<vmem>>, vector<16xi32>,
    %swap3A_148 = arith.constant 32 : i32
    %swap3A_149 = arith.index_cast %swap3A_148 : i32 to index
    %swap3A_150 = arith.constant 0 : index
    %swap3A_151 = tpu.vector_load %arg6[%swap3A_149, %swap3A_150] {strides = array<i32>} : memref<64x16xi32, #tpu.memory_space<vmem>>, vector<16xi32>,
    tpu.vector_store %arg6[%swap3A_149, %swap3A_150], %broadcast_in_dim3A_20 {strides = array<i32>} : memref<64x16xi32, #tpu.memory_space<vmem>>, vector<16xi32>,
    %swap3A_152 = arith.constant 33 : i32
    %swap3A_153 = arith.index_cast %swap3A_152 : i32 to index
    %swap3A_154 = arith.constant 0 : index
    %swap3A_155 = tpu.vector_load %arg6[%swap3A_153, %swap3A_154] {strides = array<i32>} : memref<64x16xi32, #tpu.memory_space<vmem>>, vector<16xi32>,
    tpu.vector_store %arg6[%swap3A_153, %swap3A_154], %broadcast_in_dim3A_20 {strides = array<i32>} : memref<64x16xi32, #tpu.memory_space<vmem>>, vector<16xi32>,
    %swap3A_156 = arith.constant 34 : i32
    %swap3A_157 = arith.index_cast %swap3A_156 : i32 to index
    %swap3A_158 = arith.constant 0 : index
    %swap3A_159 = tpu.vector_load %arg6[%swap3A_157, %swap3A_158] {strides = array<i32>} : memref<64x16xi32, #tpu.memory_space<vmem>>, vector<16xi32>,
    tpu.vector_store %arg6[%swap3A_157, %swap3A_158], %broadcast_in_dim3A_20 {strides = array<i32>} : memref<64x16xi32, #tpu.memory_space<vmem>>, vector<16xi32>,
    %swap3A_160 = arith.constant 35 : i32
    %swap3A_161 = arith.index_cast %swap3A_160 : i32 to index
    %swap3A_162 = arith.constant 0 : index
    %swap3A_163 = tpu.vector_load %arg6[%swap3A_161, %swap3A_162] {strides = array<i32>} : memref<64x16xi32, #tpu.memory_space<vmem>>, vector<16xi32>,
    tpu.vector_store %arg6[%swap3A_161, %swap3A_162], %broadcast_in_dim3A_20 {strides = array<i32>} : memref<64x16xi32, #tpu.memory_space<vmem>>, vector<16xi32>,
    %swap3A_164 = arith.constant 36 : i32
    %swap3A_165 = arith.index_cast %swap3A_164 : i32 to index
    %swap3A_166 = arith.constant 0 : index
    %swap3A_167 = tpu.vector_load %arg6[%swap3A_165, %swap3A_166] {strides = array<i32>} : memref<64x16xi32, #tpu.memory_space<vmem>>, vector<16xi32>,
    tpu.vector_store %arg6[%swap3A_165, %swap3A_166], %broadcast_in_dim3A_20 {strides = array<i32>} : memref<64x16xi32, #tpu.memory_space<vmem>>, vector<16xi32>,
    %swap3A_168 = arith.constant 37 : i32
    %swap3A_169 = arith.index_cast %swap3A_168 : i32 to index
    %swap3A_170 = arith.constant 0 : index
    %swap3A_171 = tpu.vector_load %arg6[%swap3A_169, %swap3A_170] {strides = array<i32>} : memref<64x16xi32, #tpu.memory_space<vmem>>, vector<16xi32>,
    tpu.vector_store %arg6[%swap3A_169, %swap3A_170], %broadcast_in_dim3A_20 {strides = array<i32>} : memref<64x16xi32, #tpu.memory_space<vmem>>, vector<16xi32>,
    %swap3A_172 = arith.constant 38 : i32
    %swap3A_173 = arith.index_cast %swap3A_172 : i32 to index
    %swap3A_174 = arith.constant 0 : index
    %swap3A_175 = tpu.vector_load %arg6[%swap3A_173, %swap3A_174] {strides = array<i32>} : memref<64x16xi32, #tpu.memory_space<vmem>>, vector<16xi32>,
    tpu.vector_store %arg6[%swap3A_173, %swap3A_174], %broadcast_in_dim3A_20 {strides = array<i32>} : memref<64x16xi32, #tpu.memory_space<vmem>>, vector<16xi32>,
    %swap3A_176 = arith.constant 39 : i32
    %swap3A_177 = arith.index_cast %swap3A_176 : i32 to index
    %swap3A_178 = arith.constant 0 : index
    %swap3A_179 = tpu.vector_load %arg6[%swap3A_177, %swap3A_178] {strides = array<i32>} : memref<64x16xi32, #tpu.memory_space<vmem>>, vector<16xi32>,
    tpu.vector_store %arg6[%swap3A_177, %swap3A_178], %broadcast_in_dim3A_20 {strides = array<i32>} : memref<64x16xi32, #tpu.memory_space<vmem>>, vector<16xi32>,
    %swap3A_180 = arith.constant 40 : i32
    %swap3A_181 = arith.index_cast %swap3A_180 : i32 to index
    %swap3A_182 = arith.constant 0 : index
    %swap3A_183 = tpu.vector_load %arg6[%swap3A_181, %swap3A_182] {strides = array<i32>} : memref<64x16xi32, #tpu.memory_space<vmem>>, vector<16xi32>,
    tpu.vector_store %arg6[%swap3A_181, %swap3A_182], %broadcast_in_dim3A_20 {strides = array<i32>} : memref<64x16xi32, #tpu.memory_space<vmem>>, vector<16xi32>,
    %swap3A_184 = arith.constant 41 : i32
    %swap3A_185 = arith.index_cast %swap3A_184 : i32 to index
    %swap3A_186 = arith.constant 0 : index
    %swap3A_187 = tpu.vector_load %arg6[%swap3A_185, %swap3A_186] {strides = array<i32>} : memref<64x16xi32, #tpu.memory_space<vmem>>, vector<16xi32>,
    tpu.vector_store %arg6[%swap3A_185, %swap3A_186], %broadcast_in_dim3A_20 {strides = array<i32>} : memref<64x16xi32, #tpu.memory_space<vmem>>, vector<16xi32>,
    %swap3A_188 = arith.constant 42 : i32
    %swap3A_189 = arith.index_cast %swap3A_188 : i32 to index
    %swap3A_190 = arith.constant 0 : index
    %swap3A_191 = tpu.vector_load %arg6[%swap3A_189, %swap3A_190] {strides = array<i32>} : memref<64x16xi32, #tpu.memory_space<vmem>>, vector<16xi32>,
    tpu.vector_store %arg6[%swap3A_189, %swap3A_190], %broadcast_in_dim3A_20 {strides = array<i32>} : memref<64x16xi32, #tpu.memory_space<vmem>>, vector<16xi32>,
    %swap3A_192 = arith.constant 43 : i32
    %swap3A_193 = arith.index_cast %swap3A_192 : i32 to index
    %swap3A_194 = arith.constant 0 : index
    %swap3A_195 = tpu.vector_load %arg6[%swap3A_193, %swap3A_194] {strides = array<i32>} : memref<64x16xi32, #tpu.memory_space<vmem>>, vector<16xi32>,
    tpu.vector_store %arg6[%swap3A_193, %swap3A_194], %broadcast_in_dim3A_20 {strides = array<i32>} : memref<64x16xi32, #tpu.memory_space<vmem>>, vector<16xi32>,
    %swap3A_196 = arith.constant 44 : i32
    %swap3A_197 = arith.index_cast %swap3A_196 : i32 to index
    %swap3A_198 = arith.constant 0 : index
    %swap3A_199 = tpu.vector_load %arg6[%swap3A_197, %swap3A_198] {strides = array<i32>} : memref<64x16xi32, #tpu.memory_space<vmem>>, vector<16xi32>,
    tpu.vector_store %arg6[%swap3A_197, %swap3A_198], %broadcast_in_dim3A_20 {strides = array<i32>} : memref<64x16xi32, #tpu.memory_space<vmem>>, vector<16xi32>,
    %swap3A_200 = arith.constant 45 : i32
    %swap3A_201 = arith.index_cast %swap3A_200 : i32 to index
    %swap3A_202 = arith.constant 0 : index
    %swap3A_203 = tpu.vector_load %arg6[%swap3A_201, %swap3A_202] {strides = array<i32>} : memref<64x16xi32, #tpu.memory_space<vmem>>, vector<16xi32>,
    tpu.vector_store %arg6[%swap3A_201, %swap3A_202], %broadcast_in_dim3A_20 {strides = array<i32>} : memref<64x16xi32, #tpu.memory_space<vmem>>, vector<16xi32>,
    %swap3A_204 = arith.constant 46 : i32
    %swap3A_205 = arith.index_cast %swap3A_204 : i32 to index
    %swap3A_206 = arith.constant 0 : index
    %swap3A_207 = tpu.vector_load %arg6[%swap3A_205, %swap3A_206] {strides = array<i32>} : memref<64x16xi32, #tpu.memory_space<vmem>>, vector<16xi32>,
    tpu.vector_store %arg6[%swap3A_205, %swap3A_206], %broadcast_in_dim3A_20 {strides = array<i32>} : memref<64x16xi32, #tpu.memory_space<vmem>>, vector<16xi32>,
    %swap3A_208 = arith.constant 47 : i32
    %swap3A_209 = arith.index_cast %swap3A_208 : i32 to index
    %swap3A_210 = arith.constant 0 : index
    %swap3A_211 = tpu.vector_load %arg6[%swap3A_209, %swap3A_210] {strides = array<i32>} : memref<64x16xi32, #tpu.memory_space<vmem>>, vector<16xi32>,
    tpu.vector_store %arg6[%swap3A_209, %swap3A_210], %broadcast_in_dim3A_20 {strides = array<i32>} : memref<64x16xi32, #tpu.memory_space<vmem>>, vector<16xi32>,
    %swap3A_212 = arith.constant 48 : i32
    %swap3A_213 = arith.index_cast %swap3A_212 : i32 to index
    %swap3A_214 = arith.constant 0 : index
    %swap3A_215 = tpu.vector_load %arg6[%swap3A_213, %swap3A_214] {strides = array<i32>} : memref<64x16xi32, #tpu.memory_space<vmem>>, vector<16xi32>,
    tpu.vector_store %arg6[%swap3A_213, %swap3A_214], %broadcast_in_dim3A_20 {strides = array<i32>} : memref<64x16xi32, #tpu.memory_space<vmem>>, vector<16xi32>,
    %swap3A_216 = arith.constant 49 : i32
    %swap3A_217 = arith.index_cast %swap3A_216 : i32 to index
    %swap3A_218 = arith.constant 0 : index
    %swap3A_219 = tpu.vector_load %arg6[%swap3A_217, %swap3A_218] {strides = array<i32>} : memref<64x16xi32, #tpu.memory_space<vmem>>, vector<16xi32>,
    tpu.vector_store %arg6[%swap3A_217, %swap3A_218], %broadcast_in_dim3A_20 {strides = array<i32>} : memref<64x16xi32, #tpu.memory_space<vmem>>, vector<16xi32>,
    %swap3A_220 = arith.constant 50 : i32
    %swap3A_221 = arith.index_cast %swap3A_220 : i32 to index
    %swap3A_222 = arith.constant 0 : index
    %swap3A_223 = tpu.vector_load %arg6[%swap3A_221, %swap3A_222] {strides = array<i32>} : memref<64x16xi32, #tpu.memory_space<vmem>>, vector<16xi32>,
    tpu.vector_store %arg6[%swap3A_221, %swap3A_222], %broadcast_in_dim3A_20 {strides = array<i32>} : memref<64x16xi32, #tpu.memory_space<vmem>>, vector<16xi32>,
    %swap3A_224 = arith.constant 51 : i32
    %swap3A_225 = arith.index_cast %swap3A_224 : i32 to index
    %swap3A_226 = arith.constant 0 : index
    %swap3A_227 = tpu.vector_load %arg6[%swap3A_225, %swap3A_226] {strides = array<i32>} : memref<64x16xi32, #tpu.memory_space<vmem>>, vector<16xi32>,
    tpu.vector_store %arg6[%swap3A_225, %swap3A_226], %broadcast_in_dim3A_20 {strides = array<i32>} : memref<64x16xi32, #tpu.memory_space<vmem>>, vector<16xi32>,
    %swap3A_228 = arith.constant 52 : i32
    %swap3A_229 = arith.index_cast %swap3A_228 : i32 to index
    %swap3A_230 = arith.constant 0 : index
    %swap3A_231 = tpu.vector_load %arg6[%swap3A_229, %swap3A_230] {strides = array<i32>} : memref<64x16xi32, #tpu.memory_space<vmem>>, vector<16xi32>,
    tpu.vector_store %arg6[%swap3A_229, %swap3A_230], %broadcast_in_dim3A_20 {strides = array<i32>} : memref<64x16xi32, #tpu.memory_space<vmem>>, vector<16xi32>,
    %swap3A_232 = arith.constant 53 : i32
    %swap3A_233 = arith.index_cast %swap3A_232 : i32 to index
    %swap3A_234 = arith.constant 0 : index
    %swap3A_235 = tpu.vector_load %arg6[%swap3A_233, %swap3A_234] {strides = array<i32>} : memref<64x16xi32, #tpu.memory_space<vmem>>, vector<16xi32>,
    tpu.vector_store %arg6[%swap3A_233, %swap3A_234], %broadcast_in_dim3A_20 {strides = array<i32>} : memref<64x16xi32, #tpu.memory_space<vmem>>, vector<16xi32>,
    %swap3A_236 = arith.constant 54 : i32
    %swap3A_237 = arith.index_cast %swap3A_236 : i32 to index
    %swap3A_238 = arith.constant 0 : index
    %swap3A_239 = tpu.vector_load %arg6[%swap3A_237, %swap3A_238] {strides = array<i32>} : memref<64x16xi32, #tpu.memory_space<vmem>>, vector<16xi32>,
    tpu.vector_store %arg6[%swap3A_237, %swap3A_238], %broadcast_in_dim3A_20 {strides = array<i32>} : memref<64x16xi32, #tpu.memory_space<vmem>>, vector<16xi32>,
    %swap3A_240 = arith.constant 55 : i32
    %swap3A_241 = arith.index_cast %swap3A_240 : i32 to index
    %swap3A_242 = arith.constant 0 : index
    %swap3A_243 = tpu.vector_load %arg6[%swap3A_241, %swap3A_242] {strides = array<i32>} : memref<64x16xi32, #tpu.memory_space<vmem>>, vector<16xi32>,
    tpu.vector_store %arg6[%swap3A_241, %swap3A_242], %broadcast_in_dim3A_20 {strides = array<i32>} : memref<64x16xi32, #tpu.memory_space<vmem>>, vector<16xi32>,
    %swap3A_244 = arith.constant 56 : i32
    %swap3A_245 = arith.index_cast %swap3A_244 : i32 to index
    %swap3A_246 = arith.constant 0 : index
    %swap3A_247 = tpu.vector_load %arg6[%swap3A_245, %swap3A_246] {strides = array<i32>} : memref<64x16xi32, #tpu.memory_space<vmem>>, vector<16xi32>,
    tpu.vector_store %arg6[%swap3A_245, %swap3A_246], %broadcast_in_dim3A_20 {strides = array<i32>} : memref<64x16xi32, #tpu.memory_space<vmem>>, vector<16xi32>,
    %swap3A_248 = arith.constant 57 : i32
    %swap3A_249 = arith.index_cast %swap3A_248 : i32 to index
    %swap3A_250 = arith.constant 0 : index
    %swap3A_251 = tpu.vector_load %arg6[%swap3A_249, %swap3A_250] {strides = array<i32>} : memref<64x16xi32, #tpu.memory_space<vmem>>, vector<16xi32>,
    tpu.vector_store %arg6[%swap3A_249, %swap3A_250], %broadcast_in_dim3A_20 {strides = array<i32>} : memref<64x16xi32, #tpu.memory_space<vmem>>, vector<16xi32>,
    %swap3A_252 = arith.constant 58 : i32
    %swap3A_253 = arith.index_cast %swap3A_252 : i32 to index
    %swap3A_254 = arith.constant 0 : index
    %swap3A_255 = tpu.vector_load %arg6[%swap3A_253, %swap3A_254] {strides = array<i32>} : memref<64x16xi32, #tpu.memory_space<vmem>>, vector<16xi32>,
    tpu.vector_store %arg6[%swap3A_253, %swap3A_254], %broadcast_in_dim3A_20 {strides = array<i32>} : memref<64x16xi32, #tpu.memory_space<vmem>>, vector<16xi32>,
    %swap3A_256 = arith.constant 59 : i32
    %swap3A_257 = arith.index_cast %swap3A_256 : i32 to index
    %swap3A_258 = arith.constant 0 : index
    %swap3A_259 = tpu.vector_load %arg6[%swap3A_257, %swap3A_258] {strides = array<i32>} : memref<64x16xi32, #tpu.memory_space<vmem>>, vector<16xi32>,
    tpu.vector_store %arg6[%swap3A_257, %swap3A_258], %broadcast_in_dim3A_20 {strides = array<i32>} : memref<64x16xi32, #tpu.memory_space<vmem>>, vector<16xi32>,
    %swap3A_260 = arith.constant 60 : i32
    %swap3A_261 = arith.index_cast %swap3A_260 : i32 to index
    %swap3A_262 = arith.constant 0 : index
    %swap3A_263 = tpu.vector_load %arg6[%swap3A_261, %swap3A_262] {strides = array<i32>} : memref<64x16xi32, #tpu.memory_space<vmem>>, vector<16xi32>,
    tpu.vector_store %arg6[%swap3A_261, %swap3A_262], %broadcast_in_dim3A_20 {strides = array<i32>} : memref<64x16xi32, #tpu.memory_space<vmem>>, vector<16xi32>,
    %swap3A_264 = arith.constant 61 : i32
    %swap3A_265 = arith.index_cast %swap3A_264 : i32 to index
    %swap3A_266 = arith.constant 0 : index
    %swap3A_267 = tpu.vector_load %arg6[%swap3A_265, %swap3A_266] {strides = array<i32>} : memref<64x16xi32, #tpu.memory_space<vmem>>, vector<16xi32>,
    tpu.vector_store %arg6[%swap3A_265, %swap3A_266], %broadcast_in_dim3A_20 {strides = array<i32>} : memref<64x16xi32, #tpu.memory_space<vmem>>, vector<16xi32>,
    %swap3A_268 = arith.constant 62 : i32
    %swap3A_269 = arith.index_cast %swap3A_268 : i32 to index
    %swap3A_270 = arith.constant 0 : index
    %swap3A_271 = tpu.vector_load %arg6[%swap3A_269, %swap3A_270] {strides = array<i32>} : memref<64x16xi32, #tpu.memory_space<vmem>>, vector<16xi32>,
    tpu.vector_store %arg6[%swap3A_269, %swap3A_270], %broadcast_in_dim3A_20 {strides = array<i32>} : memref<64x16xi32, #tpu.memory_space<vmem>>, vector<16xi32>,
    %swap3A_272 = arith.constant 63 : i32
    %swap3A_273 = arith.index_cast %swap3A_272 : i32 to index
    %swap3A_274 = arith.constant 0 : index
    %swap3A_275 = tpu.vector_load %arg6[%swap3A_273, %swap3A_274] {strides = array<i32>} : memref<64x16xi32, #tpu.memory_space<vmem>>, vector<16xi32>,
    tpu.vector_store %arg6[%swap3A_273, %swap3A_274], %broadcast_in_dim3A_20 {strides = array<i32>} : memref<64x16xi32, #tpu.memory_space<vmem>>, vector<16xi32>,
    %broadcast_in_dim3A_276 = arith.constant 0 : i32
    %broadcast_in_dim3A_277 = vector.broadcast %broadcast_in_dim3A_276 : i32 to vector<16xi32>
    %swap3A_278 = arith.constant 0 : i32
    %swap3A_279 = arith.index_cast %swap3A_278 : i32 to index
    %swap3A_280 = arith.constant 0 : index
    %swap3A_281 = tpu.vector_load %arg7[%swap3A_279, %swap3A_280] {strides = array<i32>} : memref<32x16xi32, #tpu.memory_space<vmem>>, vector<16xi32>,
    tpu.vector_store %arg7[%swap3A_279, %swap3A_280], %broadcast_in_dim3A_277 {strides = array<i32>} : memref<32x16xi32, #tpu.memory_space<vmem>>, vector<16xi32>,
    %broadcast_in_dim3A_282 = arith.constant 0 : i32
    %broadcast_in_dim3A_283 = vector.broadcast %broadcast_in_dim3A_282 : i32 to vector<16xi32>
    %swap3A_284 = arith.constant 1 : i32
    %swap3A_285 = arith.index_cast %swap3A_284 : i32 to index
    %swap3A_286 = arith.constant 0 : index
    %swap3A_287 = tpu.vector_load %arg7[%swap3A_285, %swap3A_286] {strides = array<i32>} : memref<32x16xi32, #tpu.memory_space<vmem>>, vector<16xi32>,
    tpu.vector_store %arg7[%swap3A_285, %swap3A_286], %broadcast_in_dim3A_283 {strides = array<i32>} : memref<32x16xi32, #tpu.memory_space<vmem>>, vector<16xi32>,
    %broadcast_in_dim3A_288 = arith.constant 0 : i32
    %broadcast_in_dim3A_289 = vector.broadcast %broadcast_in_dim3A_288 : i32 to vector<16xi32>
    %swap3A_290 = arith.constant 2 : i32
    %swap3A_291 = arith.index_cast %swap3A_290 : i32 to index
    %swap3A_292 = arith.constant 0 : index
    %swap3A_293 = tpu.vector_load %arg7[%swap3A_291, %swap3A_292] {strides = array<i32>} : memref<32x16xi32, #tpu.memory_space<vmem>>, vector<16xi32>,
    tpu.vector_store %arg7[%swap3A_291, %swap3A_292], %broadcast_in_dim3A_289 {strides = array<i32>} : memref<32x16xi32, #tpu.memory_space<vmem>>, vector<16xi32>,
    %broadcast_in_dim3A_294 = arith.constant 0 : i32
    %broadcast_in_dim3A_295 = vector.broadcast %broadcast_in_dim3A_294 : i32 to vector<16xi32>
    %swap3A_296 = arith.constant 3 : i32
    %swap3A_297 = arith.index_cast %swap3A_296 : i32 to index
    %swap3A_298 = arith.constant 0 : index
    %swap3A_299 = tpu.vector_load %arg7[%swap3A_297, %swap3A_298] {strides = array<i32>} : memref<32x16xi32, #tpu.memory_space<vmem>>, vector<16xi32>,
    tpu.vector_store %arg7[%swap3A_297, %swap3A_298], %broadcast_in_dim3A_295 {strides = array<i32>} : memref<32x16xi32, #tpu.memory_space<vmem>>, vector<16xi32>,
    %broadcast_in_dim3A_300 = arith.constant 0 : i32
    %broadcast_in_dim3A_301 = vector.broadcast %broadcast_in_dim3A_300 : i32 to vector<16xi32>
    %swap3A_302 = arith.constant 4 : i32
    %swap3A_303 = arith.index_cast %swap3A_302 : i32 to index
    %swap3A_304 = arith.constant 0 : index
    %swap3A_305 = tpu.vector_load %arg7[%swap3A_303, %swap3A_304] {strides = array<i32>} : memref<32x16xi32, #tpu.memory_space<vmem>>, vector<16xi32>,
    tpu.vector_store %arg7[%swap3A_303, %swap3A_304], %broadcast_in_dim3A_301 {strides = array<i32>} : memref<32x16xi32, #tpu.memory_space<vmem>>, vector<16xi32>,
    %broadcast_in_dim3A_306 = arith.constant 0 : i32
    %broadcast_in_dim3A_307 = vector.broadcast %broadcast_in_dim3A_306 : i32 to vector<16xi32>
    %swap3A_308 = arith.constant 5 : i32
    %swap3A_309 = arith.index_cast %swap3A_308 : i32 to index
    %swap3A_310 = arith.constant 0 : index
    %swap3A_311 = tpu.vector_load %arg7[%swap3A_309, %swap3A_310] {strides = array<i32>} : memref<32x16xi32, #tpu.memory_space<vmem>>, vector<16xi32>,
    tpu.vector_store %arg7[%swap3A_309, %swap3A_310], %broadcast_in_dim3A_307 {strides = array<i32>} : memref<32x16xi32, #tpu.memory_space<vmem>>, vector<16xi32>,
    %broadcast_in_dim3A_312 = arith.constant 0 : i32
    %broadcast_in_dim3A_313 = vector.broadcast %broadcast_in_dim3A_312 : i32 to vector<16xi32>
    %swap3A_314 = arith.constant 6 : i32
    %swap3A_315 = arith.index_cast %swap3A_314 : i32 to index
    %swap3A_316 = arith.constant 0 : index
    %swap3A_317 = tpu.vector_load %arg7[%swap3A_315, %swap3A_316] {strides = array<i32>} : memref<32x16xi32, #tpu.memory_space<vmem>>, vector<16xi32>,
    tpu.vector_store %arg7[%swap3A_315, %swap3A_316], %broadcast_in_dim3A_313 {strides = array<i32>} : memref<32x16xi32, #tpu.memory_space<vmem>>, vector<16xi32>,
    %broadcast_in_dim3A_318 = arith.constant 0 : i32
    %broadcast_in_dim3A_319 = vector.broadcast %broadcast_in_dim3A_318 : i32 to vector<16xi32>
    %swap3A_320 = arith.constant 7 : i32
    %swap3A_321 = arith.index_cast %swap3A_320 : i32 to index
    %swap3A_322 = arith.constant 0 : index
    %swap3A_323 = tpu.vector_load %arg7[%swap3A_321, %swap3A_322] {strides = array<i32>} : memref<32x16xi32, #tpu.memory_space<vmem>>, vector<16xi32>,
    tpu.vector_store %arg7[%swap3A_321, %swap3A_322], %broadcast_in_dim3A_319 {strides = array<i32>} : memref<32x16xi32, #tpu.memory_space<vmem>>, vector<16xi32>,
    %broadcast_in_dim3A_324 = arith.constant 0 : i32
    %broadcast_in_dim3A_325 = vector.broadcast %broadcast_in_dim3A_324 : i32 to vector<16xi32>
    %swap3A_326 = arith.constant 8 : i32
    %swap3A_327 = arith.index_cast %swap3A_326 : i32 to index
    %swap3A_328 = arith.constant 0 : index
    %swap3A_329 = tpu.vector_load %arg7[%swap3A_327, %swap3A_328] {strides = array<i32>} : memref<32x16xi32, #tpu.memory_space<vmem>>, vector<16xi32>,
    tpu.vector_store %arg7[%swap3A_327, %swap3A_328], %broadcast_in_dim3A_325 {strides = array<i32>} : memref<32x16xi32, #tpu.memory_space<vmem>>, vector<16xi32>,
    %broadcast_in_dim3A_330 = arith.constant 0 : i32
    %broadcast_in_dim3A_331 = vector.broadcast %broadcast_in_dim3A_330 : i32 to vector<16xi32>
    %swap3A_332 = arith.constant 9 : i32
    %swap3A_333 = arith.index_cast %swap3A_332 : i32 to index
    %swap3A_334 = arith.constant 0 : index
    %swap3A_335 = tpu.vector_load %arg7[%swap3A_333, %swap3A_334] {strides = array<i32>} : memref<32x16xi32, #tpu.memory_space<vmem>>, vector<16xi32>,
    tpu.vector_store %arg7[%swap3A_333, %swap3A_334], %broadcast_in_dim3A_331 {strides = array<i32>} : memref<32x16xi32, #tpu.memory_space<vmem>>, vector<16xi32>,
    %broadcast_in_dim3A_336 = arith.constant 0 : i32
    %broadcast_in_dim3A_337 = vector.broadcast %broadcast_in_dim3A_336 : i32 to vector<16xi32>
    %swap3A_338 = arith.constant 10 : i32
    %swap3A_339 = arith.index_cast %swap3A_338 : i32 to index
    %swap3A_340 = arith.constant 0 : index
    %swap3A_341 = tpu.vector_load %arg7[%swap3A_339, %swap3A_340] {strides = array<i32>} : memref<32x16xi32, #tpu.memory_space<vmem>>, vector<16xi32>,
    tpu.vector_store %arg7[%swap3A_339, %swap3A_340], %broadcast_in_dim3A_337 {strides = array<i32>} : memref<32x16xi32, #tpu.memory_space<vmem>>, vector<16xi32>,
    %broadcast_in_dim3A_342 = arith.constant 0 : i32
    %broadcast_in_dim3A_343 = vector.broadcast %broadcast_in_dim3A_342 : i32 to vector<16xi32>
    %swap3A_344 = arith.constant 11 : i32
    %swap3A_345 = arith.index_cast %swap3A_344 : i32 to index
    %swap3A_346 = arith.constant 0 : index
    %swap3A_347 = tpu.vector_load %arg7[%swap3A_345, %swap3A_346] {strides = array<i32>} : memref<32x16xi32, #tpu.memory_space<vmem>>, vector<16xi32>,
    tpu.vector_store %arg7[%swap3A_345, %swap3A_346], %broadcast_in_dim3A_343 {strides = array<i32>} : memref<32x16xi32, #tpu.memory_space<vmem>>, vector<16xi32>,
    %broadcast_in_dim3A_348 = arith.constant 0 : i32
    %broadcast_in_dim3A_349 = vector.broadcast %broadcast_in_dim3A_348 : i32 to vector<16xi32>
    %swap3A_350 = arith.constant 12 : i32
    %swap3A_351 = arith.index_cast %swap3A_350 : i32 to index
    %swap3A_352 = arith.constant 0 : index
    %swap3A_353 = tpu.vector_load %arg7[%swap3A_351, %swap3A_352] {strides = array<i32>} : memref<32x16xi32, #tpu.memory_space<vmem>>, vector<16xi32>,
    tpu.vector_store %arg7[%swap3A_351, %swap3A_352], %broadcast_in_dim3A_349 {strides = array<i32>} : memref<32x16xi32, #tpu.memory_space<vmem>>, vector<16xi32>,
    %broadcast_in_dim3A_354 = arith.constant 0 : i32
    %broadcast_in_dim3A_355 = vector.broadcast %broadcast_in_dim3A_354 : i32 to vector<16xi32>
    %swap3A_356 = arith.constant 13 : i32
    %swap3A_357 = arith.index_cast %swap3A_356 : i32 to index
    %swap3A_358 = arith.constant 0 : index
    %swap3A_359 = tpu.vector_load %arg7[%swap3A_357, %swap3A_358] {strides = array<i32>} : memref<32x16xi32, #tpu.memory_space<vmem>>, vector<16xi32>,
    tpu.vector_store %arg7[%swap3A_357, %swap3A_358], %broadcast_in_dim3A_355 {strides = array<i32>} : memref<32x16xi32, #tpu.memory_space<vmem>>, vector<16xi32>,
    %broadcast_in_dim3A_360 = arith.constant 0 : i32
    %broadcast_in_dim3A_361 = vector.broadcast %broadcast_in_dim3A_360 : i32 to vector<16xi32>
    %swap3A_362 = arith.constant 14 : i32
    %swap3A_363 = arith.index_cast %swap3A_362 : i32 to index
    %swap3A_364 = arith.constant 0 : index
    %swap3A_365 = tpu.vector_load %arg7[%swap3A_363, %swap3A_364] {strides = array<i32>} : memref<32x16xi32, #tpu.memory_space<vmem>>, vector<16xi32>,
    tpu.vector_store %arg7[%swap3A_363, %swap3A_364], %broadcast_in_dim3A_361 {strides = array<i32>} : memref<32x16xi32, #tpu.memory_space<vmem>>, vector<16xi32>,
    %broadcast_in_dim3A_366 = arith.constant 0 : i32
    %broadcast_in_dim3A_367 = vector.broadcast %broadcast_in_dim3A_366 : i32 to vector<16xi32>
    %swap3A_368 = arith.constant 15 : i32
    %swap3A_369 = arith.index_cast %swap3A_368 : i32 to index
    %swap3A_370 = arith.constant 0 : index
    %swap3A_371 = tpu.vector_load %arg7[%swap3A_369, %swap3A_370] {strides = array<i32>} : memref<32x16xi32, #tpu.memory_space<vmem>>, vector<16xi32>,
    tpu.vector_store %arg7[%swap3A_369, %swap3A_370], %broadcast_in_dim3A_367 {strides = array<i32>} : memref<32x16xi32, #tpu.memory_space<vmem>>, vector<16xi32>,
    %broadcast_in_dim3A_372 = arith.constant 0 : i32
    %broadcast_in_dim3A_373 = vector.broadcast %broadcast_in_dim3A_372 : i32 to vector<16xi32>
    %swap3A_374 = arith.constant 16 : i32
    %swap3A_375 = arith.index_cast %swap3A_374 : i32 to index
    %swap3A_376 = arith.constant 0 : index
    %swap3A_377 = tpu.vector_load %arg7[%swap3A_375, %swap3A_376] {strides = array<i32>} : memref<32x16xi32, #tpu.memory_space<vmem>>, vector<16xi32>,
    tpu.vector_store %arg7[%swap3A_375, %swap3A_376], %broadcast_in_dim3A_373 {strides = array<i32>} : memref<32x16xi32, #tpu.memory_space<vmem>>, vector<16xi32>,
    %broadcast_in_dim3A_378 = arith.constant 0 : i32
    %broadcast_in_dim3A_379 = vector.broadcast %broadcast_in_dim3A_378 : i32 to vector<16xi32>
    %swap3A_380 = arith.constant 17 : i32
    %swap3A_381 = arith.index_cast %swap3A_380 : i32 to index
    %swap3A_382 = arith.constant 0 : index
    %swap3A_383 = tpu.vector_load %arg7[%swap3A_381, %swap3A_382] {strides = array<i32>} : memref<32x16xi32, #tpu.memory_space<vmem>>, vector<16xi32>,
    tpu.vector_store %arg7[%swap3A_381, %swap3A_382], %broadcast_in_dim3A_379 {strides = array<i32>} : memref<32x16xi32, #tpu.memory_space<vmem>>, vector<16xi32>,
    %broadcast_in_dim3A_384 = arith.constant 0 : i32
    %broadcast_in_dim3A_385 = vector.broadcast %broadcast_in_dim3A_384 : i32 to vector<16xi32>
    %swap3A_386 = arith.constant 18 : i32
    %swap3A_387 = arith.index_cast %swap3A_386 : i32 to index
    %swap3A_388 = arith.constant 0 : index
    %swap3A_389 = tpu.vector_load %arg7[%swap3A_387, %swap3A_388] {strides = array<i32>} : memref<32x16xi32, #tpu.memory_space<vmem>>, vector<16xi32>,
    tpu.vector_store %arg7[%swap3A_387, %swap3A_388], %broadcast_in_dim3A_385 {strides = array<i32>} : memref<32x16xi32, #tpu.memory_space<vmem>>, vector<16xi32>,
    %broadcast_in_dim3A_390 = arith.constant 0 : i32
    %broadcast_in_dim3A_391 = vector.broadcast %broadcast_in_dim3A_390 : i32 to vector<16xi32>
    %swap3A_392 = arith.constant 19 : i32
    %swap3A_393 = arith.index_cast %swap3A_392 : i32 to index
    %swap3A_394 = arith.constant 0 : index
    %swap3A_395 = tpu.vector_load %arg7[%swap3A_393, %swap3A_394] {strides = array<i32>} : memref<32x16xi32, #tpu.memory_space<vmem>>, vector<16xi32>,
    tpu.vector_store %arg7[%swap3A_393, %swap3A_394], %broadcast_in_dim3A_391 {strides = array<i32>} : memref<32x16xi32, #tpu.memory_space<vmem>>, vector<16xi32>,
    %broadcast_in_dim3A_396 = arith.constant 0 : i32
    %broadcast_in_dim3A_397 = vector.broadcast %broadcast_in_dim3A_396 : i32 to vector<16xi32>
    %swap3A_398 = arith.constant 20 : i32
    %swap3A_399 = arith.index_cast %swap3A_398 : i32 to index
    %swap3A_400 = arith.constant 0 : index
    %swap3A_401 = tpu.vector_load %arg7[%swap3A_399, %swap3A_400] {strides = array<i32>} : memref<32x16xi32, #tpu.memory_space<vmem>>, vector<16xi32>,
    tpu.vector_store %arg7[%swap3A_399, %swap3A_400], %broadcast_in_dim3A_397 {strides = array<i32>} : memref<32x16xi32, #tpu.memory_space<vmem>>, vector<16xi32>,
    %broadcast_in_dim3A_402 = arith.constant 0 : i32
    %broadcast_in_dim3A_403 = vector.broadcast %broadcast_in_dim3A_402 : i32 to vector<16xi32>
    %swap3A_404 = arith.constant 21 : i32
    %swap3A_405 = arith.index_cast %swap3A_404 : i32 to index
    %swap3A_406 = arith.constant 0 : index
    %swap3A_407 = tpu.vector_load %arg7[%swap3A_405, %swap3A_406] {strides = array<i32>} : memref<32x16xi32, #tpu.memory_space<vmem>>, vector<16xi32>,
    tpu.vector_store %arg7[%swap3A_405, %swap3A_406], %broadcast_in_dim3A_403 {strides = array<i32>} : memref<32x16xi32, #tpu.memory_space<vmem>>, vector<16xi32>,
    %broadcast_in_dim3A_408 = arith.constant 0 : i32
    %broadcast_in_dim3A_409 = vector.broadcast %broadcast_in_dim3A_408 : i32 to vector<16xi32>
    %swap3A_410 = arith.constant 22 : i32
    %swap3A_411 = arith.index_cast %swap3A_410 : i32 to index
    %swap3A_412 = arith.constant 0 : index
    %swap3A_413 = tpu.vector_load %arg7[%swap3A_411, %swap3A_412] {strides = array<i32>} : memref<32x16xi32, #tpu.memory_space<vmem>>, vector<16xi32>,
    tpu.vector_store %arg7[%swap3A_411, %swap3A_412], %broadcast_in_dim3A_409 {strides = array<i32>} : memref<32x16xi32, #tpu.memory_space<vmem>>, vector<16xi32>,
    %broadcast_in_dim3A_414 = arith.constant 0 : i32
    %broadcast_in_dim3A_415 = vector.broadcast %broadcast_in_dim3A_414 : i32 to vector<16xi32>
    %swap3A_416 = arith.constant 23 : i32
    %swap3A_417 = arith.index_cast %swap3A_416 : i32 to index
    %swap3A_418 = arith.constant 0 : index
    %swap3A_419 = tpu.vector_load %arg7[%swap3A_417, %swap3A_418] {strides = array<i32>} : memref<32x16xi32, #tpu.memory_space<vmem>>, vector<16xi32>,
    tpu.vector_store %arg7[%swap3A_417, %swap3A_418], %broadcast_in_dim3A_415 {strides = array<i32>} : memref<32x16xi32, #tpu.memory_space<vmem>>, vector<16xi32>,
    %broadcast_in_dim3A_420 = arith.constant 0 : i32
    %broadcast_in_dim3A_421 = vector.broadcast %broadcast_in_dim3A_420 : i32 to vector<16xi32>
    %swap3A_422 = arith.constant 24 : i32
    %swap3A_423 = arith.index_cast %swap3A_422 : i32 to index
    %swap3A_424 = arith.constant 0 : index
    %swap3A_425 = tpu.vector_load %arg7[%swap3A_423, %swap3A_424] {strides = array<i32>} : memref<32x16xi32, #tpu.memory_space<vmem>>, vector<16xi32>,
    tpu.vector_store %arg7[%swap3A_423, %swap3A_424], %broadcast_in_dim3A_421 {strides = array<i32>} : memref<32x16xi32, #tpu.memory_space<vmem>>, vector<16xi32>,
    %broadcast_in_dim3A_426 = arith.constant 0 : i32
    %broadcast_in_dim3A_427 = vector.broadcast %broadcast_in_dim3A_426 : i32 to vector<16xi32>
    %swap3A_428 = arith.constant 25 : i32
    %swap3A_429 = arith.index_cast %swap3A_428 : i32 to index
    %swap3A_430 = arith.constant 0 : index
    %swap3A_431 = tpu.vector_load %arg7[%swap3A_429, %swap3A_430] {strides = array<i32>} : memref<32x16xi32, #tpu.memory_space<vmem>>, vector<16xi32>,
    tpu.vector_store %arg7[%swap3A_429, %swap3A_430], %broadcast_in_dim3A_427 {strides = array<i32>} : memref<32x16xi32, #tpu.memory_space<vmem>>, vector<16xi32>,
    %broadcast_in_dim3A_432 = arith.constant 0 : i32
    %broadcast_in_dim3A_433 = vector.broadcast %broadcast_in_dim3A_432 : i32 to vector<16xi32>
    %swap3A_434 = arith.constant 26 : i32
    %swap3A_435 = arith.index_cast %swap3A_434 : i32 to index
    %swap3A_436 = arith.constant 0 : index
    %swap3A_437 = tpu.vector_load %arg7[%swap3A_435, %swap3A_436] {strides = array<i32>} : memref<32x16xi32, #tpu.memory_space<vmem>>, vector<16xi32>,
    tpu.vector_store %arg7[%swap3A_435, %swap3A_436], %broadcast_in_dim3A_433 {strides = array<i32>} : memref<32x16xi32, #tpu.memory_space<vmem>>, vector<16xi32>,
    %broadcast_in_dim3A_438 = arith.constant 0 : i32
    %broadcast_in_dim3A_439 = vector.broadcast %broadcast_in_dim3A_438 : i32 to vector<16xi32>
    %swap3A_440 = arith.constant 27 : i32
    %swap3A_441 = arith.index_cast %swap3A_440 : i32 to index
    %swap3A_442 = arith.constant 0 : index
    %swap3A_443 = tpu.vector_load %arg7[%swap3A_441, %swap3A_442] {strides = array<i32>} : memref<32x16xi32, #tpu.memory_space<vmem>>, vector<16xi32>,
    tpu.vector_store %arg7[%swap3A_441, %swap3A_442], %broadcast_in_dim3A_439 {strides = array<i32>} : memref<32x16xi32, #tpu.memory_space<vmem>>, vector<16xi32>,
    %broadcast_in_dim3A_444 = arith.constant 0 : i32
    %broadcast_in_dim3A_445 = vector.broadcast %broadcast_in_dim3A_444 : i32 to vector<16xi32>
    %swap3A_446 = arith.constant 28 : i32
    %swap3A_447 = arith.index_cast %swap3A_446 : i32 to index
    %swap3A_448 = arith.constant 0 : index
    %swap3A_449 = tpu.vector_load %arg7[%swap3A_447, %swap3A_448] {strides = array<i32>} : memref<32x16xi32, #tpu.memory_space<vmem>>, vector<16xi32>,
    tpu.vector_store %arg7[%swap3A_447, %swap3A_448], %broadcast_in_dim3A_445 {strides = array<i32>} : memref<32x16xi32, #tpu.memory_space<vmem>>, vector<16xi32>,
    %broadcast_in_dim3A_450 = arith.constant 0 : i32
    %broadcast_in_dim3A_451 = vector.broadcast %broadcast_in_dim3A_450 : i32 to vector<16xi32>
    %swap3A_452 = arith.constant 29 : i32
    %swap3A_453 = arith.index_cast %swap3A_452 : i32 to index
    %swap3A_454 = arith.constant 0 : index
    %swap3A_455 = tpu.vector_load %arg7[%swap3A_453, %swap3A_454] {strides = array<i32>} : memref<32x16xi32, #tpu.memory_space<vmem>>, vector<16xi32>,
    tpu.vector_store %arg7[%swap3A_453, %swap3A_454], %broadcast_in_dim3A_451 {strides = array<i32>} : memref<32x16xi32, #tpu.memory_space<vmem>>, vector<16xi32>,
    %broadcast_in_dim3A_456 = arith.constant 0 : i32
    %broadcast_in_dim3A_457 = vector.broadcast %broadcast_in_dim3A_456 : i32 to vector<16xi32>
    %swap3A_458 = arith.constant 30 : i32
    %swap3A_459 = arith.index_cast %swap3A_458 : i32 to index
    %swap3A_460 = arith.constant 0 : index
    %swap3A_461 = tpu.vector_load %arg7[%swap3A_459, %swap3A_460] {strides = array<i32>} : memref<32x16xi32, #tpu.memory_space<vmem>>, vector<16xi32>,
    tpu.vector_store %arg7[%swap3A_459, %swap3A_460], %broadcast_in_dim3A_457 {strides = array<i32>} : memref<32x16xi32, #tpu.memory_space<vmem>>, vector<16xi32>,
    %broadcast_in_dim3A_462 = arith.constant 0 : i32
    %broadcast_in_dim3A_463 = vector.broadcast %broadcast_in_dim3A_462 : i32 to vector<16xi32>
    %swap3A_464 = arith.constant 31 : i32
    %swap3A_465 = arith.index_cast %swap3A_464 : i32 to index
    %swap3A_466 = arith.constant 0 : index
    %swap3A_467 = tpu.vector_load %arg7[%swap3A_465, %swap3A_466] {strides = array<i32>} : memref<32x16xi32, #tpu.memory_space<vmem>>, vector<16xi32>,
    tpu.vector_store %arg7[%swap3A_465, %swap3A_466], %broadcast_in_dim3A_463 {strides = array<i32>} : memref<32x16xi32, #tpu.memory_space<vmem>>, vector<16xi32>,
    %add3A_468 = arith.constant 0 : i32
    %add3A_469 = vector.broadcast %add3A_468 : i32 to vector<16xi32>
    %add3A_470 = arith.addi %iota3A, %add3A_469 : vector<16xi32>
    %mul3A_471 = arith.constant 512 : i32
    %mul3A_472 = vector.broadcast %mul3A_471 : i32 to vector<16xi32>
    %mul3A_473 = arith.muli %add3A_470, %mul3A_472 : vector<16xi32>
    %add3A_474 = arith.constant 16 : i32
    %add3A_475 = vector.broadcast %add3A_474 : i32 to vector<16xi32>
    %add3A_476 = arith.addi %iota3A, %add3A_475 : vector<16xi32>
    %mul3A_477 = arith.constant 512 : i32
    %mul3A_478 = vector.broadcast %mul3A_477 : i32 to vector<16xi32>
    %mul3A_479 = arith.muli %add3A_476, %mul3A_478 : vector<16xi32>
    %add3A_480 = arith.constant 32 : i32
    %add3A_481 = vector.broadcast %add3A_480 : i32 to vector<16xi32>
    %add3A_482 = arith.addi %iota3A, %add3A_481 : vector<16xi32>
    %mul3A_483 = arith.constant 512 : i32
    %mul3A_484 = vector.broadcast %mul3A_483 : i32 to vector<16xi32>
    %mul3A_485 = arith.muli %add3A_482, %mul3A_484 : vector<16xi32>
    %add3A_486 = arith.constant 48 : i32
    %add3A_487 = vector.broadcast %add3A_486 : i32 to vector<16xi32>
    %add3A_488 = arith.addi %iota3A, %add3A_487 : vector<16xi32>
    %mul3A_489 = arith.constant 512 : i32
    %mul3A_490 = vector.broadcast %mul3A_489 : i32 to vector<16xi32>
    %mul3A_491 = arith.muli %add3A_488, %mul3A_490 : vector<16xi32>
    %dma_wait3A = arith.constant 0 : i32
    %dma_wait3A_492 = tpu.memref_slice %arg4[%dma_wait3A] : memref<32768xf32, #tpu.memory_space<vmem>> -> memref<16384xf32, #tpu.memory_space<vmem>>
    %dma_wait3A_493 = tpu.memref_slice %arg2[%mul3A_4] : memref<1048576xf32, #tpu.memory_space<hbm>> -> memref<16384xf32, #tpu.memory_space<hbm>>
    %dma_wait3A_494 = arith.constant 0 : i32
    %dma_wait3A_495 = tpu.memref_slice %arg4[%dma_wait3A_494] : memref<32768xf32, #tpu.memory_space<vmem>> -> memref<16384xf32, #tpu.memory_space<vmem>>
    %dma_wait3A_496 = tpu.memref_slice %arg2[%mul3A_4] : memref<1048576xf32, #tpu.memory_space<hbm>> -> memref<16384xf32, #tpu.memory_space<hbm>>
    tpu.wait_dma2 semaphore(%arg10 : memref<!tpu.dma_semaphore, #tpu.memory_space<semaphore_mem>>) src(%dma_wait3A_496 : memref<16384xf32, #tpu.memory_space<hbm>>) dst(%dma_wait3A_495 : memref<16384xf32, #tpu.memory_space<vmem>>)
    %broadcast_in_dim3A_497 = arith.constant 0xFF800000 : f32
    %broadcast_in_dim3A_498 = vector.broadcast %broadcast_in_dim3A_497 : f32 to vector<16xf32>
    %broadcast_in_dim3A_499 = arith.constant 0 : i32
    %broadcast_in_dim3A_500 = vector.broadcast %broadcast_in_dim3A_499 : i32 to vector<16xi32>
    %broadcast_in_dim3A_501 = arith.constant 0xFF800000 : f32
    %broadcast_in_dim3A_502 = vector.broadcast %broadcast_in_dim3A_501 : f32 to vector<16xf32>
    %broadcast_in_dim3A_503 = arith.constant 0 : i32
    %broadcast_in_dim3A_504 = vector.broadcast %broadcast_in_dim3A_503 : i32 to vector<16xi32>
    %parallel_loop3A = arith.constant 0 : i32
    %parallel_loop3A_505 = arith.constant 512 : i32
    %parallel_loop3A_506 = arith.constant 1 : i32
    %parallel_loop3A_507:4 = scf.for %parallel_loop3A_1185 = %parallel_loop3A to %parallel_loop3A_505 step %parallel_loop3A_506 iter_args(%parallel_loop3A_1186 = %broadcast_in_dim3A_498, %parallel_loop3A_1187 = %broadcast_in_dim3A_500, %parallel_loop3A_1188 = %broadcast_in_dim3A_502, %parallel_loop3A_1189 = %broadcast_in_dim3A_504) -> (vector<16xf32>, vector<16xi32>, vector<16xf32>, vector<16xi32>)  : i32 {
      %parallel_loop3A_1190 = arith.constant 0 : i32
      %parallel_loop3A_1191 = vector.broadcast %parallel_loop3A_1190 : i32 to vector<16xi32>
      %parallel_loop3A_1192 = vector.broadcast %parallel_loop3A_1185 : i32 to vector<16xi32>
      %parallel_loop3A_1193 = arith.addi %parallel_loop3A_1191, %parallel_loop3A_1192 : vector<16xi32>
      %parallel_loop3A_1194 = arith.addi %parallel_loop3A_1193, %iota3A : vector<16xi32>
      %parallel_loop3A_1195 = arith.constant 511 : i32
      %parallel_loop3A_1196 = vector.broadcast %parallel_loop3A_1195 : i32 to vector<16xi32>
      %parallel_loop3A_1197 = arith.andi %parallel_loop3A_1194, %parallel_loop3A_1196 : vector<16xi32>
      %parallel_loop3A_1198 = arith.addi %mul3A_473, %parallel_loop3A_1197 : vector<16xi32>
      %parallel_loop3A_1199 = tpu.vector_load_idx %arg4[%parallel_loop3A_1198] : memref<32768xf32, #tpu.memory_space<vmem>>[vector<16xi32>], vector<16xf32>,
      %parallel_loop3A_1200 = arith.cmpf ogt, %parallel_loop3A_1199, %parallel_loop3A_1186 : vector<16xf32>
      %parallel_loop3A_1201 = arith.cmpf oeq, %parallel_loop3A_1199, %parallel_loop3A_1186 : vector<16xf32>
      %parallel_loop3A_1202 = arith.cmpi slt, %parallel_loop3A_1197, %parallel_loop3A_1187 : vector<16xi32>
      %parallel_loop3A_1203 = arith.andi %parallel_loop3A_1201, %parallel_loop3A_1202 : vector<16xi1>
      %parallel_loop3A_1204 = arith.ori %parallel_loop3A_1200, %parallel_loop3A_1203 : vector<16xi1>
      %parallel_loop3A_1205 = arith.select %parallel_loop3A_1204, %parallel_loop3A_1199, %parallel_loop3A_1186 : vector<16xi1>, vector<16xf32>
      %parallel_loop3A_1206 = arith.select %parallel_loop3A_1204, %parallel_loop3A_1197, %parallel_loop3A_1187 : vector<16xi1>, vector<16xi32>
      %parallel_loop3A_1207 = arith.addi %mul3A_479, %parallel_loop3A_1197 : vector<16xi32>
      %parallel_loop3A_1208 = tpu.vector_load_idx %arg4[%parallel_loop3A_1207] : memref<32768xf32, #tpu.memory_space<vmem>>[vector<16xi32>], vector<16xf32>,
      %parallel_loop3A_1209 = arith.cmpf ogt, %parallel_loop3A_1208, %parallel_loop3A_1188 : vector<16xf32>
      %parallel_loop3A_1210 = arith.cmpf oeq, %parallel_loop3A_1208, %parallel_loop3A_1188 : vector<16xf32>
      %parallel_loop3A_1211 = arith.cmpi slt, %parallel_loop3A_1197, %parallel_loop3A_1189 : vector<16xi32>
      %parallel_loop3A_1212 = arith.andi %parallel_loop3A_1210, %parallel_loop3A_1211 : vector<16xi1>
      %parallel_loop3A_1213 = arith.ori %parallel_loop3A_1209, %parallel_loop3A_1212 : vector<16xi1>
      %parallel_loop3A_1214 = arith.select %parallel_loop3A_1213, %parallel_loop3A_1208, %parallel_loop3A_1188 : vector<16xi1>, vector<16xf32>
      %parallel_loop3A_1215 = arith.select %parallel_loop3A_1213, %parallel_loop3A_1197, %parallel_loop3A_1189 : vector<16xi1>, vector<16xi32>
      scf.yield %parallel_loop3A_1205, %parallel_loop3A_1206, %parallel_loop3A_1214, %parallel_loop3A_1215 : vector<16xf32>, vector<16xi32>, vector<16xf32>, vector<16xi32>
    } {sc.loop_unroll_factor = 32 : i64, sc.parallel_access}
    %swap3A_508 = arith.constant 0 : index
    %swap3A_509 = tpu.vector_load %arg5[%swap3A_508] {strides = array<i32>} : memref<64xi32, #tpu.memory_space<vmem>>, vector<16xi32>,
    tpu.vector_store %arg5[%swap3A_508], %parallel_loop3A_507#1 {strides = array<i32>} : memref<64xi32, #tpu.memory_space<vmem>>, vector<16xi32>,
    %swap3A_510 = arith.constant 16 : index
    %swap3A_511 = tpu.vector_load %arg5[%swap3A_510] {strides = array<i32>} : memref<64xi32, #tpu.memory_space<vmem>>, vector<16xi32>,
    tpu.vector_store %arg5[%swap3A_510], %parallel_loop3A_507#3 {strides = array<i32>} : memref<64xi32, #tpu.memory_space<vmem>>, vector<16xi32>,
    %dma_wait3A_512 = arith.constant 16384 : i32
    %dma_wait3A_513 = tpu.memref_slice %arg4[%dma_wait3A_512] : memref<32768xf32, #tpu.memory_space<vmem>> -> memref<16384xf32, #tpu.memory_space<vmem>>
    %dma_wait3A_514 = tpu.memref_slice %arg2[%add3A_13] : memref<1048576xf32, #tpu.memory_space<hbm>> -> memref<16384xf32, #tpu.memory_space<hbm>>
    %dma_wait3A_515 = arith.constant 16384 : i32
    %dma_wait3A_516 = tpu.memref_slice %arg4[%dma_wait3A_515] : memref<32768xf32, #tpu.memory_space<vmem>> -> memref<16384xf32, #tpu.memory_space<vmem>>
    %dma_wait3A_517 = tpu.memref_slice %arg2[%add3A_13] : memref<1048576xf32, #tpu.memory_space<hbm>> -> memref<16384xf32, #tpu.memory_space<hbm>>
    tpu.wait_dma2 semaphore(%arg11 : memref<!tpu.dma_semaphore, #tpu.memory_space<semaphore_mem>>) src(%dma_wait3A_517 : memref<16384xf32, #tpu.memory_space<hbm>>) dst(%dma_wait3A_516 : memref<16384xf32, #tpu.memory_space<vmem>>)
    %broadcast_in_dim3A_518 = arith.constant 0xFF800000 : f32
    %broadcast_in_dim3A_519 = vector.broadcast %broadcast_in_dim3A_518 : f32 to vector<16xf32>
    %broadcast_in_dim3A_520 = arith.constant 0 : i32
    %broadcast_in_dim3A_521 = vector.broadcast %broadcast_in_dim3A_520 : i32 to vector<16xi32>
    %broadcast_in_dim3A_522 = arith.constant 0xFF800000 : f32
    %broadcast_in_dim3A_523 = vector.broadcast %broadcast_in_dim3A_522 : f32 to vector<16xf32>
    %broadcast_in_dim3A_524 = arith.constant 0 : i32
    %broadcast_in_dim3A_525 = vector.broadcast %broadcast_in_dim3A_524 : i32 to vector<16xi32>
    %parallel_loop3A_526 = arith.constant 0 : i32
    %parallel_loop3A_527 = arith.constant 512 : i32
    %parallel_loop3A_528 = arith.constant 1 : i32
    %parallel_loop3A_529:4 = scf.for %parallel_loop3A_1185 = %parallel_loop3A_526 to %parallel_loop3A_527 step %parallel_loop3A_528 iter_args(%parallel_loop3A_1186 = %broadcast_in_dim3A_519, %parallel_loop3A_1187 = %broadcast_in_dim3A_521, %parallel_loop3A_1188 = %broadcast_in_dim3A_523, %parallel_loop3A_1189 = %broadcast_in_dim3A_525) -> (vector<16xf32>, vector<16xi32>, vector<16xf32>, vector<16xi32>)  : i32 {
      %parallel_loop3A_1190 = arith.constant 0 : i32
      %parallel_loop3A_1191 = vector.broadcast %parallel_loop3A_1190 : i32 to vector<16xi32>
      %parallel_loop3A_1192 = vector.broadcast %parallel_loop3A_1185 : i32 to vector<16xi32>
      %parallel_loop3A_1193 = arith.addi %parallel_loop3A_1191, %parallel_loop3A_1192 : vector<16xi32>
      %parallel_loop3A_1194 = arith.addi %parallel_loop3A_1193, %iota3A : vector<16xi32>
      %parallel_loop3A_1195 = arith.constant 511 : i32
      %parallel_loop3A_1196 = vector.broadcast %parallel_loop3A_1195 : i32 to vector<16xi32>
      %parallel_loop3A_1197 = arith.andi %parallel_loop3A_1194, %parallel_loop3A_1196 : vector<16xi32>
      %parallel_loop3A_1198 = arith.addi %mul3A_485, %parallel_loop3A_1197 : vector<16xi32>
      %parallel_loop3A_1199 = tpu.vector_load_idx %arg4[%parallel_loop3A_1198] : memref<32768xf32, #tpu.memory_space<vmem>>[vector<16xi32>], vector<16xf32>,
      %parallel_loop3A_1200 = arith.cmpf ogt, %parallel_loop3A_1199, %parallel_loop3A_1186 : vector<16xf32>
      %parallel_loop3A_1201 = arith.cmpf oeq, %parallel_loop3A_1199, %parallel_loop3A_1186 : vector<16xf32>
      %parallel_loop3A_1202 = arith.cmpi slt, %parallel_loop3A_1197, %parallel_loop3A_1187 : vector<16xi32>
      %parallel_loop3A_1203 = arith.andi %parallel_loop3A_1201, %parallel_loop3A_1202 : vector<16xi1>
      %parallel_loop3A_1204 = arith.ori %parallel_loop3A_1200, %parallel_loop3A_1203 : vector<16xi1>
      %parallel_loop3A_1205 = arith.select %parallel_loop3A_1204, %parallel_loop3A_1199, %parallel_loop3A_1186 : vector<16xi1>, vector<16xf32>
      %parallel_loop3A_1206 = arith.select %parallel_loop3A_1204, %parallel_loop3A_1197, %parallel_loop3A_1187 : vector<16xi1>, vector<16xi32>
      %parallel_loop3A_1207 = arith.addi %mul3A_491, %parallel_loop3A_1197 : vector<16xi32>
      %parallel_loop3A_1208 = tpu.vector_load_idx %arg4[%parallel_loop3A_1207] : memref<32768xf32, #tpu.memory_space<vmem>>[vector<16xi32>], vector<16xf32>,
      %parallel_loop3A_1209 = arith.cmpf ogt, %parallel_loop3A_1208, %parallel_loop3A_1188 : vector<16xf32>
      %parallel_loop3A_1210 = arith.cmpf oeq, %parallel_loop3A_1208, %parallel_loop3A_1188 : vector<16xf32>
      %parallel_loop3A_1211 = arith.cmpi slt, %parallel_loop3A_1197, %parallel_loop3A_1189 : vector<16xi32>
      %parallel_loop3A_1212 = arith.andi %parallel_loop3A_1210, %parallel_loop3A_1211 : vector<16xi1>
      %parallel_loop3A_1213 = arith.ori %parallel_loop3A_1209, %parallel_loop3A_1212 : vector<16xi1>
      %parallel_loop3A_1214 = arith.select %parallel_loop3A_1213, %parallel_loop3A_1208, %parallel_loop3A_1188 : vector<16xi1>, vector<16xf32>
      %parallel_loop3A_1215 = arith.select %parallel_loop3A_1213, %parallel_loop3A_1197, %parallel_loop3A_1189 : vector<16xi1>, vector<16xi32>
      scf.yield %parallel_loop3A_1205, %parallel_loop3A_1206, %parallel_loop3A_1214, %parallel_loop3A_1215 : vector<16xf32>, vector<16xi32>, vector<16xf32>, vector<16xi32>
    } {sc.loop_unroll_factor = 32 : i64, sc.parallel_access}
    %swap3A_530 = arith.constant 32 : index
    %swap3A_531 = tpu.vector_load %arg5[%swap3A_530] {strides = array<i32>} : memref<64xi32, #tpu.memory_space<vmem>>, vector<16xi32>,
    tpu.vector_store %arg5[%swap3A_530], %parallel_loop3A_529#1 {strides = array<i32>} : memref<64xi32, #tpu.memory_space<vmem>>, vector<16xi32>,
    %swap3A_532 = arith.constant 48 : index
    %swap3A_533 = tpu.vector_load %arg5[%swap3A_532] {strides = array<i32>} : memref<64xi32, #tpu.memory_space<vmem>>, vector<16xi32>,
    tpu.vector_store %arg5[%swap3A_532], %parallel_loop3A_529#3 {strides = array<i32>} : memref<64xi32, #tpu.memory_space<vmem>>, vector<16xi32>,
    %mul3A_534 = arith.constant 32 : i32
    %mul3A_535 = arith.muli %arg1, %mul3A_534 : i32
    "tpu.region"() ({
      %run_scoped3A = tpu.sem_alloc : memref<!tpu.dma_semaphore, #tpu.memory_space<semaphore_mem>>
      %dma_start3A_1185 = arith.constant 0 : i32
      %dma_start3A_1186 = tpu.memref_slice %arg9[%mul3A_535, %dma_start3A_1185] : memref<512x16xi32, #tpu.memory_space<vmem_shared>> -> memref<32x16xi32, #tpu.memory_space<vmem_shared>>
      %dma_start3A_1187 = arith.constant 0 : i32
      %dma_start3A_1188 = tpu.memref_slice %arg9[%mul3A_535, %dma_start3A_1187] : memref<512x16xi32, #tpu.memory_space<vmem_shared>> -> memref<32x16xi32, #tpu.memory_space<vmem_shared>>
      tpu.enqueue_dma source(%arg7 : memref<32x16xi32, #tpu.memory_space<vmem>>) target(%dma_start3A_1188 : memref<32x16xi32, #tpu.memory_space<vmem_shared>>) target_semaphore(%run_scoped3A : memref<!tpu.dma_semaphore, #tpu.memory_space<semaphore_mem>>)
      %dma_wait3A_1189 = arith.constant 0 : i32
      %dma_wait3A_1190 = tpu.memref_slice %arg9[%mul3A_535, %dma_wait3A_1189] : memref<512x16xi32, #tpu.memory_space<vmem_shared>> -> memref<32x16xi32, #tpu.memory_space<vmem_shared>>
      %dma_wait3A_1191 = arith.constant 0 : i32
      %dma_wait3A_1192 = tpu.memref_slice %arg9[%mul3A_535, %dma_wait3A_1191] : memref<512x16xi32, #tpu.memory_space<vmem_shared>> -> memref<32x16xi32, #tpu.memory_space<vmem_shared>>
      tpu.wait_dma2 semaphore(%run_scoped3A : memref<!tpu.dma_semaphore, #tpu.memory_space<semaphore_mem>>) src(%arg7 : memref<32x16xi32, #tpu.memory_space<vmem>>) dst(%dma_wait3A_1192 : memref<32x16xi32, #tpu.memory_space<vmem_shared>>)
      tpu.yield
    }) : () -> ()
    %barrier3A = arith.constant 0 : index
    tpu.barrier barrier_id(%barrier3A)
    "tpu.region"() ({
      %run_scoped3A = tpu.sem_alloc : memref<!tpu.dma_semaphore, #tpu.memory_space<semaphore_mem>>
      %dma_start3A_1185 = arith.constant 0 : i32
      %dma_start3A_1186 = arith.constant 0 : i32
      %dma_start3A_1187 = tpu.memref_slice %arg9[%dma_start3A_1185, %dma_start3A_1186] : memref<512x16xi32, #tpu.memory_space<vmem_shared>> -> memref<512x16xi32, #tpu.memory_space<vmem_shared>>
      tpu.enqueue_indirect_dma source(%arg6 : memref<64x16xi32, #tpu.memory_space<vmem>>) target(%dma_start3A_1187 : memref<512x16xi32, #tpu.memory_space<vmem_shared>>) offsets(%arg5 : memref<64xi32, #tpu.memory_space<vmem>>) semaphore(%run_scoped3A : memref<!tpu.dma_semaphore, #tpu.memory_space<semaphore_mem>>) {add = true}
      %dma_wait3A_1188 = arith.constant 0 : i32
      %dma_wait3A_1189 = arith.constant 0 : i32
      %dma_wait3A_1190 = tpu.memref_slice %arg9[%dma_wait3A_1188, %dma_wait3A_1189] : memref<512x16xi32, #tpu.memory_space<vmem_shared>> -> memref<512x16xi32, #tpu.memory_space<vmem_shared>>
      tpu.wait_indirect_dma semaphore(%run_scoped3A : memref<!tpu.dma_semaphore, #tpu.memory_space<semaphore_mem>>) src(%arg6 : memref<64x16xi32, #tpu.memory_space<vmem>>) dst(%dma_wait3A_1190 : memref<512x16xi32, #tpu.memory_space<vmem_shared>>)
      tpu.yield
    }) : () -> ()
    %barrier3A_536 = arith.constant 0 : index
    tpu.barrier barrier_id(%barrier3A_536)
    %mul3A_537 = arith.constant 32 : i32
    %mul3A_538 = arith.muli %arg1, %mul3A_537 : i32
    "tpu.region"() ({
      %run_scoped3A = tpu.sem_alloc : memref<!tpu.dma_semaphore, #tpu.memory_space<semaphore_mem>>
      %dma_start3A_1185 = arith.constant 0 : i32
      %dma_start3A_1186 = tpu.memref_slice %arg9[%mul3A_538, %dma_start3A_1185] : memref<512x16xi32, #tpu.memory_space<vmem_shared>> -> memref<32x16xi32, #tpu.memory_space<vmem_shared>>
      %dma_start3A_1187 = arith.constant 0 : i32
      %dma_start3A_1188 = tpu.memref_slice %arg9[%mul3A_538, %dma_start3A_1187] : memref<512x16xi32, #tpu.memory_space<vmem_shared>> -> memref<32x16xi32, #tpu.memory_space<vmem_shared>>
      tpu.enqueue_dma source(%dma_start3A_1188 : memref<32x16xi32, #tpu.memory_space<vmem_shared>>) target(%arg7 : memref<32x16xi32, #tpu.memory_space<vmem>>) target_semaphore(%run_scoped3A : memref<!tpu.dma_semaphore, #tpu.memory_space<semaphore_mem>>)
      %dma_wait3A_1189 = arith.constant 0 : i32
      %dma_wait3A_1190 = tpu.memref_slice %arg9[%mul3A_538, %dma_wait3A_1189] : memref<512x16xi32, #tpu.memory_space<vmem_shared>> -> memref<32x16xi32, #tpu.memory_space<vmem_shared>>
      %dma_wait3A_1191 = arith.constant 0 : i32
      %dma_wait3A_1192 = tpu.memref_slice %arg9[%mul3A_538, %dma_wait3A_1191] : memref<512x16xi32, #tpu.memory_space<vmem_shared>> -> memref<32x16xi32, #tpu.memory_space<vmem_shared>>
      tpu.wait_dma2 semaphore(%run_scoped3A : memref<!tpu.dma_semaphore, #tpu.memory_space<semaphore_mem>>) src(%dma_wait3A_1192 : memref<32x16xi32, #tpu.memory_space<vmem_shared>>) dst(%arg7 : memref<32x16xi32, #tpu.memory_space<vmem>>)
      tpu.yield
    }) : () -> ()
    %broadcast_in_dim3A_539 = arith.constant 0 : i32
    %broadcast_in_dim3A_540 = vector.broadcast %broadcast_in_dim3A_539 : i32 to vector<16xi32>
    %get3A = arith.constant 0 : i32
    %get3A_541 = arith.index_cast %get3A : i32 to index
    %get3A_542 = arith.constant 0 : index
    %get3A_543 = tpu.vector_load %arg7[%get3A_541, %get3A_542] {strides = array<i32>} : memref<32x16xi32, #tpu.memory_space<vmem>>, vector<16xi32>,
    %reduce_max3A = arith.constant true
    %reduce_max3A_544 = vector.broadcast %reduce_max3A : i1 to vector<16xi1>
    %reduce_max3A_545 = arith.constant -2147483648 : i32
    %reduce_max3A_546 = vector.broadcast %reduce_max3A_545 : i32 to vector<16xi32>
    %reduce_max3A_547 = arith.xori %get3A_543, %reduce_max3A_546 : vector<16xi32>
    %reduce_max3A_548 = tpu.scan <max>, %reduce_max3A_547 masked %reduce_max3A_544 : vector<16xi32>, vector<16xi1> -> vector<16xi32>
    %reduce_max3A_549 = arith.xori %reduce_max3A_548, %reduce_max3A_546 : vector<16xi32>
    %reduce_max3A_550 = vector.extract %reduce_max3A_549[15] : i32 from vector<16xi32>
    %eq3A = arith.constant 0 : i32
    %eq3A_551 = vector.broadcast %eq3A : i32 to vector<16xi32>
    %eq3A_552 = arith.cmpi eq, %iota3A, %eq3A_551 : vector<16xi32>
    %broadcast_in_dim3A_553 = arith.constant 0 : i32
    %broadcast_in_dim3A_554 = vector.broadcast %broadcast_in_dim3A_553 : i32 to vector<16xi32>
    %add3A_555 = vector.broadcast %reduce_max3A_550 : i32 to vector<16xi32>
    %add3A_556 = arith.addi %broadcast_in_dim3A_554, %add3A_555 : vector<16xi32>
    %select_n3A = arith.select %eq3A_552, %add3A_556, %broadcast_in_dim3A_540 : vector<16xi1>, vector<16xi32>
    %get3A_557 = arith.constant 1 : i32
    %get3A_558 = arith.index_cast %get3A_557 : i32 to index
    %get3A_559 = arith.constant 0 : index
    %get3A_560 = tpu.vector_load %arg7[%get3A_558, %get3A_559] {strides = array<i32>} : memref<32x16xi32, #tpu.memory_space<vmem>>, vector<16xi32>,
    %reduce_max3A_561 = arith.constant true
    %reduce_max3A_562 = vector.broadcast %reduce_max3A_561 : i1 to vector<16xi1>
    %reduce_max3A_563 = arith.constant -2147483648 : i32
    %reduce_max3A_564 = vector.broadcast %reduce_max3A_563 : i32 to vector<16xi32>
    %reduce_max3A_565 = arith.xori %get3A_560, %reduce_max3A_564 : vector<16xi32>
    %reduce_max3A_566 = tpu.scan <max>, %reduce_max3A_565 masked %reduce_max3A_562 : vector<16xi32>, vector<16xi1> -> vector<16xi32>
    %reduce_max3A_567 = arith.xori %reduce_max3A_566, %reduce_max3A_564 : vector<16xi32>
    %reduce_max3A_568 = vector.extract %reduce_max3A_567[15] : i32 from vector<16xi32>
    %eq3A_569 = arith.constant 1 : i32
    %eq3A_570 = vector.broadcast %eq3A_569 : i32 to vector<16xi32>
    %eq3A_571 = arith.cmpi eq, %iota3A, %eq3A_570 : vector<16xi32>
    %broadcast_in_dim3A_572 = arith.constant 0 : i32
    %broadcast_in_dim3A_573 = vector.broadcast %broadcast_in_dim3A_572 : i32 to vector<16xi32>
    %add3A_574 = vector.broadcast %reduce_max3A_568 : i32 to vector<16xi32>
    %add3A_575 = arith.addi %broadcast_in_dim3A_573, %add3A_574 : vector<16xi32>
    %select_n3A_576 = arith.select %eq3A_571, %add3A_575, %select_n3A : vector<16xi1>, vector<16xi32>
    %get3A_577 = arith.constant 2 : i32
    %get3A_578 = arith.index_cast %get3A_577 : i32 to index
    %get3A_579 = arith.constant 0 : index
    %get3A_580 = tpu.vector_load %arg7[%get3A_578, %get3A_579] {strides = array<i32>} : memref<32x16xi32, #tpu.memory_space<vmem>>, vector<16xi32>,
    %reduce_max3A_581 = arith.constant true
    %reduce_max3A_582 = vector.broadcast %reduce_max3A_581 : i1 to vector<16xi1>
    %reduce_max3A_583 = arith.constant -2147483648 : i32
    %reduce_max3A_584 = vector.broadcast %reduce_max3A_583 : i32 to vector<16xi32>
    %reduce_max3A_585 = arith.xori %get3A_580, %reduce_max3A_584 : vector<16xi32>
    %reduce_max3A_586 = tpu.scan <max>, %reduce_max3A_585 masked %reduce_max3A_582 : vector<16xi32>, vector<16xi1> -> vector<16xi32>
    %reduce_max3A_587 = arith.xori %reduce_max3A_586, %reduce_max3A_584 : vector<16xi32>
    %reduce_max3A_588 = vector.extract %reduce_max3A_587[15] : i32 from vector<16xi32>
    %eq3A_589 = arith.constant 2 : i32
    %eq3A_590 = vector.broadcast %eq3A_589 : i32 to vector<16xi32>
    %eq3A_591 = arith.cmpi eq, %iota3A, %eq3A_590 : vector<16xi32>
    %broadcast_in_dim3A_592 = arith.constant 0 : i32
    %broadcast_in_dim3A_593 = vector.broadcast %broadcast_in_dim3A_592 : i32 to vector<16xi32>
    %add3A_594 = vector.broadcast %reduce_max3A_588 : i32 to vector<16xi32>
    %add3A_595 = arith.addi %broadcast_in_dim3A_593, %add3A_594 : vector<16xi32>
    %select_n3A_596 = arith.select %eq3A_591, %add3A_595, %select_n3A_576 : vector<16xi1>, vector<16xi32>
    %get3A_597 = arith.constant 3 : i32
    %get3A_598 = arith.index_cast %get3A_597 : i32 to index
    %get3A_599 = arith.constant 0 : index
    %get3A_600 = tpu.vector_load %arg7[%get3A_598, %get3A_599] {strides = array<i32>} : memref<32x16xi32, #tpu.memory_space<vmem>>, vector<16xi32>,
    %reduce_max3A_601 = arith.constant true
    %reduce_max3A_602 = vector.broadcast %reduce_max3A_601 : i1 to vector<16xi1>
    %reduce_max3A_603 = arith.constant -2147483648 : i32
    %reduce_max3A_604 = vector.broadcast %reduce_max3A_603 : i32 to vector<16xi32>
    %reduce_max3A_605 = arith.xori %get3A_600, %reduce_max3A_604 : vector<16xi32>
    %reduce_max3A_606 = tpu.scan <max>, %reduce_max3A_605 masked %reduce_max3A_602 : vector<16xi32>, vector<16xi1> -> vector<16xi32>
    %reduce_max3A_607 = arith.xori %reduce_max3A_606, %reduce_max3A_604 : vector<16xi32>
    %reduce_max3A_608 = vector.extract %reduce_max3A_607[15] : i32 from vector<16xi32>
    %eq3A_609 = arith.constant 3 : i32
    %eq3A_610 = vector.broadcast %eq3A_609 : i32 to vector<16xi32>
    %eq3A_611 = arith.cmpi eq, %iota3A, %eq3A_610 : vector<16xi32>
    %broadcast_in_dim3A_612 = arith.constant 0 : i32
    %broadcast_in_dim3A_613 = vector.broadcast %broadcast_in_dim3A_612 : i32 to vector<16xi32>
    %add3A_614 = vector.broadcast %reduce_max3A_608 : i32 to vector<16xi32>
    %add3A_615 = arith.addi %broadcast_in_dim3A_613, %add3A_614 : vector<16xi32>
    %select_n3A_616 = arith.select %eq3A_611, %add3A_615, %select_n3A_596 : vector<16xi1>, vector<16xi32>
    %get3A_617 = arith.constant 4 : i32
    %get3A_618 = arith.index_cast %get3A_617 : i32 to index
    %get3A_619 = arith.constant 0 : index
    %get3A_620 = tpu.vector_load %arg7[%get3A_618, %get3A_619] {strides = array<i32>} : memref<32x16xi32, #tpu.memory_space<vmem>>, vector<16xi32>,
    %reduce_max3A_621 = arith.constant true
    %reduce_max3A_622 = vector.broadcast %reduce_max3A_621 : i1 to vector<16xi1>
    %reduce_max3A_623 = arith.constant -2147483648 : i32
    %reduce_max3A_624 = vector.broadcast %reduce_max3A_623 : i32 to vector<16xi32>
    %reduce_max3A_625 = arith.xori %get3A_620, %reduce_max3A_624 : vector<16xi32>
    %reduce_max3A_626 = tpu.scan <max>, %reduce_max3A_625 masked %reduce_max3A_622 : vector<16xi32>, vector<16xi1> -> vector<16xi32>
    %reduce_max3A_627 = arith.xori %reduce_max3A_626, %reduce_max3A_624 : vector<16xi32>
    %reduce_max3A_628 = vector.extract %reduce_max3A_627[15] : i32 from vector<16xi32>
    %eq3A_629 = arith.constant 4 : i32
    %eq3A_630 = vector.broadcast %eq3A_629 : i32 to vector<16xi32>
    %eq3A_631 = arith.cmpi eq, %iota3A, %eq3A_630 : vector<16xi32>
    %broadcast_in_dim3A_632 = arith.constant 0 : i32
    %broadcast_in_dim3A_633 = vector.broadcast %broadcast_in_dim3A_632 : i32 to vector<16xi32>
    %add3A_634 = vector.broadcast %reduce_max3A_628 : i32 to vector<16xi32>
    %add3A_635 = arith.addi %broadcast_in_dim3A_633, %add3A_634 : vector<16xi32>
    %select_n3A_636 = arith.select %eq3A_631, %add3A_635, %select_n3A_616 : vector<16xi1>, vector<16xi32>
    %get3A_637 = arith.constant 5 : i32
    %get3A_638 = arith.index_cast %get3A_637 : i32 to index
    %get3A_639 = arith.constant 0 : index
    %get3A_640 = tpu.vector_load %arg7[%get3A_638, %get3A_639] {strides = array<i32>} : memref<32x16xi32, #tpu.memory_space<vmem>>, vector<16xi32>,
    %reduce_max3A_641 = arith.constant true
    %reduce_max3A_642 = vector.broadcast %reduce_max3A_641 : i1 to vector<16xi1>
    %reduce_max3A_643 = arith.constant -2147483648 : i32
    %reduce_max3A_644 = vector.broadcast %reduce_max3A_643 : i32 to vector<16xi32>
    %reduce_max3A_645 = arith.xori %get3A_640, %reduce_max3A_644 : vector<16xi32>
    %reduce_max3A_646 = tpu.scan <max>, %reduce_max3A_645 masked %reduce_max3A_642 : vector<16xi32>, vector<16xi1> -> vector<16xi32>
    %reduce_max3A_647 = arith.xori %reduce_max3A_646, %reduce_max3A_644 : vector<16xi32>
    %reduce_max3A_648 = vector.extract %reduce_max3A_647[15] : i32 from vector<16xi32>
    %eq3A_649 = arith.constant 5 : i32
    %eq3A_650 = vector.broadcast %eq3A_649 : i32 to vector<16xi32>
    %eq3A_651 = arith.cmpi eq, %iota3A, %eq3A_650 : vector<16xi32>
    %broadcast_in_dim3A_652 = arith.constant 0 : i32
    %broadcast_in_dim3A_653 = vector.broadcast %broadcast_in_dim3A_652 : i32 to vector<16xi32>
    %add3A_654 = vector.broadcast %reduce_max3A_648 : i32 to vector<16xi32>
    %add3A_655 = arith.addi %broadcast_in_dim3A_653, %add3A_654 : vector<16xi32>
    %select_n3A_656 = arith.select %eq3A_651, %add3A_655, %select_n3A_636 : vector<16xi1>, vector<16xi32>
    %get3A_657 = arith.constant 6 : i32
    %get3A_658 = arith.index_cast %get3A_657 : i32 to index
    %get3A_659 = arith.constant 0 : index
    %get3A_660 = tpu.vector_load %arg7[%get3A_658, %get3A_659] {strides = array<i32>} : memref<32x16xi32, #tpu.memory_space<vmem>>, vector<16xi32>,
    %reduce_max3A_661 = arith.constant true
    %reduce_max3A_662 = vector.broadcast %reduce_max3A_661 : i1 to vector<16xi1>
    %reduce_max3A_663 = arith.constant -2147483648 : i32
    %reduce_max3A_664 = vector.broadcast %reduce_max3A_663 : i32 to vector<16xi32>
    %reduce_max3A_665 = arith.xori %get3A_660, %reduce_max3A_664 : vector<16xi32>
    %reduce_max3A_666 = tpu.scan <max>, %reduce_max3A_665 masked %reduce_max3A_662 : vector<16xi32>, vector<16xi1> -> vector<16xi32>
    %reduce_max3A_667 = arith.xori %reduce_max3A_666, %reduce_max3A_664 : vector<16xi32>
    %reduce_max3A_668 = vector.extract %reduce_max3A_667[15] : i32 from vector<16xi32>
    %eq3A_669 = arith.constant 6 : i32
    %eq3A_670 = vector.broadcast %eq3A_669 : i32 to vector<16xi32>
    %eq3A_671 = arith.cmpi eq, %iota3A, %eq3A_670 : vector<16xi32>
    %broadcast_in_dim3A_672 = arith.constant 0 : i32
    %broadcast_in_dim3A_673 = vector.broadcast %broadcast_in_dim3A_672 : i32 to vector<16xi32>
    %add3A_674 = vector.broadcast %reduce_max3A_668 : i32 to vector<16xi32>
    %add3A_675 = arith.addi %broadcast_in_dim3A_673, %add3A_674 : vector<16xi32>
    %select_n3A_676 = arith.select %eq3A_671, %add3A_675, %select_n3A_656 : vector<16xi1>, vector<16xi32>
    %get3A_677 = arith.constant 7 : i32
    %get3A_678 = arith.index_cast %get3A_677 : i32 to index
    %get3A_679 = arith.constant 0 : index
    %get3A_680 = tpu.vector_load %arg7[%get3A_678, %get3A_679] {strides = array<i32>} : memref<32x16xi32, #tpu.memory_space<vmem>>, vector<16xi32>,
    %reduce_max3A_681 = arith.constant true
    %reduce_max3A_682 = vector.broadcast %reduce_max3A_681 : i1 to vector<16xi1>
    %reduce_max3A_683 = arith.constant -2147483648 : i32
    %reduce_max3A_684 = vector.broadcast %reduce_max3A_683 : i32 to vector<16xi32>
    %reduce_max3A_685 = arith.xori %get3A_680, %reduce_max3A_684 : vector<16xi32>
    %reduce_max3A_686 = tpu.scan <max>, %reduce_max3A_685 masked %reduce_max3A_682 : vector<16xi32>, vector<16xi1> -> vector<16xi32>
    %reduce_max3A_687 = arith.xori %reduce_max3A_686, %reduce_max3A_684 : vector<16xi32>
    %reduce_max3A_688 = vector.extract %reduce_max3A_687[15] : i32 from vector<16xi32>
    %eq3A_689 = arith.constant 7 : i32
    %eq3A_690 = vector.broadcast %eq3A_689 : i32 to vector<16xi32>
    %eq3A_691 = arith.cmpi eq, %iota3A, %eq3A_690 : vector<16xi32>
    %broadcast_in_dim3A_692 = arith.constant 0 : i32
    %broadcast_in_dim3A_693 = vector.broadcast %broadcast_in_dim3A_692 : i32 to vector<16xi32>
    %add3A_694 = vector.broadcast %reduce_max3A_688 : i32 to vector<16xi32>
    %add3A_695 = arith.addi %broadcast_in_dim3A_693, %add3A_694 : vector<16xi32>
    %select_n3A_696 = arith.select %eq3A_691, %add3A_695, %select_n3A_676 : vector<16xi1>, vector<16xi32>
    %get3A_697 = arith.constant 8 : i32
    %get3A_698 = arith.index_cast %get3A_697 : i32 to index
    %get3A_699 = arith.constant 0 : index
    %get3A_700 = tpu.vector_load %arg7[%get3A_698, %get3A_699] {strides = array<i32>} : memref<32x16xi32, #tpu.memory_space<vmem>>, vector<16xi32>,
    %reduce_max3A_701 = arith.constant true
    %reduce_max3A_702 = vector.broadcast %reduce_max3A_701 : i1 to vector<16xi1>
    %reduce_max3A_703 = arith.constant -2147483648 : i32
    %reduce_max3A_704 = vector.broadcast %reduce_max3A_703 : i32 to vector<16xi32>
    %reduce_max3A_705 = arith.xori %get3A_700, %reduce_max3A_704 : vector<16xi32>
    %reduce_max3A_706 = tpu.scan <max>, %reduce_max3A_705 masked %reduce_max3A_702 : vector<16xi32>, vector<16xi1> -> vector<16xi32>
    %reduce_max3A_707 = arith.xori %reduce_max3A_706, %reduce_max3A_704 : vector<16xi32>
    %reduce_max3A_708 = vector.extract %reduce_max3A_707[15] : i32 from vector<16xi32>
    %eq3A_709 = arith.constant 8 : i32
    %eq3A_710 = vector.broadcast %eq3A_709 : i32 to vector<16xi32>
    %eq3A_711 = arith.cmpi eq, %iota3A, %eq3A_710 : vector<16xi32>
    %broadcast_in_dim3A_712 = arith.constant 0 : i32
    %broadcast_in_dim3A_713 = vector.broadcast %broadcast_in_dim3A_712 : i32 to vector<16xi32>
    %add3A_714 = vector.broadcast %reduce_max3A_708 : i32 to vector<16xi32>
    %add3A_715 = arith.addi %broadcast_in_dim3A_713, %add3A_714 : vector<16xi32>
    %select_n3A_716 = arith.select %eq3A_711, %add3A_715, %select_n3A_696 : vector<16xi1>, vector<16xi32>
    %get3A_717 = arith.constant 9 : i32
    %get3A_718 = arith.index_cast %get3A_717 : i32 to index
    %get3A_719 = arith.constant 0 : index
    %get3A_720 = tpu.vector_load %arg7[%get3A_718, %get3A_719] {strides = array<i32>} : memref<32x16xi32, #tpu.memory_space<vmem>>, vector<16xi32>,
    %reduce_max3A_721 = arith.constant true
    %reduce_max3A_722 = vector.broadcast %reduce_max3A_721 : i1 to vector<16xi1>
    %reduce_max3A_723 = arith.constant -2147483648 : i32
    %reduce_max3A_724 = vector.broadcast %reduce_max3A_723 : i32 to vector<16xi32>
    %reduce_max3A_725 = arith.xori %get3A_720, %reduce_max3A_724 : vector<16xi32>
    %reduce_max3A_726 = tpu.scan <max>, %reduce_max3A_725 masked %reduce_max3A_722 : vector<16xi32>, vector<16xi1> -> vector<16xi32>
    %reduce_max3A_727 = arith.xori %reduce_max3A_726, %reduce_max3A_724 : vector<16xi32>
    %reduce_max3A_728 = vector.extract %reduce_max3A_727[15] : i32 from vector<16xi32>
    %eq3A_729 = arith.constant 9 : i32
    %eq3A_730 = vector.broadcast %eq3A_729 : i32 to vector<16xi32>
    %eq3A_731 = arith.cmpi eq, %iota3A, %eq3A_730 : vector<16xi32>
    %broadcast_in_dim3A_732 = arith.constant 0 : i32
    %broadcast_in_dim3A_733 = vector.broadcast %broadcast_in_dim3A_732 : i32 to vector<16xi32>
    %add3A_734 = vector.broadcast %reduce_max3A_728 : i32 to vector<16xi32>
    %add3A_735 = arith.addi %broadcast_in_dim3A_733, %add3A_734 : vector<16xi32>
    %select_n3A_736 = arith.select %eq3A_731, %add3A_735, %select_n3A_716 : vector<16xi1>, vector<16xi32>
    %get3A_737 = arith.constant 10 : i32
    %get3A_738 = arith.index_cast %get3A_737 : i32 to index
    %get3A_739 = arith.constant 0 : index
    %get3A_740 = tpu.vector_load %arg7[%get3A_738, %get3A_739] {strides = array<i32>} : memref<32x16xi32, #tpu.memory_space<vmem>>, vector<16xi32>,
    %reduce_max3A_741 = arith.constant true
    %reduce_max3A_742 = vector.broadcast %reduce_max3A_741 : i1 to vector<16xi1>
    %reduce_max3A_743 = arith.constant -2147483648 : i32
    %reduce_max3A_744 = vector.broadcast %reduce_max3A_743 : i32 to vector<16xi32>
    %reduce_max3A_745 = arith.xori %get3A_740, %reduce_max3A_744 : vector<16xi32>
    %reduce_max3A_746 = tpu.scan <max>, %reduce_max3A_745 masked %reduce_max3A_742 : vector<16xi32>, vector<16xi1> -> vector<16xi32>
    %reduce_max3A_747 = arith.xori %reduce_max3A_746, %reduce_max3A_744 : vector<16xi32>
    %reduce_max3A_748 = vector.extract %reduce_max3A_747[15] : i32 from vector<16xi32>
    %eq3A_749 = arith.constant 10 : i32
    %eq3A_750 = vector.broadcast %eq3A_749 : i32 to vector<16xi32>
    %eq3A_751 = arith.cmpi eq, %iota3A, %eq3A_750 : vector<16xi32>
    %broadcast_in_dim3A_752 = arith.constant 0 : i32
    %broadcast_in_dim3A_753 = vector.broadcast %broadcast_in_dim3A_752 : i32 to vector<16xi32>
    %add3A_754 = vector.broadcast %reduce_max3A_748 : i32 to vector<16xi32>
    %add3A_755 = arith.addi %broadcast_in_dim3A_753, %add3A_754 : vector<16xi32>
    %select_n3A_756 = arith.select %eq3A_751, %add3A_755, %select_n3A_736 : vector<16xi1>, vector<16xi32>
    %get3A_757 = arith.constant 11 : i32
    %get3A_758 = arith.index_cast %get3A_757 : i32 to index
    %get3A_759 = arith.constant 0 : index
    %get3A_760 = tpu.vector_load %arg7[%get3A_758, %get3A_759] {strides = array<i32>} : memref<32x16xi32, #tpu.memory_space<vmem>>, vector<16xi32>,
    %reduce_max3A_761 = arith.constant true
    %reduce_max3A_762 = vector.broadcast %reduce_max3A_761 : i1 to vector<16xi1>
    %reduce_max3A_763 = arith.constant -2147483648 : i32
    %reduce_max3A_764 = vector.broadcast %reduce_max3A_763 : i32 to vector<16xi32>
    %reduce_max3A_765 = arith.xori %get3A_760, %reduce_max3A_764 : vector<16xi32>
    %reduce_max3A_766 = tpu.scan <max>, %reduce_max3A_765 masked %reduce_max3A_762 : vector<16xi32>, vector<16xi1> -> vector<16xi32>
    %reduce_max3A_767 = arith.xori %reduce_max3A_766, %reduce_max3A_764 : vector<16xi32>
    %reduce_max3A_768 = vector.extract %reduce_max3A_767[15] : i32 from vector<16xi32>
    %eq3A_769 = arith.constant 11 : i32
    %eq3A_770 = vector.broadcast %eq3A_769 : i32 to vector<16xi32>
    %eq3A_771 = arith.cmpi eq, %iota3A, %eq3A_770 : vector<16xi32>
    %broadcast_in_dim3A_772 = arith.constant 0 : i32
    %broadcast_in_dim3A_773 = vector.broadcast %broadcast_in_dim3A_772 : i32 to vector<16xi32>
    %add3A_774 = vector.broadcast %reduce_max3A_768 : i32 to vector<16xi32>
    %add3A_775 = arith.addi %broadcast_in_dim3A_773, %add3A_774 : vector<16xi32>
    %select_n3A_776 = arith.select %eq3A_771, %add3A_775, %select_n3A_756 : vector<16xi1>, vector<16xi32>
    %get3A_777 = arith.constant 12 : i32
    %get3A_778 = arith.index_cast %get3A_777 : i32 to index
    %get3A_779 = arith.constant 0 : index
    %get3A_780 = tpu.vector_load %arg7[%get3A_778, %get3A_779] {strides = array<i32>} : memref<32x16xi32, #tpu.memory_space<vmem>>, vector<16xi32>,
    %reduce_max3A_781 = arith.constant true
    %reduce_max3A_782 = vector.broadcast %reduce_max3A_781 : i1 to vector<16xi1>
    %reduce_max3A_783 = arith.constant -2147483648 : i32
    %reduce_max3A_784 = vector.broadcast %reduce_max3A_783 : i32 to vector<16xi32>
    %reduce_max3A_785 = arith.xori %get3A_780, %reduce_max3A_784 : vector<16xi32>
    %reduce_max3A_786 = tpu.scan <max>, %reduce_max3A_785 masked %reduce_max3A_782 : vector<16xi32>, vector<16xi1> -> vector<16xi32>
    %reduce_max3A_787 = arith.xori %reduce_max3A_786, %reduce_max3A_784 : vector<16xi32>
    %reduce_max3A_788 = vector.extract %reduce_max3A_787[15] : i32 from vector<16xi32>
    %eq3A_789 = arith.constant 12 : i32
    %eq3A_790 = vector.broadcast %eq3A_789 : i32 to vector<16xi32>
    %eq3A_791 = arith.cmpi eq, %iota3A, %eq3A_790 : vector<16xi32>
    %broadcast_in_dim3A_792 = arith.constant 0 : i32
    %broadcast_in_dim3A_793 = vector.broadcast %broadcast_in_dim3A_792 : i32 to vector<16xi32>
    %add3A_794 = vector.broadcast %reduce_max3A_788 : i32 to vector<16xi32>
    %add3A_795 = arith.addi %broadcast_in_dim3A_793, %add3A_794 : vector<16xi32>
    %select_n3A_796 = arith.select %eq3A_791, %add3A_795, %select_n3A_776 : vector<16xi1>, vector<16xi32>
    %get3A_797 = arith.constant 13 : i32
    %get3A_798 = arith.index_cast %get3A_797 : i32 to index
    %get3A_799 = arith.constant 0 : index
    %get3A_800 = tpu.vector_load %arg7[%get3A_798, %get3A_799] {strides = array<i32>} : memref<32x16xi32, #tpu.memory_space<vmem>>, vector<16xi32>,
    %reduce_max3A_801 = arith.constant true
    %reduce_max3A_802 = vector.broadcast %reduce_max3A_801 : i1 to vector<16xi1>
    %reduce_max3A_803 = arith.constant -2147483648 : i32
    %reduce_max3A_804 = vector.broadcast %reduce_max3A_803 : i32 to vector<16xi32>
    %reduce_max3A_805 = arith.xori %get3A_800, %reduce_max3A_804 : vector<16xi32>
    %reduce_max3A_806 = tpu.scan <max>, %reduce_max3A_805 masked %reduce_max3A_802 : vector<16xi32>, vector<16xi1> -> vector<16xi32>
    %reduce_max3A_807 = arith.xori %reduce_max3A_806, %reduce_max3A_804 : vector<16xi32>
    %reduce_max3A_808 = vector.extract %reduce_max3A_807[15] : i32 from vector<16xi32>
    %eq3A_809 = arith.constant 13 : i32
    %eq3A_810 = vector.broadcast %eq3A_809 : i32 to vector<16xi32>
    %eq3A_811 = arith.cmpi eq, %iota3A, %eq3A_810 : vector<16xi32>
    %broadcast_in_dim3A_812 = arith.constant 0 : i32
    %broadcast_in_dim3A_813 = vector.broadcast %broadcast_in_dim3A_812 : i32 to vector<16xi32>
    %add3A_814 = vector.broadcast %reduce_max3A_808 : i32 to vector<16xi32>
    %add3A_815 = arith.addi %broadcast_in_dim3A_813, %add3A_814 : vector<16xi32>
    %select_n3A_816 = arith.select %eq3A_811, %add3A_815, %select_n3A_796 : vector<16xi1>, vector<16xi32>
    %get3A_817 = arith.constant 14 : i32
    %get3A_818 = arith.index_cast %get3A_817 : i32 to index
    %get3A_819 = arith.constant 0 : index
    %get3A_820 = tpu.vector_load %arg7[%get3A_818, %get3A_819] {strides = array<i32>} : memref<32x16xi32, #tpu.memory_space<vmem>>, vector<16xi32>,
    %reduce_max3A_821 = arith.constant true
    %reduce_max3A_822 = vector.broadcast %reduce_max3A_821 : i1 to vector<16xi1>
    %reduce_max3A_823 = arith.constant -2147483648 : i32
    %reduce_max3A_824 = vector.broadcast %reduce_max3A_823 : i32 to vector<16xi32>
    %reduce_max3A_825 = arith.xori %get3A_820, %reduce_max3A_824 : vector<16xi32>
    %reduce_max3A_826 = tpu.scan <max>, %reduce_max3A_825 masked %reduce_max3A_822 : vector<16xi32>, vector<16xi1> -> vector<16xi32>
    %reduce_max3A_827 = arith.xori %reduce_max3A_826, %reduce_max3A_824 : vector<16xi32>
    %reduce_max3A_828 = vector.extract %reduce_max3A_827[15] : i32 from vector<16xi32>
    %eq3A_829 = arith.constant 14 : i32
    %eq3A_830 = vector.broadcast %eq3A_829 : i32 to vector<16xi32>
    %eq3A_831 = arith.cmpi eq, %iota3A, %eq3A_830 : vector<16xi32>
    %broadcast_in_dim3A_832 = arith.constant 0 : i32
    %broadcast_in_dim3A_833 = vector.broadcast %broadcast_in_dim3A_832 : i32 to vector<16xi32>
    %add3A_834 = vector.broadcast %reduce_max3A_828 : i32 to vector<16xi32>
    %add3A_835 = arith.addi %broadcast_in_dim3A_833, %add3A_834 : vector<16xi32>
    %select_n3A_836 = arith.select %eq3A_831, %add3A_835, %select_n3A_816 : vector<16xi1>, vector<16xi32>
    %get3A_837 = arith.constant 15 : i32
    %get3A_838 = arith.index_cast %get3A_837 : i32 to index
    %get3A_839 = arith.constant 0 : index
    %get3A_840 = tpu.vector_load %arg7[%get3A_838, %get3A_839] {strides = array<i32>} : memref<32x16xi32, #tpu.memory_space<vmem>>, vector<16xi32>,
    %reduce_max3A_841 = arith.constant true
    %reduce_max3A_842 = vector.broadcast %reduce_max3A_841 : i1 to vector<16xi1>
    %reduce_max3A_843 = arith.constant -2147483648 : i32
    %reduce_max3A_844 = vector.broadcast %reduce_max3A_843 : i32 to vector<16xi32>
    %reduce_max3A_845 = arith.xori %get3A_840, %reduce_max3A_844 : vector<16xi32>
    %reduce_max3A_846 = tpu.scan <max>, %reduce_max3A_845 masked %reduce_max3A_842 : vector<16xi32>, vector<16xi1> -> vector<16xi32>
    %reduce_max3A_847 = arith.xori %reduce_max3A_846, %reduce_max3A_844 : vector<16xi32>
    %reduce_max3A_848 = vector.extract %reduce_max3A_847[15] : i32 from vector<16xi32>
    %eq3A_849 = arith.constant 15 : i32
    %eq3A_850 = vector.broadcast %eq3A_849 : i32 to vector<16xi32>
    %eq3A_851 = arith.cmpi eq, %iota3A, %eq3A_850 : vector<16xi32>
    %broadcast_in_dim3A_852 = arith.constant 0 : i32
    %broadcast_in_dim3A_853 = vector.broadcast %broadcast_in_dim3A_852 : i32 to vector<16xi32>
    %add3A_854 = vector.broadcast %reduce_max3A_848 : i32 to vector<16xi32>
    %add3A_855 = arith.addi %broadcast_in_dim3A_853, %add3A_854 : vector<16xi32>
    %select_n3A_856 = arith.select %eq3A_851, %add3A_855, %select_n3A_836 : vector<16xi1>, vector<16xi32>
    %swap3A_857 = arith.constant 0 : index
    %swap3A_858 = tpu.vector_load %arg8[%swap3A_857] {strides = array<i32>} : memref<32xi32, #tpu.memory_space<vmem>>, vector<16xi32>,
    tpu.vector_store %arg8[%swap3A_857], %select_n3A_856 {strides = array<i32>} : memref<32xi32, #tpu.memory_space<vmem>>, vector<16xi32>,
    %broadcast_in_dim3A_859 = arith.constant 0 : i32
    %broadcast_in_dim3A_860 = vector.broadcast %broadcast_in_dim3A_859 : i32 to vector<16xi32>
    %get3A_861 = arith.constant 16 : i32
    %get3A_862 = arith.index_cast %get3A_861 : i32 to index
    %get3A_863 = arith.constant 0 : index
    %get3A_864 = tpu.vector_load %arg7[%get3A_862, %get3A_863] {strides = array<i32>} : memref<32x16xi32, #tpu.memory_space<vmem>>, vector<16xi32>,
    %reduce_max3A_865 = arith.constant true
    %reduce_max3A_866 = vector.broadcast %reduce_max3A_865 : i1 to vector<16xi1>
    %reduce_max3A_867 = arith.constant -2147483648 : i32
    %reduce_max3A_868 = vector.broadcast %reduce_max3A_867 : i32 to vector<16xi32>
    %reduce_max3A_869 = arith.xori %get3A_864, %reduce_max3A_868 : vector<16xi32>
    %reduce_max3A_870 = tpu.scan <max>, %reduce_max3A_869 masked %reduce_max3A_866 : vector<16xi32>, vector<16xi1> -> vector<16xi32>
    %reduce_max3A_871 = arith.xori %reduce_max3A_870, %reduce_max3A_868 : vector<16xi32>
    %reduce_max3A_872 = vector.extract %reduce_max3A_871[15] : i32 from vector<16xi32>
    %eq3A_873 = arith.constant 0 : i32
    %eq3A_874 = vector.broadcast %eq3A_873 : i32 to vector<16xi32>
    %eq3A_875 = arith.cmpi eq, %iota3A, %eq3A_874 : vector<16xi32>
    %broadcast_in_dim3A_876 = arith.constant 0 : i32
    %broadcast_in_dim3A_877 = vector.broadcast %broadcast_in_dim3A_876 : i32 to vector<16xi32>
    %add3A_878 = vector.broadcast %reduce_max3A_872 : i32 to vector<16xi32>
    %add3A_879 = arith.addi %broadcast_in_dim3A_877, %add3A_878 : vector<16xi32>
    %select_n3A_880 = arith.select %eq3A_875, %add3A_879, %broadcast_in_dim3A_860 : vector<16xi1>, vector<16xi32>
    %get3A_881 = arith.constant 17 : i32
    %get3A_882 = arith.index_cast %get3A_881 : i32 to index
    %get3A_883 = arith.constant 0 : index
    %get3A_884 = tpu.vector_load %arg7[%get3A_882, %get3A_883] {strides = array<i32>} : memref<32x16xi32, #tpu.memory_space<vmem>>, vector<16xi32>,
    %reduce_max3A_885 = arith.constant true
    %reduce_max3A_886 = vector.broadcast %reduce_max3A_885 : i1 to vector<16xi1>
    %reduce_max3A_887 = arith.constant -2147483648 : i32
    %reduce_max3A_888 = vector.broadcast %reduce_max3A_887 : i32 to vector<16xi32>
    %reduce_max3A_889 = arith.xori %get3A_884, %reduce_max3A_888 : vector<16xi32>
    %reduce_max3A_890 = tpu.scan <max>, %reduce_max3A_889 masked %reduce_max3A_886 : vector<16xi32>, vector<16xi1> -> vector<16xi32>
    %reduce_max3A_891 = arith.xori %reduce_max3A_890, %reduce_max3A_888 : vector<16xi32>
    %reduce_max3A_892 = vector.extract %reduce_max3A_891[15] : i32 from vector<16xi32>
    %eq3A_893 = arith.constant 1 : i32
    %eq3A_894 = vector.broadcast %eq3A_893 : i32 to vector<16xi32>
    %eq3A_895 = arith.cmpi eq, %iota3A, %eq3A_894 : vector<16xi32>
    %broadcast_in_dim3A_896 = arith.constant 0 : i32
    %broadcast_in_dim3A_897 = vector.broadcast %broadcast_in_dim3A_896 : i32 to vector<16xi32>
    %add3A_898 = vector.broadcast %reduce_max3A_892 : i32 to vector<16xi32>
    %add3A_899 = arith.addi %broadcast_in_dim3A_897, %add3A_898 : vector<16xi32>
    %select_n3A_900 = arith.select %eq3A_895, %add3A_899, %select_n3A_880 : vector<16xi1>, vector<16xi32>
    %get3A_901 = arith.constant 18 : i32
    %get3A_902 = arith.index_cast %get3A_901 : i32 to index
    %get3A_903 = arith.constant 0 : index
    %get3A_904 = tpu.vector_load %arg7[%get3A_902, %get3A_903] {strides = array<i32>} : memref<32x16xi32, #tpu.memory_space<vmem>>, vector<16xi32>,
    %reduce_max3A_905 = arith.constant true
    %reduce_max3A_906 = vector.broadcast %reduce_max3A_905 : i1 to vector<16xi1>
    %reduce_max3A_907 = arith.constant -2147483648 : i32
    %reduce_max3A_908 = vector.broadcast %reduce_max3A_907 : i32 to vector<16xi32>
    %reduce_max3A_909 = arith.xori %get3A_904, %reduce_max3A_908 : vector<16xi32>
    %reduce_max3A_910 = tpu.scan <max>, %reduce_max3A_909 masked %reduce_max3A_906 : vector<16xi32>, vector<16xi1> -> vector<16xi32>
    %reduce_max3A_911 = arith.xori %reduce_max3A_910, %reduce_max3A_908 : vector<16xi32>
    %reduce_max3A_912 = vector.extract %reduce_max3A_911[15] : i32 from vector<16xi32>
    %eq3A_913 = arith.constant 2 : i32
    %eq3A_914 = vector.broadcast %eq3A_913 : i32 to vector<16xi32>
    %eq3A_915 = arith.cmpi eq, %iota3A, %eq3A_914 : vector<16xi32>
    %broadcast_in_dim3A_916 = arith.constant 0 : i32
    %broadcast_in_dim3A_917 = vector.broadcast %broadcast_in_dim3A_916 : i32 to vector<16xi32>
    %add3A_918 = vector.broadcast %reduce_max3A_912 : i32 to vector<16xi32>
    %add3A_919 = arith.addi %broadcast_in_dim3A_917, %add3A_918 : vector<16xi32>
    %select_n3A_920 = arith.select %eq3A_915, %add3A_919, %select_n3A_900 : vector<16xi1>, vector<16xi32>
    %get3A_921 = arith.constant 19 : i32
    %get3A_922 = arith.index_cast %get3A_921 : i32 to index
    %get3A_923 = arith.constant 0 : index
    %get3A_924 = tpu.vector_load %arg7[%get3A_922, %get3A_923] {strides = array<i32>} : memref<32x16xi32, #tpu.memory_space<vmem>>, vector<16xi32>,
    %reduce_max3A_925 = arith.constant true
    %reduce_max3A_926 = vector.broadcast %reduce_max3A_925 : i1 to vector<16xi1>
    %reduce_max3A_927 = arith.constant -2147483648 : i32
    %reduce_max3A_928 = vector.broadcast %reduce_max3A_927 : i32 to vector<16xi32>
    %reduce_max3A_929 = arith.xori %get3A_924, %reduce_max3A_928 : vector<16xi32>
    %reduce_max3A_930 = tpu.scan <max>, %reduce_max3A_929 masked %reduce_max3A_926 : vector<16xi32>, vector<16xi1> -> vector<16xi32>
    %reduce_max3A_931 = arith.xori %reduce_max3A_930, %reduce_max3A_928 : vector<16xi32>
    %reduce_max3A_932 = vector.extract %reduce_max3A_931[15] : i32 from vector<16xi32>
    %eq3A_933 = arith.constant 3 : i32
    %eq3A_934 = vector.broadcast %eq3A_933 : i32 to vector<16xi32>
    %eq3A_935 = arith.cmpi eq, %iota3A, %eq3A_934 : vector<16xi32>
    %broadcast_in_dim3A_936 = arith.constant 0 : i32
    %broadcast_in_dim3A_937 = vector.broadcast %broadcast_in_dim3A_936 : i32 to vector<16xi32>
    %add3A_938 = vector.broadcast %reduce_max3A_932 : i32 to vector<16xi32>
    %add3A_939 = arith.addi %broadcast_in_dim3A_937, %add3A_938 : vector<16xi32>
    %select_n3A_940 = arith.select %eq3A_935, %add3A_939, %select_n3A_920 : vector<16xi1>, vector<16xi32>
    %get3A_941 = arith.constant 20 : i32
    %get3A_942 = arith.index_cast %get3A_941 : i32 to index
    %get3A_943 = arith.constant 0 : index
    %get3A_944 = tpu.vector_load %arg7[%get3A_942, %get3A_943] {strides = array<i32>} : memref<32x16xi32, #tpu.memory_space<vmem>>, vector<16xi32>,
    %reduce_max3A_945 = arith.constant true
    %reduce_max3A_946 = vector.broadcast %reduce_max3A_945 : i1 to vector<16xi1>
    %reduce_max3A_947 = arith.constant -2147483648 : i32
    %reduce_max3A_948 = vector.broadcast %reduce_max3A_947 : i32 to vector<16xi32>
    %reduce_max3A_949 = arith.xori %get3A_944, %reduce_max3A_948 : vector<16xi32>
    %reduce_max3A_950 = tpu.scan <max>, %reduce_max3A_949 masked %reduce_max3A_946 : vector<16xi32>, vector<16xi1> -> vector<16xi32>
    %reduce_max3A_951 = arith.xori %reduce_max3A_950, %reduce_max3A_948 : vector<16xi32>
    %reduce_max3A_952 = vector.extract %reduce_max3A_951[15] : i32 from vector<16xi32>
    %eq3A_953 = arith.constant 4 : i32
    %eq3A_954 = vector.broadcast %eq3A_953 : i32 to vector<16xi32>
    %eq3A_955 = arith.cmpi eq, %iota3A, %eq3A_954 : vector<16xi32>
    %broadcast_in_dim3A_956 = arith.constant 0 : i32
    %broadcast_in_dim3A_957 = vector.broadcast %broadcast_in_dim3A_956 : i32 to vector<16xi32>
    %add3A_958 = vector.broadcast %reduce_max3A_952 : i32 to vector<16xi32>
    %add3A_959 = arith.addi %broadcast_in_dim3A_957, %add3A_958 : vector<16xi32>
    %select_n3A_960 = arith.select %eq3A_955, %add3A_959, %select_n3A_940 : vector<16xi1>, vector<16xi32>
    %get3A_961 = arith.constant 21 : i32
    %get3A_962 = arith.index_cast %get3A_961 : i32 to index
    %get3A_963 = arith.constant 0 : index
    %get3A_964 = tpu.vector_load %arg7[%get3A_962, %get3A_963] {strides = array<i32>} : memref<32x16xi32, #tpu.memory_space<vmem>>, vector<16xi32>,
    %reduce_max3A_965 = arith.constant true
    %reduce_max3A_966 = vector.broadcast %reduce_max3A_965 : i1 to vector<16xi1>
    %reduce_max3A_967 = arith.constant -2147483648 : i32
    %reduce_max3A_968 = vector.broadcast %reduce_max3A_967 : i32 to vector<16xi32>
    %reduce_max3A_969 = arith.xori %get3A_964, %reduce_max3A_968 : vector<16xi32>
    %reduce_max3A_970 = tpu.scan <max>, %reduce_max3A_969 masked %reduce_max3A_966 : vector<16xi32>, vector<16xi1> -> vector<16xi32>
    %reduce_max3A_971 = arith.xori %reduce_max3A_970, %reduce_max3A_968 : vector<16xi32>
    %reduce_max3A_972 = vector.extract %reduce_max3A_971[15] : i32 from vector<16xi32>
    %eq3A_973 = arith.constant 5 : i32
    %eq3A_974 = vector.broadcast %eq3A_973 : i32 to vector<16xi32>
    %eq3A_975 = arith.cmpi eq, %iota3A, %eq3A_974 : vector<16xi32>
    %broadcast_in_dim3A_976 = arith.constant 0 : i32
    %broadcast_in_dim3A_977 = vector.broadcast %broadcast_in_dim3A_976 : i32 to vector<16xi32>
    %add3A_978 = vector.broadcast %reduce_max3A_972 : i32 to vector<16xi32>
    %add3A_979 = arith.addi %broadcast_in_dim3A_977, %add3A_978 : vector<16xi32>
    %select_n3A_980 = arith.select %eq3A_975, %add3A_979, %select_n3A_960 : vector<16xi1>, vector<16xi32>
    %get3A_981 = arith.constant 22 : i32
    %get3A_982 = arith.index_cast %get3A_981 : i32 to index
    %get3A_983 = arith.constant 0 : index
    %get3A_984 = tpu.vector_load %arg7[%get3A_982, %get3A_983] {strides = array<i32>} : memref<32x16xi32, #tpu.memory_space<vmem>>, vector<16xi32>,
    %reduce_max3A_985 = arith.constant true
    %reduce_max3A_986 = vector.broadcast %reduce_max3A_985 : i1 to vector<16xi1>
    %reduce_max3A_987 = arith.constant -2147483648 : i32
    %reduce_max3A_988 = vector.broadcast %reduce_max3A_987 : i32 to vector<16xi32>
    %reduce_max3A_989 = arith.xori %get3A_984, %reduce_max3A_988 : vector<16xi32>
    %reduce_max3A_990 = tpu.scan <max>, %reduce_max3A_989 masked %reduce_max3A_986 : vector<16xi32>, vector<16xi1> -> vector<16xi32>
    %reduce_max3A_991 = arith.xori %reduce_max3A_990, %reduce_max3A_988 : vector<16xi32>
    %reduce_max3A_992 = vector.extract %reduce_max3A_991[15] : i32 from vector<16xi32>
    %eq3A_993 = arith.constant 6 : i32
    %eq3A_994 = vector.broadcast %eq3A_993 : i32 to vector<16xi32>
    %eq3A_995 = arith.cmpi eq, %iota3A, %eq3A_994 : vector<16xi32>
    %broadcast_in_dim3A_996 = arith.constant 0 : i32
    %broadcast_in_dim3A_997 = vector.broadcast %broadcast_in_dim3A_996 : i32 to vector<16xi32>
    %add3A_998 = vector.broadcast %reduce_max3A_992 : i32 to vector<16xi32>
    %add3A_999 = arith.addi %broadcast_in_dim3A_997, %add3A_998 : vector<16xi32>
    %select_n3A_1000 = arith.select %eq3A_995, %add3A_999, %select_n3A_980 : vector<16xi1>, vector<16xi32>
    %get3A_1001 = arith.constant 23 : i32
    %get3A_1002 = arith.index_cast %get3A_1001 : i32 to index
    %get3A_1003 = arith.constant 0 : index
    %get3A_1004 = tpu.vector_load %arg7[%get3A_1002, %get3A_1003] {strides = array<i32>} : memref<32x16xi32, #tpu.memory_space<vmem>>, vector<16xi32>,
    %reduce_max3A_1005 = arith.constant true
    %reduce_max3A_1006 = vector.broadcast %reduce_max3A_1005 : i1 to vector<16xi1>
    %reduce_max3A_1007 = arith.constant -2147483648 : i32
    %reduce_max3A_1008 = vector.broadcast %reduce_max3A_1007 : i32 to vector<16xi32>
    %reduce_max3A_1009 = arith.xori %get3A_1004, %reduce_max3A_1008 : vector<16xi32>
    %reduce_max3A_1010 = tpu.scan <max>, %reduce_max3A_1009 masked %reduce_max3A_1006 : vector<16xi32>, vector<16xi1> -> vector<16xi32>
    %reduce_max3A_1011 = arith.xori %reduce_max3A_1010, %reduce_max3A_1008 : vector<16xi32>
    %reduce_max3A_1012 = vector.extract %reduce_max3A_1011[15] : i32 from vector<16xi32>
    %eq3A_1013 = arith.constant 7 : i32
    %eq3A_1014 = vector.broadcast %eq3A_1013 : i32 to vector<16xi32>
    %eq3A_1015 = arith.cmpi eq, %iota3A, %eq3A_1014 : vector<16xi32>
    %broadcast_in_dim3A_1016 = arith.constant 0 : i32
    %broadcast_in_dim3A_1017 = vector.broadcast %broadcast_in_dim3A_1016 : i32 to vector<16xi32>
    %add3A_1018 = vector.broadcast %reduce_max3A_1012 : i32 to vector<16xi32>
    %add3A_1019 = arith.addi %broadcast_in_dim3A_1017, %add3A_1018 : vector<16xi32>
    %select_n3A_1020 = arith.select %eq3A_1015, %add3A_1019, %select_n3A_1000 : vector<16xi1>, vector<16xi32>
    %get3A_1021 = arith.constant 24 : i32
    %get3A_1022 = arith.index_cast %get3A_1021 : i32 to index
    %get3A_1023 = arith.constant 0 : index
    %get3A_1024 = tpu.vector_load %arg7[%get3A_1022, %get3A_1023] {strides = array<i32>} : memref<32x16xi32, #tpu.memory_space<vmem>>, vector<16xi32>,
    %reduce_max3A_1025 = arith.constant true
    %reduce_max3A_1026 = vector.broadcast %reduce_max3A_1025 : i1 to vector<16xi1>
    %reduce_max3A_1027 = arith.constant -2147483648 : i32
    %reduce_max3A_1028 = vector.broadcast %reduce_max3A_1027 : i32 to vector<16xi32>
    %reduce_max3A_1029 = arith.xori %get3A_1024, %reduce_max3A_1028 : vector<16xi32>
    %reduce_max3A_1030 = tpu.scan <max>, %reduce_max3A_1029 masked %reduce_max3A_1026 : vector<16xi32>, vector<16xi1> -> vector<16xi32>
    %reduce_max3A_1031 = arith.xori %reduce_max3A_1030, %reduce_max3A_1028 : vector<16xi32>
    %reduce_max3A_1032 = vector.extract %reduce_max3A_1031[15] : i32 from vector<16xi32>
    %eq3A_1033 = arith.constant 8 : i32
    %eq3A_1034 = vector.broadcast %eq3A_1033 : i32 to vector<16xi32>
    %eq3A_1035 = arith.cmpi eq, %iota3A, %eq3A_1034 : vector<16xi32>
    %broadcast_in_dim3A_1036 = arith.constant 0 : i32
    %broadcast_in_dim3A_1037 = vector.broadcast %broadcast_in_dim3A_1036 : i32 to vector<16xi32>
    %add3A_1038 = vector.broadcast %reduce_max3A_1032 : i32 to vector<16xi32>
    %add3A_1039 = arith.addi %broadcast_in_dim3A_1037, %add3A_1038 : vector<16xi32>
    %select_n3A_1040 = arith.select %eq3A_1035, %add3A_1039, %select_n3A_1020 : vector<16xi1>, vector<16xi32>
    %get3A_1041 = arith.constant 25 : i32
    %get3A_1042 = arith.index_cast %get3A_1041 : i32 to index
    %get3A_1043 = arith.constant 0 : index
    %get3A_1044 = tpu.vector_load %arg7[%get3A_1042, %get3A_1043] {strides = array<i32>} : memref<32x16xi32, #tpu.memory_space<vmem>>, vector<16xi32>,
    %reduce_max3A_1045 = arith.constant true
    %reduce_max3A_1046 = vector.broadcast %reduce_max3A_1045 : i1 to vector<16xi1>
    %reduce_max3A_1047 = arith.constant -2147483648 : i32
    %reduce_max3A_1048 = vector.broadcast %reduce_max3A_1047 : i32 to vector<16xi32>
    %reduce_max3A_1049 = arith.xori %get3A_1044, %reduce_max3A_1048 : vector<16xi32>
    %reduce_max3A_1050 = tpu.scan <max>, %reduce_max3A_1049 masked %reduce_max3A_1046 : vector<16xi32>, vector<16xi1> -> vector<16xi32>
    %reduce_max3A_1051 = arith.xori %reduce_max3A_1050, %reduce_max3A_1048 : vector<16xi32>
    %reduce_max3A_1052 = vector.extract %reduce_max3A_1051[15] : i32 from vector<16xi32>
    %eq3A_1053 = arith.constant 9 : i32
    %eq3A_1054 = vector.broadcast %eq3A_1053 : i32 to vector<16xi32>
    %eq3A_1055 = arith.cmpi eq, %iota3A, %eq3A_1054 : vector<16xi32>
    %broadcast_in_dim3A_1056 = arith.constant 0 : i32
    %broadcast_in_dim3A_1057 = vector.broadcast %broadcast_in_dim3A_1056 : i32 to vector<16xi32>
    %add3A_1058 = vector.broadcast %reduce_max3A_1052 : i32 to vector<16xi32>
    %add3A_1059 = arith.addi %broadcast_in_dim3A_1057, %add3A_1058 : vector<16xi32>
    %select_n3A_1060 = arith.select %eq3A_1055, %add3A_1059, %select_n3A_1040 : vector<16xi1>, vector<16xi32>
    %get3A_1061 = arith.constant 26 : i32
    %get3A_1062 = arith.index_cast %get3A_1061 : i32 to index
    %get3A_1063 = arith.constant 0 : index
    %get3A_1064 = tpu.vector_load %arg7[%get3A_1062, %get3A_1063] {strides = array<i32>} : memref<32x16xi32, #tpu.memory_space<vmem>>, vector<16xi32>,
    %reduce_max3A_1065 = arith.constant true
    %reduce_max3A_1066 = vector.broadcast %reduce_max3A_1065 : i1 to vector<16xi1>
    %reduce_max3A_1067 = arith.constant -2147483648 : i32
    %reduce_max3A_1068 = vector.broadcast %reduce_max3A_1067 : i32 to vector<16xi32>
    %reduce_max3A_1069 = arith.xori %get3A_1064, %reduce_max3A_1068 : vector<16xi32>
    %reduce_max3A_1070 = tpu.scan <max>, %reduce_max3A_1069 masked %reduce_max3A_1066 : vector<16xi32>, vector<16xi1> -> vector<16xi32>
    %reduce_max3A_1071 = arith.xori %reduce_max3A_1070, %reduce_max3A_1068 : vector<16xi32>
    %reduce_max3A_1072 = vector.extract %reduce_max3A_1071[15] : i32 from vector<16xi32>
    %eq3A_1073 = arith.constant 10 : i32
    %eq3A_1074 = vector.broadcast %eq3A_1073 : i32 to vector<16xi32>
    %eq3A_1075 = arith.cmpi eq, %iota3A, %eq3A_1074 : vector<16xi32>
    %broadcast_in_dim3A_1076 = arith.constant 0 : i32
    %broadcast_in_dim3A_1077 = vector.broadcast %broadcast_in_dim3A_1076 : i32 to vector<16xi32>
    %add3A_1078 = vector.broadcast %reduce_max3A_1072 : i32 to vector<16xi32>
    %add3A_1079 = arith.addi %broadcast_in_dim3A_1077, %add3A_1078 : vector<16xi32>
    %select_n3A_1080 = arith.select %eq3A_1075, %add3A_1079, %select_n3A_1060 : vector<16xi1>, vector<16xi32>
    %get3A_1081 = arith.constant 27 : i32
    %get3A_1082 = arith.index_cast %get3A_1081 : i32 to index
    %get3A_1083 = arith.constant 0 : index
    %get3A_1084 = tpu.vector_load %arg7[%get3A_1082, %get3A_1083] {strides = array<i32>} : memref<32x16xi32, #tpu.memory_space<vmem>>, vector<16xi32>,
    %reduce_max3A_1085 = arith.constant true
    %reduce_max3A_1086 = vector.broadcast %reduce_max3A_1085 : i1 to vector<16xi1>
    %reduce_max3A_1087 = arith.constant -2147483648 : i32
    %reduce_max3A_1088 = vector.broadcast %reduce_max3A_1087 : i32 to vector<16xi32>
    %reduce_max3A_1089 = arith.xori %get3A_1084, %reduce_max3A_1088 : vector<16xi32>
    %reduce_max3A_1090 = tpu.scan <max>, %reduce_max3A_1089 masked %reduce_max3A_1086 : vector<16xi32>, vector<16xi1> -> vector<16xi32>
    %reduce_max3A_1091 = arith.xori %reduce_max3A_1090, %reduce_max3A_1088 : vector<16xi32>
    %reduce_max3A_1092 = vector.extract %reduce_max3A_1091[15] : i32 from vector<16xi32>
    %eq3A_1093 = arith.constant 11 : i32
    %eq3A_1094 = vector.broadcast %eq3A_1093 : i32 to vector<16xi32>
    %eq3A_1095 = arith.cmpi eq, %iota3A, %eq3A_1094 : vector<16xi32>
    %broadcast_in_dim3A_1096 = arith.constant 0 : i32
    %broadcast_in_dim3A_1097 = vector.broadcast %broadcast_in_dim3A_1096 : i32 to vector<16xi32>
    %add3A_1098 = vector.broadcast %reduce_max3A_1092 : i32 to vector<16xi32>
    %add3A_1099 = arith.addi %broadcast_in_dim3A_1097, %add3A_1098 : vector<16xi32>
    %select_n3A_1100 = arith.select %eq3A_1095, %add3A_1099, %select_n3A_1080 : vector<16xi1>, vector<16xi32>
    %get3A_1101 = arith.constant 28 : i32
    %get3A_1102 = arith.index_cast %get3A_1101 : i32 to index
    %get3A_1103 = arith.constant 0 : index
    %get3A_1104 = tpu.vector_load %arg7[%get3A_1102, %get3A_1103] {strides = array<i32>} : memref<32x16xi32, #tpu.memory_space<vmem>>, vector<16xi32>,
    %reduce_max3A_1105 = arith.constant true
    %reduce_max3A_1106 = vector.broadcast %reduce_max3A_1105 : i1 to vector<16xi1>
    %reduce_max3A_1107 = arith.constant -2147483648 : i32
    %reduce_max3A_1108 = vector.broadcast %reduce_max3A_1107 : i32 to vector<16xi32>
    %reduce_max3A_1109 = arith.xori %get3A_1104, %reduce_max3A_1108 : vector<16xi32>
    %reduce_max3A_1110 = tpu.scan <max>, %reduce_max3A_1109 masked %reduce_max3A_1106 : vector<16xi32>, vector<16xi1> -> vector<16xi32>
    %reduce_max3A_1111 = arith.xori %reduce_max3A_1110, %reduce_max3A_1108 : vector<16xi32>
    %reduce_max3A_1112 = vector.extract %reduce_max3A_1111[15] : i32 from vector<16xi32>
    %eq3A_1113 = arith.constant 12 : i32
    %eq3A_1114 = vector.broadcast %eq3A_1113 : i32 to vector<16xi32>
    %eq3A_1115 = arith.cmpi eq, %iota3A, %eq3A_1114 : vector<16xi32>
    %broadcast_in_dim3A_1116 = arith.constant 0 : i32
    %broadcast_in_dim3A_1117 = vector.broadcast %broadcast_in_dim3A_1116 : i32 to vector<16xi32>
    %add3A_1118 = vector.broadcast %reduce_max3A_1112 : i32 to vector<16xi32>
    %add3A_1119 = arith.addi %broadcast_in_dim3A_1117, %add3A_1118 : vector<16xi32>
    %select_n3A_1120 = arith.select %eq3A_1115, %add3A_1119, %select_n3A_1100 : vector<16xi1>, vector<16xi32>
    %get3A_1121 = arith.constant 29 : i32
    %get3A_1122 = arith.index_cast %get3A_1121 : i32 to index
    %get3A_1123 = arith.constant 0 : index
    %get3A_1124 = tpu.vector_load %arg7[%get3A_1122, %get3A_1123] {strides = array<i32>} : memref<32x16xi32, #tpu.memory_space<vmem>>, vector<16xi32>,
    %reduce_max3A_1125 = arith.constant true
    %reduce_max3A_1126 = vector.broadcast %reduce_max3A_1125 : i1 to vector<16xi1>
    %reduce_max3A_1127 = arith.constant -2147483648 : i32
    %reduce_max3A_1128 = vector.broadcast %reduce_max3A_1127 : i32 to vector<16xi32>
    %reduce_max3A_1129 = arith.xori %get3A_1124, %reduce_max3A_1128 : vector<16xi32>
    %reduce_max3A_1130 = tpu.scan <max>, %reduce_max3A_1129 masked %reduce_max3A_1126 : vector<16xi32>, vector<16xi1> -> vector<16xi32>
    %reduce_max3A_1131 = arith.xori %reduce_max3A_1130, %reduce_max3A_1128 : vector<16xi32>
    %reduce_max3A_1132 = vector.extract %reduce_max3A_1131[15] : i32 from vector<16xi32>
    %eq3A_1133 = arith.constant 13 : i32
    %eq3A_1134 = vector.broadcast %eq3A_1133 : i32 to vector<16xi32>
    %eq3A_1135 = arith.cmpi eq, %iota3A, %eq3A_1134 : vector<16xi32>
    %broadcast_in_dim3A_1136 = arith.constant 0 : i32
    %broadcast_in_dim3A_1137 = vector.broadcast %broadcast_in_dim3A_1136 : i32 to vector<16xi32>
    %add3A_1138 = vector.broadcast %reduce_max3A_1132 : i32 to vector<16xi32>
    %add3A_1139 = arith.addi %broadcast_in_dim3A_1137, %add3A_1138 : vector<16xi32>
    %select_n3A_1140 = arith.select %eq3A_1135, %add3A_1139, %select_n3A_1120 : vector<16xi1>, vector<16xi32>
    %get3A_1141 = arith.constant 30 : i32
    %get3A_1142 = arith.index_cast %get3A_1141 : i32 to index
    %get3A_1143 = arith.constant 0 : index
    %get3A_1144 = tpu.vector_load %arg7[%get3A_1142, %get3A_1143] {strides = array<i32>} : memref<32x16xi32, #tpu.memory_space<vmem>>, vector<16xi32>,
    %reduce_max3A_1145 = arith.constant true
    %reduce_max3A_1146 = vector.broadcast %reduce_max3A_1145 : i1 to vector<16xi1>
    %reduce_max3A_1147 = arith.constant -2147483648 : i32
    %reduce_max3A_1148 = vector.broadcast %reduce_max3A_1147 : i32 to vector<16xi32>
    %reduce_max3A_1149 = arith.xori %get3A_1144, %reduce_max3A_1148 : vector<16xi32>
    %reduce_max3A_1150 = tpu.scan <max>, %reduce_max3A_1149 masked %reduce_max3A_1146 : vector<16xi32>, vector<16xi1> -> vector<16xi32>
    %reduce_max3A_1151 = arith.xori %reduce_max3A_1150, %reduce_max3A_1148 : vector<16xi32>
    %reduce_max3A_1152 = vector.extract %reduce_max3A_1151[15] : i32 from vector<16xi32>
    %eq3A_1153 = arith.constant 14 : i32
    %eq3A_1154 = vector.broadcast %eq3A_1153 : i32 to vector<16xi32>
    %eq3A_1155 = arith.cmpi eq, %iota3A, %eq3A_1154 : vector<16xi32>
    %broadcast_in_dim3A_1156 = arith.constant 0 : i32
    %broadcast_in_dim3A_1157 = vector.broadcast %broadcast_in_dim3A_1156 : i32 to vector<16xi32>
    %add3A_1158 = vector.broadcast %reduce_max3A_1152 : i32 to vector<16xi32>
    %add3A_1159 = arith.addi %broadcast_in_dim3A_1157, %add3A_1158 : vector<16xi32>
    %select_n3A_1160 = arith.select %eq3A_1155, %add3A_1159, %select_n3A_1140 : vector<16xi1>, vector<16xi32>
    %get3A_1161 = arith.constant 31 : i32
    %get3A_1162 = arith.index_cast %get3A_1161 : i32 to index
    %get3A_1163 = arith.constant 0 : index
    %get3A_1164 = tpu.vector_load %arg7[%get3A_1162, %get3A_1163] {strides = array<i32>} : memref<32x16xi32, #tpu.memory_space<vmem>>, vector<16xi32>,
    %reduce_max3A_1165 = arith.constant true
    %reduce_max3A_1166 = vector.broadcast %reduce_max3A_1165 : i1 to vector<16xi1>
    %reduce_max3A_1167 = arith.constant -2147483648 : i32
    %reduce_max3A_1168 = vector.broadcast %reduce_max3A_1167 : i32 to vector<16xi32>
    %reduce_max3A_1169 = arith.xori %get3A_1164, %reduce_max3A_1168 : vector<16xi32>
    %reduce_max3A_1170 = tpu.scan <max>, %reduce_max3A_1169 masked %reduce_max3A_1166 : vector<16xi32>, vector<16xi1> -> vector<16xi32>
    %reduce_max3A_1171 = arith.xori %reduce_max3A_1170, %reduce_max3A_1168 : vector<16xi32>
    %reduce_max3A_1172 = vector.extract %reduce_max3A_1171[15] : i32 from vector<16xi32>
    %eq3A_1173 = arith.constant 15 : i32
    %eq3A_1174 = vector.broadcast %eq3A_1173 : i32 to vector<16xi32>
    %eq3A_1175 = arith.cmpi eq, %iota3A, %eq3A_1174 : vector<16xi32>
    %broadcast_in_dim3A_1176 = arith.constant 0 : i32
    %broadcast_in_dim3A_1177 = vector.broadcast %broadcast_in_dim3A_1176 : i32 to vector<16xi32>
    %add3A_1178 = vector.broadcast %reduce_max3A_1172 : i32 to vector<16xi32>
    %add3A_1179 = arith.addi %broadcast_in_dim3A_1177, %add3A_1178 : vector<16xi32>
    %select_n3A_1180 = arith.select %eq3A_1175, %add3A_1179, %select_n3A_1160 : vector<16xi1>, vector<16xi32>
    %swap3A_1181 = arith.constant 16 : index
    %swap3A_1182 = tpu.vector_load %arg8[%swap3A_1181] {strides = array<i32>} : memref<32xi32, #tpu.memory_space<vmem>>, vector<16xi32>,
    tpu.vector_store %arg8[%swap3A_1181], %select_n3A_1180 {strides = array<i32>} : memref<32xi32, #tpu.memory_space<vmem>>, vector<16xi32>,
    %mul3A_1183 = arith.constant 32 : i32
    %mul3A_1184 = arith.muli %arg1, %mul3A_1183 : i32
    "tpu.region"() ({
      %run_scoped3A = tpu.sem_alloc : memref<!tpu.dma_semaphore, #tpu.memory_space<semaphore_mem>>
      %dma_start3A_1185 = tpu.memref_slice %arg3[%arg0, %mul3A_1184] : memref<2x512xi32, #tpu.memory_space<hbm>> -> memref<1x32xi32, #tpu.memory_space<hbm>>
      %dma_start3A_1186 = tpu.memref_squeeze %dma_start3A_1185 : memref<1x32xi32, #tpu.memory_space<hbm>> -> memref<32xi32, #tpu.memory_space<hbm>>
      %dma_start3A_1187 = tpu.memref_slice %arg3[%arg0, %mul3A_1184] : memref<2x512xi32, #tpu.memory_space<hbm>> -> memref<1x32xi32, #tpu.memory_space<hbm>>
      %dma_start3A_1188 = tpu.memref_squeeze %dma_start3A_1187 : memref<1x32xi32, #tpu.memory_space<hbm>> -> memref<32xi32, #tpu.memory_space<hbm>>
      tpu.enqueue_dma source(%arg8 : memref<32xi32, #tpu.memory_space<vmem>>) target(%dma_start3A_1188 : memref<32xi32, #tpu.memory_space<hbm>>) target_semaphore(%run_scoped3A : memref<!tpu.dma_semaphore, #tpu.memory_space<semaphore_mem>>)
      %dma_wait3A_1189 = tpu.memref_slice %arg3[%arg0, %mul3A_1184] : memref<2x512xi32, #tpu.memory_space<hbm>> -> memref<1x32xi32, #tpu.memory_space<hbm>>
      %dma_wait3A_1190 = tpu.memref_squeeze %dma_wait3A_1189 : memref<1x32xi32, #tpu.memory_space<hbm>> -> memref<32xi32, #tpu.memory_space<hbm>>
      %dma_wait3A_1191 = tpu.memref_slice %arg3[%arg0, %mul3A_1184] : memref<2x512xi32, #tpu.memory_space<hbm>> -> memref<1x32xi32, #tpu.memory_space<hbm>>
      %dma_wait3A_1192 = tpu.memref_squeeze %dma_wait3A_1191 : memref<1x32xi32, #tpu.memory_space<hbm>> -> memref<32xi32, #tpu.memory_space<hbm>>
      tpu.wait_dma2 semaphore(%run_scoped3A : memref<!tpu.dma_semaphore, #tpu.memory_space<semaphore_mem>>) src(%arg8 : memref<32xi32, #tpu.memory_space<vmem>>) dst(%dma_wait3A_1192 : memref<32xi32, #tpu.memory_space<hbm>>)
      tpu.yield
    }) : () -> ()
    return
  }
}

module attributes {stable_mosaic.version = 14 : i64} {
  func.func @_combine_body(%arg0: memref<2x512xi32, #tpu.memory_space<vmem>>, %arg1: memref<1x512xi32, #tpu.memory_space<vmem>>) attributes {dimension_semantics = [], scalar_prefetch = 0 : i64, scratch_operands = 0 : i64, tpu.core_type = #tpu.core_type<tc>} {
    %get3A = arith.constant 0 : index
    %get3A_0 = arith.constant 0 : index
    %get3A_1 = vector.load %arg0[%get3A, %get3A_0] : memref<2x512xi32, #tpu.memory_space<vmem>>, vector<1x512xi32>
    %get3A_2 = arith.constant 1 : index
    %get3A_3 = arith.constant 0 : index
    %get3A_4 = vector.load %arg0[%get3A_2, %get3A_3] : memref<2x512xi32, #tpu.memory_space<vmem>>, vector<1x512xi32>
    %add3A = arith.addi %get3A_1, %get3A_4 : vector<1x512xi32>
    %mul3A = arith.constant 2 : i32
    %mul3A_5 = vector.broadcast %mul3A : i32 to vector<1x512xi32>
    %mul3A_6 = arith.muli %add3A, %mul3A_5 : vector<1x512xi32>
    %swap3A = arith.constant 0 : index
    %swap3A_7 = arith.constant 0 : index
    %swap3A_8 = vector.load %arg1[%swap3A, %swap3A_7] : memref<1x512xi32, #tpu.memory_space<vmem>>, vector<1x512xi32>
    tpu.vector_store %arg1[%swap3A, %swap3A_7], %mul3A_6 {strides = array<i32>} : memref<1x512xi32, #tpu.memory_space<vmem>>, vector<1x512xi32>,
    return
  }
}

</mosaic_0001>

<sc_bundles>
// kernel: kernel.4.cloned.1.call-start
scs
__scs_entry_jumppad:
0x0: {  	(pc) =	sbr.rel $0x88, $3  }
0x1: {  	(tag) =	ssettag $0x0;
	lr =	simm.s32 $0x1  }
0x2: {  	[smem:$0x3FA0] =	sst lr;
	_ =	strace $0xD0000000  }
0x3: {  	_ = 	snop  }
0x4: {  	_ = 	snop  }
0x5: {  	_ = 	snop  }
0x6: {  	_ = 	snop  }
0x7: {  	_ = 	snop  }
__scs_overlays_trampoline_lowered:
0x8: {  	[smem:$0x3FAF] =	sst s0  }
0x9: {  	[smem:$0x3FB0] =	sst s1  }
0xa: {  	[smem:$0x3FB1] =	sst s2  }
0xb: {  	[smem:$0x3FB2] =	sst s3  }
0xc: {  	[smem:$0x3FB3] =	sst s4  }
0xd: {  	[smem:$0x3FB4] =	sst s5  }
0xe: {  	[smem:$0x3FB5] =	sst s6  }
0xf: {  	[smem:$0x3FB6] =	sst s7  }
0x10: {  	[smem:$0x3FB7] =	sst s8  }
0x11: {  	[smem:$0x3FB8] =	sst s9;
	s0 =	simm.s32 @!p0 $0x0  }
0x12: {  	s1 =	sld [smem:$0x3F9E];
	s0 =	simm.s32 @p0 $0x1  }
0x13: {  	[smem:$0x3FB9] =	sst s0;
	s0 =	simm.s32 @!p1 $0x0  }
0x14: {  	s2 =	sld [smem:$0x3F9D];
	s0 =	simm.s32 @p1 $0x1  }
0x15: {  	[smem:$0x3FBA] =	sst s0;
	s0 =	simm.s32 @!p2 $0x0  }
0x16: {  	s3 =	sld [smem:$0x3FDB];
	s0 =	simm.s32 @p2 $0x1  }
0x17: {  	s4 =	simm.s32 $0x1BF5;
	[smem:$0x3FBC] =	sst s0  }
0x18: {  	s0 =	sld [smem:$0x3F9F];
	_ =	swait.ge [sflag:s4], $0x0  }
0x19: {  	s7 =	sld [smem:$0x3FA0]  }
0x1a: {  	s8 =	sadd.s32 $0xFFFFE003, lr  }
0x1b: {  	s9 =	sadd.s32 $0xFFFFFEF7, lr;
	s5 =	simm.s32 $0xFFFFFFFF;
	p2 =	slt.u32 s8, $0xFFFFF086  }
0x1c: {  	p1 =	slt.u32 s9, $0xF7A;
	s5 =	simm.s32 @!p2 $0x0  }
0x1d: {  	s5 =	simm.s32 @p1 $0x1;
	p0 =	seq.s32 s7, s2  }
0x1e: {  	s7 =	smul.u32 @!p0 $0xF7A, s2;
	p2 =	seq.s32 @!p0 s5, $0x0  }
0x1f: {  	s9 =	smul.u32 $0xF7A, s1;
	s8 =	simm.s32 @!p0 $0x1BF5;
	p2 =	por !p2, p0  }
0x20: {  	[sflag:s8] =	ssyncset.s32 @!p0 $0xFFFFF086;
	s6 =	sadd.s32 @!p0 s3, s7;
	s7 =	simm.s32 @!p0 $0x108  }
0x21: {  	s3 =	sadd.s32 s3, s9;
	s6 =	sadd.s32 @!p0 $0x88, s6;
	s7 =	simm.s32 @p2 $0x1082  }
0x22: {  	[simem:s7], [sflag:s8] =	dma.local @!p0 [hbm:s6], $0xF7A  }
0x23: {  	s9 =	sor.u32 $0xD0000000, s2;
	s6 =	simm.s32 $0x108;
	_ =	swait.ge @!p0 [sflag:s8], $0x0  }
0x24: {  	s3 =	sadd.s32 $0x88, s3;
	s6 =	simm.s32 @!p1 $0x1082;
	[sflag:s4] =	ssyncset.s32 $0xFFFFF086  }
0x25: {  	[simem:s6], [sflag:s4] =	dma.local [hbm:s3], $0xF7A  }
0x26: {  	[smem:$0x3FA0] =	sst s1;
	(tag) =	ssettag s2;
	_ =	strace s9  }
0x27: {  	s1 =	sld [smem:$0x3FB0]  }
0x28: {  	s2 =	sld [smem:$0x3FB1]  }
0x29: {  	s4 =	sld [smem:$0x3FB3]  }
0x2a: {  	p0 =	seq.s32 s5, $0x0;
	s5 =	sld [smem:$0x3FB4]  }
0x2b: {  	s6 =	sld [smem:$0x3FB5]  }
0x2c: {  	s7 =	sld [smem:$0x3FB6]  }
0x2d: {  	s3 =	simm.s32 $0x108;
	s8 =	sld [smem:$0x3FB7]  }
0x2e: {  	s3 =	simm.s32 @!p0 $0x1082;
	s9 =	sld [smem:$0x3FB8]  }
0x2f: {  	lr =	sadd.s32 s0, s3;
	s0 =	sld [smem:$0x3FAF]  }
0x30: {  	s3 =	sld [smem:$0x3FB2]  }
0x31: {  	[smem:$0x3FBB] =	sst s10  }
0x32: {  	s10 =	sld [smem:$0x3FB9];
	_ =	sdelay $0x3  }
0x33: {  	p0 =	seq.s32 s10, $0x1;
	s10 =	sld [smem:$0x3FBB];
	_ =	sdelay $0x3  }
0x34: {  	[smem:$0x3FBB] =	sst s10  }
0x35: {  	s10 =	sld [smem:$0x3FBA];
	_ =	sdelay $0x3  }
0x36: {  	p1 =	seq.s32 s10, $0x1;
	s10 =	sld [smem:$0x3FBB];
	_ =	sdelay $0x3  }
0x37: {  	[smem:$0x3FBB] =	sst s10  }
0x38: {  	s10 =	sld [smem:$0x3FBC]  }
0x39: {  	_ = 	snop;
	(pc) =	sbr.ind lr, $3  }
0x3a: {  	_ = 	snop  }
0x3b: {  	_ = 	snop  }
0x3c: {  	p2 =	seq.s32 s10, $0x1;
	s10 =	sld [smem:$0x3FBB]  }
0x3d: {  	_ =	shalt  }
0x3e: {  	_ =	shalt  }
0x3f: {  	_ =	shalt  }
0x40: {  	_ =	shalt  }
0x41: {  	_ =	shalt  }
0x42: {  	_ =	shalt  }
0x43: {  	_ =	shalt  }
0x44: {  	_ =	shalt  }
0x45: {  	_ =	shalt  }
0x46: {  	_ =	shalt  }
0x47: {  	_ =	shalt  }
0x48: {  	_ =	shalt  }
0x49: {  	_ =	shalt  }
0x4a: {  	_ =	shalt  }
0x4b: {  	_ =	shalt  }
0x4c: {  	_ =	shalt  }
0x4d: {  	_ =	shalt  }
0x4e: {  	_ =	shalt  }
0x4f: {  	_ =	shalt  }
0x50: {  	_ =	shalt  }
0x51: {  	_ =	shalt  }
0x52: {  	_ =	shalt  }
0x53: {  	_ =	shalt  }
0x54: {  	_ =	shalt  }
0x55: {  	_ =	shalt  }
0x56: {  	_ =	shalt  }
0x57: {  	_ =	shalt  }
0x58: {  	_ =	shalt  }
0x59: {  	_ =	shalt  }
0x5a: {  	_ =	shalt  }
0x5b: {  	_ =	shalt  }
0x5c: {  	_ =	shalt  }
0x5d: {  	_ =	shalt  }
0x5e: {  	_ =	shalt  }
0x5f: {  	_ =	shalt  }
0x60: {  	_ =	shalt  }
0x61: {  	_ =	shalt  }
0x62: {  	_ =	shalt  }
0x63: {  	_ =	shalt  }
0x64: {  	_ =	shalt  }
0x65: {  	_ =	shalt  }
0x66: {  	_ =	shalt  }
0x67: {  	_ =	shalt  }
0x68: {  	_ =	shalt  }
0x69: {  	_ =	shalt  }
0x6a: {  	_ =	shalt  }
0x6b: {  	_ =	shalt  }
0x6c: {  	_ =	shalt  }
0x6d: {  	_ =	shalt  }
0x6e: {  	_ =	shalt  }
0x6f: {  	_ =	shalt  }
0x70: {  	_ =	shalt  }
0x71: {  	_ =	shalt  }
0x72: {  	_ =	shalt  }
0x73: {  	_ =	shalt  }
0x74: {  	_ =	shalt  }
0x75: {  	_ =	shalt  }
0x76: {  	_ =	shalt  }
0x77: {  	_ =	shalt  }
0x78: {  	_ =	shalt  }
0x79: {  	_ =	shalt  }
0x7a: {  	_ =	shalt  }
0x7b: {  	_ =	shalt  }
0x7c: {  	_ =	shalt  }
0x7d: {  	_ =	shalt  }
0x7e: {  	_ =	shalt  }
0x7f: {  	_ =	shalt  }
0x80: {  	_ =	shalt  }
0x81: {  	_ =	shalt  }
0x82: {  	_ =	shalt  }
0x83: {  	_ =	shalt  }
0x84: {  	_ =	shalt  }
0x85: {  	_ =	shalt  }
0x86: {  	_ =	shalt  }
0x87: {  	_ =	shalt  }
.Lfunc_end0:
.L_simem_size_0:
called_computation_lowered:
.L_overlay_start_0:
0x88: {  	s2 =	sld [smem:$0x3FD9]  }
0x89: {  	s3 =	sld [smem:$0x3FFE];
	_ =	sdelay $0x1  }
0x8a: {  	s1 =	srdreg.scid  }
0x8b: {  	s0 =	sand.u32 $0x1, s1  }
0x8c: {  	s16 =	sshll.u32 s0, $0xA;
	s2 =	sadd.s32 s3, s2  }
0x8d: {  	s2 =	sadd.s32 s2, s16  }
0x8e: {  	[smem:$0x3FC7] =	sst s2  }
0x8f: {  	_ = 	snop  }
0x90: {  	(tm) =	ssettm $0x1  }
0x91: {  	s17 =	sld [smem:$0x3FFB];
	_ =	sdelay $0x3  }
0x92: {  	_ =	strace s17  }
0x93: {  	s2 =	sld [smem:$0x3FFC];
	_ =	sdelay $0x3  }
0x94: {  	_ =	strace s2  }
0x95: {  	s2 =	sld [smem:$0x3FFD];
	_ =	sdelay $0x3  }
0x96: {  	_ =	strace s2  }
0x97: {  	_ =	strace $0x8FFFFFFF  }
0x98: {  	s18 =	sld [smem:$0x3FDB];
	_ =	sdelay $0x1  }
0x99: {  	s19 =	simm.s32 $_scs_section_size  }
0x9a: {  	s4 =	simm.s32 $_size__tile_overlayer_lowered;
	s5 =	simm.s32 $_tile_overlayer_lowered  }
0x9b: {  	s22 =	simm.s32 $0x1BFF;
	s21 =	sshll.u32 s5, $0x1;
	s2 =	sadd.s32 s19, s18  }
0x9c: {  	s6 =	simm.s32 $0x0;
	s20 =	sshll.u32 s4, $0x1;
	s4 =	sadd.s32 s21, s2  }
0x9d: {  	[timem:s6], [sflag:s22] =	dma.local [hbm:s4], s20  }
0x9e: {  	_ =	swait.ge [sflag:s22], s20  }
0x9f: {  	s3 =	ssub.s32 $0x0, s20;
	[sflag:s22] =	ssyncset.done $0x0  }
0xa0: {  	[sflag:s22] =	ssyncadd.s32 s3;
	_ =	sdelay $0x1  }
0xa1: {  	s23 =	simm.s32 $0x1B8B  }
0xa2: {  	_ =	swait.ge [sflag:s23], $0x1  }
0xa3: {  	[sflag:s23] =	ssyncset.done $0x0  }
0xa4: {  	s25 =	simm.s32 $0x1B8E;
	s24 =	sld [smem:$0x3FFE];
	[sflag:s23] =	ssyncadd.s32 $0xFFFFFFFF  }
0xa5: {  	s26 =	simm.s32 $execute0_lowered;
	[smem:$0x3FD2] =	sst s25  }
0xa6: {  	s4 =	sshll.u32 s26, $0x1;
	_ =	strace $0x80000046;
	[dreg:$0x1] =	wrdreg $0xFFFFFFFF  }
0xa7: {  	s28 =	simm.s32 $_size_execute0_lowered;
	s2 =	sadd.s32 s2, s4;
	[dreg:$0x0] =	wrdreg $0x0  }
0xa8: {  	s4 =	sshll.u32 s28, $0x1;
	[dreg:$0x2] =	wrdreg s2  }
0xa9: {  	[dreg:$0x3] =	wrdreg s4  }
0xaa: {  	[dreg:$0x4] =	wrdreg $0xC0  }
0xab: {  	_ =	task [dreg:s6], $0x5FFFF  }
0xac: {  	[dreg:$0x1] =	wrdreg $0xFFFFFFFF  }
0xad: {  	[dreg:$0x0] =	wrdreg $0x60  }
0xae: {  	[dreg:$0x2] =	wrdreg s24  }
0xaf: {  	[dreg:$0x3] =	wrdreg $0x86600  }
0xb0: {  	[dreg:$0x4] =	wrdreg $0x9  }
0xb1: {  	_ =	task.clear_ibuf [dreg:s6], $0x5FFFF;
	_ =	strace $0x90000046  }
0xb2: {  	s29 =	simm.s32 $0x9;
	_ =	strace $0x80000048  }
0xb3: {  	_ =	swait.ge [sflag:s29], $0x1  }
0xb4: {  	[sflag:s29] =	ssyncadd.s32 $0xFFFFFFFF  }
0xb5: {  	_ =	strace $0x90000048  }
0xb6: {  	_ =	sfence  }
0xb7: {  	s30 =	sld [smem:$0x0];
	_ =	sdelay $0x2  }
0xb8: {  	s31 =	sshll.u32 s1, $0xD;
	s1 =	sshrl.u32 s1, $0x2  }
0xb9: {  	s3 =	sand.u32 $0x4000, s31;
	s1 =	sadd.s32 s1, s30  }
0xba: {  	s0 =	sor.u32 s3, s0;
	s1 =	sshll.u32 s1, $0x11  }
0xbb: {  	s0 =	sor.u32 s1, s0  }
0xbc: {  	s0 =	sadd.s32 $0x8F2B, s0  }
0xbd: {  	[sflag:s0] =	ssyncadd.remote.s32 $0x1  }
0xbe: {  	_ =	sfence.sel $0xFFFF  }
0xbf: {  	[dreg:$0x0] =	wrdreg $0xFFFFFFFF;
	(pc) =	sbr.abs _section_cstart, $3  }
0xc0: {  	[dreg:$0x1] =	wrdreg $0xFFFFFFFF  }
0xc1: {  	_ =	task.clear_ibuf [dreg:s6], $0x2FFFF;
	_ =	strace $0x9FFFFFFF  }
0xc2: {  	(tm) =	ssettm $0x7FFFFFFF  }
0xc3: {  	_ =	shalt  }
tec
execute0_lowered:
.L_overlay_start_1:
0x0: {  	(tag) =	ssettag $0x1  }
0x1: {  	s0 =	rddreg [dreg:$0x0]  }
0x2: {  	s1 =	rddreg [dreg:$0x1];
	s3 =	simm.s32 $0x0;
	s2 =	srdreg.scid  }
0x3: {  	s10 =	stileid.u32;
	[smem:$0x7FF] =	sst s3  }
0x4: {  	s2 =	sand.u32 $0x1, s2;
	s5 =	sshll.u32 s10, $0xC;
	s28 =	sshll.u32 s10, $0x2  }
0x5: {  	v0 =	vlaneseq.u32;
	v2 =	vimm.s32 $0x1;
	s29 =	sshll.u32 s10, $0x9;
	_ =	strace $0x80000047;
	s4 =	sshll.u32 s2, $0x10  }
0x6: {  	vm3 =	vcmask $0xF0C;
	vm4 =	vcmask $0x1310;
	vm5 =	vcmask $0x1714;
	s6 =	ssub.s32 $0x2, s2;
	s2 =	sshll.u32 s2, $0x6;
	s4 =	sor.u32 s5, s4  }
0x7: {  	vm6 =	vcmask $0x1B18;
	vm7 =	vcmask $0x1F1C;
	vm8 =	vcmask $0x2320;
	s1 =	sadd.s32 s29, s1;
	s7 =	sshrl.u32 s6, $0x1;
	s8 =	sadd.s32 s4, s0  }
0x8: {  	vm9 =	vcmask $0x2724;
	vm10 =	vcmask $0x2B28;
	vm11 =	vcmask $0x2F2C;
	[dreg:$0x5] =	wrdreg s1;
	s0 =	sadd.s32 s28, s0;
	s4 =	sadd.s32 $0x400, s8  }
0x9: {  	vm12 =	vcmask $0x3330;
	vm13 =	vcmask $0x3734;
	vm14 =	vcmask $0x3B38;
	s9 =	ssub.s32 s6, s7;
	s30 =	sadd.s32 $0xC00, s8;
	[dreg:$0x3] =	wrdreg s4  }
0xa: {  	v1 =	vmul.u32 $0x201, v0;
	v3 =	vand.u32 $0x7, v0;
	v4 =	vmul.u32 $0x200, v0;
	s0 =	sadd.s32 s2, s0;
	s31 =	smax.u32 s9, $0x1;
	[dreg:$0x4] =	wrdreg s30  }
0xb: {  	v9 =	vor.u32 $0x1FF8, v0;
	v10 =	vor.u32 $0x3FF8, v0;
	v5 =	vor.u32 $0x1FE8, v3;
	s0 =	sadd.s32 $0x20400, s0;
	[dreg:$0x7] =	wrdreg s31  }
0xc: {  	v7 =	vor.u32 $0x3FE8, v3;
	v6 =	vor.u32 $0x2000, v1;
	v8 =	vor.u32 $0x2000, v4;
	s1 =	simm.s32 $0x0;
	s9 =	simm.s32 $0x3;
	[dreg:$0x6] =	wrdreg s0  }
.LBB2_1:
0xd: {  	s0 =	rddreg [dreg:$0x3]  }
0xe: {  	[tilespmem:s3], [sflag:$0x1] =	stream.linear.gather [hbm4b:s0+s3], $0x4000, $0x38;
	[tilespmem:$0x8860] =	vst v63  }
0xf: {  	s29 =	rddreg [dreg:$0x4];
	s30 =	simm.s32 $0x4000  }
0x10: {  	[tilespmem:s30], [sflag:$0x2] =	stream.linear.gather [hbm4b:s29+s3], $0x4000, $0x38;
	[tilespmem:$0x8860] =	vst v63  }
0x11: {  	[tilespmem:$0x8040] =	vst v2  }
0x12: {  	[tilespmem:$0x8050] =	vst v2  }
0x13: {  	[tilespmem:$0x8060] =	vst v2  }
0x14: {  	[tilespmem:$0x8070] =	vst v2  }
0x15: {  	[tilespmem:$0x8080] =	vst v2  }
0x16: {  	[tilespmem:$0x8090] =	vst v2  }
0x17: {  	[tilespmem:$0x80A0] =	vst v2  }
0x18: {  	[tilespmem:$0x80B0] =	vst v2  }
0x19: {  	[tilespmem:$0x80C0] =	vst v2  }
0x1a: {  	[tilespmem:$0x80D0] =	vst v2  }
0x1b: {  	[tilespmem:$0x80E0] =	vst v2  }
0x1c: {  	[tilespmem:$0x80F0] =	vst v2  }
0x1d: {  	[tilespmem:$0x8100] =	vst v2  }
0x1e: {  	[tilespmem:$0x8110] =	vst v2  }
0x1f: {  	[tilespmem:$0x8120] =	vst v2  }
0x20: {  	[tilespmem:$0x8130] =	vst v2  }
0x21: {  	[tilespmem:$0x8140] =	vst v2  }
0x22: {  	[tilespmem:$0x8150] =	vst v2  }
0x23: {  	[tilespmem:$0x8160] =	vst v2  }
0x24: {  	[tilespmem:$0x8170] =	vst v2  }
0x25: {  	[tilespmem:$0x8180] =	vst v2  }
0x26: {  	[tilespmem:$0x8190] =	vst v2  }
0x27: {  	[tilespmem:$0x81A0] =	vst v2  }
0x28: {  	[tilespmem:$0x81B0] =	vst v2  }
0x29: {  	[tilespmem:$0x81C0] =	vst v2  }
0x2a: {  	[tilespmem:$0x81D0] =	vst v2  }
0x2b: {  	[tilespmem:$0x81E0] =	vst v2  }
0x2c: {  	[tilespmem:$0x81F0] =	vst v2  }
0x2d: {  	[tilespmem:$0x8200] =	vst v2  }
0x2e: {  	[tilespmem:$0x8210] =	vst v2  }
0x2f: {  	[tilespmem:$0x8220] =	vst v2  }
0x30: {  	[tilespmem:$0x8230] =	vst v2  }
0x31: {  	[tilespmem:$0x8240] =	vst v2  }
0x32: {  	[tilespmem:$0x8250] =	vst v2  }
0x33: {  	[tilespmem:$0x8260] =	vst v2  }
0x34: {  	[tilespmem:$0x8270] =	vst v2  }
0x35: {  	[tilespmem:$0x8280] =	vst v2  }
0x36: {  	[tilespmem:$0x8290] =	vst v2  }
0x37: {  	[tilespmem:$0x82A0] =	vst v2  }
0x38: {  	[tilespmem:$0x82B0] =	vst v2  }
0x39: {  	[tilespmem:$0x82C0] =	vst v2  }
0x3a: {  	[tilespmem:$0x82D0] =	vst v2  }
0x3b: {  	[tilespmem:$0x82E0] =	vst v2  }
0x3c: {  	[tilespmem:$0x82F0] =	vst v2  }
0x3d: {  	[tilespmem:$0x8300] =	vst v2  }
0x3e: {  	[tilespmem:$0x8310] =	vst v2  }
0x3f: {  	[tilespmem:$0x8320] =	vst v2  }
0x40: {  	[tilespmem:$0x8330] =	vst v2  }
0x41: {  	[tilespmem:$0x8340] =	vst v2  }
0x42: {  	[tilespmem:$0x8350] =	vst v2  }
0x43: {  	[tilespmem:$0x8360] =	vst v2  }
0x44: {  	[tilespmem:$0x8370] =	vst v2  }
0x45: {  	[tilespmem:$0x8380] =	vst v2  }
0x46: {  	[tilespmem:$0x8390] =	vst v2  }
0x47: {  	[tilespmem:$0x83A0] =	vst v2  }
0x48: {  	[tilespmem:$0x83B0] =	vst v2  }
0x49: {  	[tilespmem:$0x83C0] =	vst v2  }
0x4a: {  	[tilespmem:$0x83D0] =	vst v2  }
0x4b: {  	[tilespmem:$0x83E0] =	vst v2  }
0x4c: {  	[tilespmem:$0x83F0] =	vst v2  }
0x4d: {  	[tilespmem:$0x8400] =	vst v2  }
0x4e: {  	[tilespmem:$0x8410] =	vst v2  }
0x4f: {  	[tilespmem:$0x8420] =	vst v2  }
0x50: {  	v11 =	vimm.s32 $0x0;
	[tilespmem:$0x8430] =	vst v2  }
0x51: {  	[tilespmem:$0x8440] =	vst v11  }
0x52: {  	[tilespmem:$0x8450] =	vst v11  }
0x53: {  	[tilespmem:$0x8460] =	vst v11  }
0x54: {  	[tilespmem:$0x8470] =	vst v11  }
0x55: {  	[tilespmem:$0x8480] =	vst v11  }
0x56: {  	[tilespmem:$0x8490] =	vst v11  }
0x57: {  	[tilespmem:$0x84A0] =	vst v11  }
0x58: {  	[tilespmem:$0x84B0] =	vst v11  }
0x59: {  	[tilespmem:$0x84C0] =	vst v11  }
0x5a: {  	[tilespmem:$0x84D0] =	vst v11  }
0x5b: {  	[tilespmem:$0x84E0] =	vst v11  }
0x5c: {  	[tilespmem:$0x84F0] =	vst v11  }
0x5d: {  	[tilespmem:$0x8500] =	vst v11  }
0x5e: {  	[tilespmem:$0x8510] =	vst v11  }
0x5f: {  	[tilespmem:$0x8520] =	vst v11  }
0x60: {  	[tilespmem:$0x8530] =	vst v11  }
0x61: {  	[tilespmem:$0x8540] =	vst v11  }
0x62: {  	[tilespmem:$0x8550] =	vst v11  }
0x63: {  	[tilespmem:$0x8560] =	vst v11  }
0x64: {  	[tilespmem:$0x8570] =	vst v11  }
0x65: {  	[tilespmem:$0x8580] =	vst v11  }
0x66: {  	[tilespmem:$0x8590] =	vst v11  }
0x67: {  	[tilespmem:$0x85A0] =	vst v11  }
0x68: {  	[tilespmem:$0x85B0] =	vst v11  }
0x69: {  	[tilespmem:$0x85C0] =	vst v11  }
0x6a: {  	[tilespmem:$0x85D0] =	vst v11  }
0x6b: {  	[tilespmem:$0x85E0] =	vst v11  }
0x6c: {  	[tilespmem:$0x85F0] =	vst v11  }
0x6d: {  	[tilespmem:$0x8600] =	vst v11  }
0x6e: {  	[tilespmem:$0x8610] =	vst v11  }
0x6f: {  	[tilespmem:$0x8620] =	vst v11  }
0x70: {  	[dreg:$0x8] =	wrdreg s1;
	s31 =	simm.s32 $0x1;
	[tilespmem:$0x8630] =	vst v11  }
0x71: {  	_ =	swait.ge [sflag:s31], $0x4000  }
0x72: {  	[sflag:s31] =	ssyncset.done $0x0  }
0x73: {  	v12 =	vimm.f32 $-Inf;
	v13 =	vimm.s32 $0x0;
	v14 =	vimm.f32 $-Inf;
	s19 =	simm.s32 $0x0;
	[sflag:s31] =	ssyncadd.s32 $0xFFFFC000  }
.LBB2_2:
0x74: {  	v15 =	vor.u32 s19, v1;
	v16 =	vor.u32 s19, v6  }
0x75: {  	s0 =	sadd.s32 $0x1, s19;
	v18 =	vor.u32 s19, v0;
	v15 =	vand.u32 v5, v15;
	v16 =	vand.u32 v7, v16  }
0x76: {  	s2 =	sadd.s32 $0x2, s19;
	v17 =	vadd.s32 s0, v1;
	v19 =	vadd.s32 s0, v6;
	vm0 =	vlt.s32 v18, v13  }
0x77: {  	s29 =	sadd.s32 $0x3, s19;
	v20 =	vadd.s32 s2, v1;
	v62 =	vadd.s32 s0, v0;
	v21 =	vadd.s32 s2, v6  }
0x78: {  	s30 =	sadd.s32 $0x4, s19;
	s31 =	sadd.s32 $0x5, s19;
	v22 =	vadd.s32 s29, v1;
	v63 =	vadd.s32 s2, v0;
	v25 =	vadd.s32 s29, v6  }
0x79: {  	s1 =	sadd.s32 $0x6, s19;
	v27 =	vadd.s32 s30, v1;
	v28 =	vadd.s32 s30, v6;
	v30 =	vadd.s32 s31, v1  }
0x7a: {  	s4 =	sadd.s32 $0x7, s19;
	v32 =	vadd.s32 s31, v6;
	v33 =	vadd.s32 s30, v0;
	v35 =	vadd.s32 s1, v6  }
0x7b: {  	s5 =	sadd.s32 $0x8, s19;
	v36 =	vadd.s32 s31, v0;
	v38 =	vadd.s32 s4, v1;
	v39 =	vadd.s32 s1, v0  }
0x7c: {  	s6 =	sadd.s32 $0x9, s19;
	v40 =	vadd.s32 s4, v6;
	v41 =	vadd.s32 s5, v1;
	v42 =	vadd.s32 s5, v6;
	v15 =	vld.idx.msk [tilespmem:v15+s3+$0x0], $0xffff  }
0x7d: {  	s7 =	sadd.s32 $0xA, s19;
	v43 =	vadd.s32 s4, v0;
	v45 =	vadd.s32 s6, v1;
	v46 =	vadd.s32 s6, v6  }
0x7e: {  	s8 =	sadd.s32 $0xB, s19;
	v47 =	vadd.s32 s5, v0;
	v48 =	vadd.s32 s6, v0;
	v50 =	vadd.s32 s7, v1;
	v16 =	vld.idx.msk [tilespmem:v16+s3+$0x0], $0xffff  }
0x7f: {  	s10 =	sadd.s32 $0xC, s19;
	v52 =	vadd.s32 s7, v6;
	v54 =	vadd.s32 s8, v1;
	v55 =	vadd.s32 s8, v6;
	v17 =	vld.idx.msk [tilespmem:v17+s3+$0x0], $0xffff  }
0x80: {  	s12 =	sadd.s32 $0xE, s19;
	v56 =	vadd.s32 s8, v0;
	v58 =	vadd.s32 s10, v1;
	v60 =	vadd.s32 s10, v6;
	v20 =	vld.idx.msk [tilespmem:v20+s3+$0x0], $0xffff  }
0x81: {  	v61 =	vadd.s32 s10, v0;
	v23 =	vadd.s32 s12, v1;
	v24 =	vld.idx.msk [tilespmem:v21+s3+$0x0], $0xffff;
	vm15 =	veq.f32 v15, v14  }
0x82: {  	s13 =	sadd.s32 $0xF, s19;
	s14 =	sadd.s32 $0x11, s19;
	v31 =	vld.idx.msk [tilespmem:v28+s3+$0x0], $0xffff;
	v21 =	vand.u32 $0x3FF8, v42;
	vm1 =	vgt.f32 v15, v14;
	vm0 =	vmand vm0, vm15  }
0x83: {  	v34 =	vld.idx.msk [tilespmem:v32+s3+$0x0], $0xffff;
	v28 =	vadd.s32 s13, v1;
	v32 =	vadd.s32 s14, v0;
	vm0 =	vmor vm1, vm0  }
0x84: {  	v37 =	vld.idx.msk [tilespmem:v35+s3+$0x0], $0xffff;
	vm15 =	vlt.s32 v18, v11;
	vm1 =	veq.f32 v16, v12;
	v14 =	vsel vm0, v15, v14  }
0x85: {  	s15 =	sadd.s32 $0x10, s19;
	s17 =	sadd.s32 $0x13, s19;
	v13 =	vsel vm0, v18, v13;
	vm0 =	vgt.f32 v16, v12;
	v15 =	vld.idx.msk [tilespmem:v19+s3+$0x0], $0xffff;
	vm1 =	vmand vm15, vm1  }
0x86: {  	v51 =	vld.idx.msk [tilespmem:v46+s3+$0x0], $0xffff;
	v35 =	vor.u32 s15, v6;
	v46 =	vadd.s32 s17, v0;
	vm0 =	vmor vm0, vm1  }
0x87: {  	vm1 =	veq.f32 v17, v14;
	vm15 =	vlt.s32 v62, v13;
	vm2 =	vgt.f32 v17, v14  }
0x88: {  	vm1 =	vmand vm1, vm15;
	v12 =	vsel vm0, v16, v12;
	v11 =	vsel vm0, v18, v11  }
0x89: {  	v16 =	vand.u32 $0x7, v46;
	vm0 =	vmor vm2, vm1;
	vm2 =	vlt.s32 v62, v11  }
0x8a: {  	v14 =	vsel vm0, v17, v14;
	v13 =	vsel vm0, v62, v13;
	vm1 =	veq.f32 v15, v12  }
0x8b: {  	vm0 =	vmand vm1, vm2;
	vm1 =	veq.f32 v20, v14;
	vm2 =	vlt.s32 v63, v13  }
0x8c: {  	v26 =	vld.idx.msk [tilespmem:v22+s3+$0x0], $0xffff;
	vm15 =	vgt.f32 v15, v12;
	vm1 =	vmand vm1, vm2;
	vm2 =	vgt.f32 v20, v14  }
0x8d: {  	v17 =	vld.idx.msk [tilespmem:v30+s3+$0x0], $0xffff;
	v30 =	vadd.s32 s13, v0;
	vm0 =	vmor vm15, vm0;
	vm1 =	vmor vm2, vm1  }
0x8e: {  	s11 =	sadd.s32 $0xD, s19;
	v12 =	vsel vm0, v15, v12;
	v11 =	vsel vm0, v62, v11;
	v15 =	vadd.s32 s29, v0  }
0x8f: {  	v62 =	vadd.s32 s11, v1;
	v14 =	vsel vm1, v20, v14;
	v13 =	vsel vm1, v63, v13  }
0x90: {  	vm0 =	vgt.f32 v24, v12;
	vm1 =	veq.f32 v24, v12;
	vm2 =	vlt.s32 v63, v11  }
0x91: {  	v18 =	vld.idx.msk [tilespmem:v25+s3+$0x0], $0xffff;
	v20 =	vand.u32 $0x1FF8, v41;
	vm1 =	vmand vm1, vm2;
	vm2 =	veq.f32 v26, v14  }
0x92: {  	vm15 =	vlt.s32 v15, v13;
	v20 =	vor.u32 v3, v20;
	vm0 =	vmor vm0, vm1  }
0x93: {  	v29 =	vld.idx.msk [tilespmem:v27+s3+$0x0], $0xffff;
	vm1 =	vgt.f32 v26, v14;
	vm2 =	vmand vm2, vm15;
	v12 =	vsel vm0, v24, v12  }
0x94: {  	vm1 =	vmor vm1, vm2;
	v11 =	vsel vm0, v63, v11;
	v63 =	vadd.s32 s11, v6  }
0x95: {  	v24 =	vadd.s32 s11, v0;
	v14 =	vsel vm1, v26, v14;
	v13 =	vsel vm1, v15, v13  }
0x96: {  	s21 =	sadd.s32 $0x16, s19;
	vm0 =	veq.f32 v18, v12;
	vm1 =	vlt.s32 v15, v11;
	vm2 =	vgt.f32 v18, v12  }
0x97: {  	v22 =	vld.idx.msk [tilespmem:v62+s3+$0x0], $0xffff;
	v26 =	vadd.s32 s12, v6;
	v62 =	vadd.s32 s21, v0;
	vm0 =	vmand vm0, vm1  }
0x98: {  	vm1 =	veq.f32 v29, v14;
	vm15 =	vgt.f32 v29, v14;
	vm0 =	vmor vm2, vm0  }
0x99: {  	vm2 =	vlt.s32 v33, v13;
	v44 =	vld.idx.msk [tilespmem:v20+s3+$0x0], $0xffff;
	v20 =	vand.u32 $0x7, v32;
	v12 =	vsel vm0, v18, v12  }
0x9a: {  	s16 =	sadd.s32 $0x12, s19;
	vm1 =	vmand vm1, vm2;
	v11 =	vsel vm0, v15, v11;
	v15 =	vadd.s32 s1, v1  }
0x9b: {  	v18 =	vld.idx.msk [tilespmem:v40+s3+$0x0], $0xffff;
	v40 =	vadd.s32 s16, v0;
	vm0 =	vmor vm15, vm1;
	vm1 =	veq.f32 v31, v12  }
0x9c: {  	vm2 =	vlt.s32 v33, v11;
	vm15 =	vgt.f32 v31, v12;
	v41 =	vand.u32 $0x1FF, v40  }
0x9d: {  	v25 =	vld.idx.msk [tilespmem:v63+s3+$0x0], $0xffff;
	v63 =	vand.u32 $0x1FF, v62;
	v14 =	vsel vm0, v29, v14;
	vm1 =	vmand vm1, vm2  }
0x9e: {  	v49 =	vld.idx.msk [tilespmem:v45+s3+$0x0], $0xffff;
	v13 =	vsel vm0, v33, v13;
	v29 =	vadd.s32 s13, v6;
	v42 =	vor.u32 v4, v41  }
0x9f: {  	v27 =	vld.idx.msk [tilespmem:v23+s3+$0x0], $0xffff;
	v45 =	vor.u32 v8, v41;
	vm0 =	vmor vm15, vm1;
	vm1 =	veq.f32 v17, v14  }
0xa0: {  	vm2 =	vlt.s32 v36, v13;
	v23 =	vand.u32 $0x1FF8, v42;
	v12 =	vsel vm0, v31, v12;
	v15 =	vld.idx.msk [tilespmem:v15+s3+$0x0], $0xffff  }
0xa1: {  	v11 =	vsel vm0, v33, v11;
	vm0 =	vgt.f32 v17, v14;
	vm1 =	vmand vm1, vm2  }
0xa2: {  	vm0 =	vmor vm0, vm1;
	vm1 =	veq.f32 v34, v12;
	vm2 =	vlt.s32 v36, v11  }
0xa3: {  	vm15 =	vgt.f32 v34, v12;
	vm1 =	vmand vm1, vm2;
	v13 =	vsel vm0, v36, v13  }
0xa4: {  	v19 =	vld.idx.msk [tilespmem:v38+s3+$0x0], $0xffff;
	v14 =	vsel vm0, v17, v14;
	vm0 =	vmor vm15, vm1;
	vm1 =	vlt.s32 v39, v13  }
0xa5: {  	v12 =	vsel vm0, v34, v12;
	v11 =	vsel vm0, v36, v11;
	vm0 =	veq.f32 v15, v14  }
0xa6: {  	vm15 =	vgt.f32 v37, v12;
	vm2 =	vgt.f32 v15, v14;
	vm0 =	vmand vm0, vm1  }
0xa7: {  	vm1 =	veq.f32 v37, v12;
	vm0 =	vmor vm2, vm0;
	vm2 =	vlt.s32 v39, v11  }
0xa8: {  	vm1 =	vmand vm1, vm2;
	v14 =	vsel vm0, v15, v14;
	v15 =	vor.u32 v3, v21  }
0xa9: {  	v13 =	vsel vm0, v39, v13;
	vm1 =	vmor vm15, vm1;
	vm0 =	veq.f32 v19, v14  }
0xaa: {  	v12 =	vsel vm1, v37, v12;
	v11 =	vsel vm1, v39, v11;
	vm1 =	vlt.s32 v43, v13  }
0xab: {  	v33 =	vor.u32 s15, v1;
	vm2 =	vgt.f32 v19, v14;
	vm0 =	vmand vm0, vm1  }
0xac: {  	vm1 =	veq.f32 v18, v12;
	vm0 =	vmor vm2, vm0;
	vm2 =	vlt.s32 v43, v11  }
0xad: {  	vm15 =	vgt.f32 v18, v12;
	vm1 =	vmand vm1, vm2;
	v15 =	vld.idx.msk [tilespmem:v15+s3+$0x0], $0xffff;
	v14 =	vsel vm0, v19, v14  }
0xae: {  	v13 =	vsel vm0, v43, v13;
	vm1 =	vmor vm15, vm1;
	vm0 =	veq.f32 v44, v14  }
0xaf: {  	v12 =	vsel vm1, v18, v12;
	v11 =	vsel vm1, v43, v11;
	vm1 =	vlt.s32 v47, v13  }
0xb0: {  	s18 =	sadd.s32 $0x14, s19;
	v34 =	vand.u32 v9, v33;
	vm2 =	vgt.f32 v44, v14;
	vm0 =	vmand vm0, vm1  }
0xb1: {  	v21 =	vld.idx.msk [tilespmem:v52+s3+$0x0], $0xffff;
	v52 =	vadd.s32 s18, v0;
	v39 =	vor.u32 s15, v0;
	vm0 =	vmor vm2, vm0  }
0xb2: {  	vm2 =	vlt.s32 v47, v11;
	vm1 =	veq.f32 v15, v12;
	vm15 =	vgt.f32 v15, v12  }
0xb3: {  	v14 =	vsel vm0, v44, v14;
	v13 =	vsel vm0, v47, v13;
	vm1 =	vmand vm1, vm2  }
0xb4: {  	v53 =	vld.idx.msk [tilespmem:v50+s3+$0x0], $0xffff;
	vm2 =	vlt.s32 v48, v13;
	vm0 =	vmor vm15, vm1;
	vm1 =	veq.f32 v49, v14  }
0xb5: {  	vm15 =	vgt.f32 v49, v14;
	v12 =	vsel vm0, v15, v12;
	v11 =	vsel vm0, v47, v11  }
0xb6: {  	vm0 =	vmand vm1, vm2;
	vm1 =	veq.f32 v51, v12;
	vm2 =	vlt.s32 v48, v11  }
0xb7: {  	v15 =	vadd.s32 s7, v0;
	vm0 =	vmor vm15, vm0;
	vm1 =	vmand vm1, vm2  }
0xb8: {  	vm2 =	vgt.f32 v51, v12;
	v14 =	vsel vm0, v49, v14;
	v13 =	vsel vm0, v48, v13  }
0xb9: {  	vm1 =	vmor vm2, vm1;
	vm0 =	vgt.f32 v53, v14;
	vm2 =	vlt.s32 v15, v13  }
0xba: {  	v57 =	vld.idx.msk [tilespmem:v54+s3+$0x0], $0xffff;
	v12 =	vsel vm1, v51, v12;
	v11 =	vsel vm1, v48, v11;
	vm1 =	veq.f32 v53, v14  }
0xbb: {  	v48 =	vand.u32 $0x1FF, v46;
	vm1 =	vmand vm1, vm2;
	vm2 =	veq.f32 v21, v12  }
0xbc: {  	vm15 =	vlt.s32 v15, v11;
	v49 =	vor.u32 v4, v48;
	v50 =	vor.u32 v8, v48  }
0xbd: {  	v59 =	vld.idx.msk [tilespmem:v55+s3+$0x0], $0xffff;
	vm0 =	vmor vm0, vm1;
	vm1 =	vgt.f32 v21, v12;
	vm2 =	vmand vm2, vm15  }
0xbe: {  	v14 =	vsel vm0, v53, v14;
	vm1 =	vmor vm1, vm2;
	v13 =	vsel vm0, v15, v13  }
0xbf: {  	v19 =	vld.idx.msk [tilespmem:v58+s3+$0x0], $0xffff;
	v12 =	vsel vm1, v21, v12;
	vm0 =	veq.f32 v57, v14;
	vm2 =	vlt.s32 v56, v13  }
0xc0: {  	v11 =	vsel vm1, v15, v11;
	vm1 =	vgt.f32 v57, v14;
	vm0 =	vmand vm0, vm2  }
0xc1: {  	v51 =	vand.u32 $0x3FF8, v50;
	vm2 =	vlt.s32 v56, v11;
	vm0 =	vmor vm1, vm0  }
0xc2: {  	s20 =	sadd.s32 $0x15, s19;
	v15 =	vld.idx.msk [tilespmem:v60+s3+$0x0], $0xffff;
	vm15 =	vgt.f32 v59, v12;
	vm1 =	veq.f32 v59, v12;
	v14 =	vsel vm0, v57, v14  }
0xc3: {  	vm1 =	vmand vm1, vm2;
	v13 =	vsel vm0, v56, v13;
	v57 =	vadd.s32 s20, v0  }
0xc4: {  	vm0 =	vmor vm15, vm1;
	vm1 =	veq.f32 v19, v14;
	vm2 =	vlt.s32 v61, v13  }
0xc5: {  	vm15 =	vgt.f32 v19, v14;
	v58 =	vand.u32 $0x1FF, v57;
	vm1 =	vmand vm1, vm2  }
0xc6: {  	v12 =	vsel vm0, v59, v12;
	v11 =	vsel vm0, v56, v11;
	v59 =	vor.u32 v4, v58  }
0xc7: {  	vm0 =	vmor vm15, vm1;
	vm1 =	veq.f32 v15, v12;
	vm2 =	vlt.s32 v61, v11  }
0xc8: {  	s24 =	sadd.s32 $0x19, s19;
	v14 =	vsel vm0, v19, v14;
	v13 =	vsel vm0, v61, v13;
	vm0 =	vgt.f32 v15, v12  }
0xc9: {  	vm1 =	vmand vm1, vm2;
	v19 =	vld.idx.msk [tilespmem:v34+s3+$0x0], $0xffff;
	v34 =	vadd.s32 s24, v0;
	vm2 =	veq.f32 v22, v14  }
0xca: {  	vm15 =	vlt.s32 v24, v13;
	vm0 =	vmor vm0, vm1;
	vm1 =	vgt.f32 v22, v14  }
0xcb: {  	vm2 =	vmand vm2, vm15;
	v12 =	vsel vm0, v15, v12;
	v15 =	vadd.s32 s12, v0  }
0xcc: {  	v11 =	vsel vm0, v61, v11;
	vm1 =	vmor vm1, vm2;
	vm0 =	veq.f32 v25, v12  }
0xcd: {  	v17 =	vld.idx.msk [tilespmem:v26+s3+$0x0], $0xffff;
	v14 =	vsel vm1, v22, v14;
	v13 =	vsel vm1, v24, v13;
	vm1 =	vlt.s32 v24, v11  }
0xce: {  	v61 =	vor.u32 v8, v58;
	vm2 =	vgt.f32 v25, v12;
	vm0 =	vmand vm0, vm1  }
0xcf: {  	vm1 =	veq.f32 v27, v14;
	vm0 =	vmor vm2, vm0;
	vm2 =	vlt.s32 v15, v13  }
0xd0: {  	s22 =	sadd.s32 $0x17, s19;
	v31 =	vld.idx.msk [tilespmem:v28+s3+$0x0], $0xffff;
	vm15 =	vgt.f32 v27, v14;
	v12 =	vsel vm0, v25, v12;
	vm1 =	vmand vm1, vm2  }
0xd1: {  	v11 =	vsel vm0, v24, v11;
	v24 =	vor.u32 v4, v63;
	v25 =	vadd.s32 s22, v0  }
0xd2: {  	vm0 =	vmor vm15, vm1;
	vm1 =	veq.f32 v17, v12;
	vm2 =	vlt.s32 v15, v11  }
0xd3: {  	vm15 =	vgt.f32 v17, v12;
	vm1 =	vmand vm1, vm2;
	v14 =	vsel vm0, v27, v14  }
0xd4: {  	v21 =	vld.idx.msk [tilespmem:v29+s3+$0x0], $0xffff;
	v13 =	vsel vm0, v15, v13;
	v27 =	vand.u32 $0x1FF, v25;
	vm1 =	vmor vm15, vm1  }
0xd5: {  	vm0 =	veq.f32 v31, v14;
	vm2 =	vlt.s32 v30, v13;
	v28 =	vor.u32 v4, v27  }
0xd6: {  	v29 =	vor.u32 v8, v27;
	v12 =	vsel vm1, v17, v12;
	v17 =	vand.u32 v10, v35  }
0xd7: {  	v11 =	vsel vm1, v15, v11;
	vm1 =	vgt.f32 v31, v14;
	vm0 =	vmand vm0, vm2  }
0xd8: {  	v15 =	vand.u32 $0x1FF, v32;
	v35 =	vand.u32 $0x1FF, v34;
	vm0 =	vmor vm1, vm0  }
0xd9: {  	vm1 =	vgt.f32 v21, v12;
	vm2 =	veq.f32 v21, v12;
	v36 =	vor.u32 v4, v15  }
0xda: {  	vm15 =	vlt.s32 v30, v11;
	v38 =	vor.u32 v8, v15;
	v22 =	vand.u32 $0x1FF8, v36  }
0xdb: {  	vm2 =	vmand vm2, vm15;
	v14 =	vsel vm0, v31, v14;
	v37 =	vor.u32 v20, v22  }
0xdc: {  	v13 =	vsel vm0, v30, v13;
	vm1 =	vmor vm1, vm2;
	vm0 =	veq.f32 v19, v14  }
0xdd: {  	v12 =	vsel vm1, v21, v12;
	v11 =	vsel vm1, v30, v11;
	v21 =	vand.u32 $0x3FF8, v38;
	v17 =	vld.idx.msk [tilespmem:v17+s3+$0x0], $0xffff  }
0xde: {  	vm1 =	vlt.s32 v39, v13;
	v20 =	vor.u32 v20, v21;
	v21 =	vand.u32 $0x7, v40  }
0xdf: {  	s23 =	sadd.s32 $0x18, s19;
	vm2 =	vgt.f32 v19, v14;
	vm0 =	vmand vm0, vm1;
	v44 =	vor.u32 v21, v23  }
0xe0: {  	v36 =	vor.u32 v4, v35;
	v30 =	vadd.s32 s23, v0;
	vm0 =	vmor vm2, vm0;
	v18 =	vld.idx.msk [tilespmem:v37+s3+$0x0], $0xffff  }
0xe1: {  	vm15 =	vlt.s32 v39, v11;
	v23 =	vand.u32 $0x1FF8, v59;
	v14 =	vsel vm0, v19, v14  }
0xe2: {  	v13 =	vsel vm0, v39, v13;
	v19 =	vand.u32 $0x7, v52;
	vm2 =	veq.f32 v17, v12  }
0xe3: {  	s26 =	sadd.s32 $0x1B, s19;
	v37 =	vor.u32 v8, v35;
	vm1 =	vgt.f32 v17, v12;
	v43 =	vld.idx.msk [tilespmem:v20+s3+$0x0], $0xffff;
	vm2 =	vmand vm2, vm15  }
0xe4: {  	v20 =	vand.u32 $0x1FF8, v36;
	v47 =	vld.idx.msk [tilespmem:v44+s3+$0x0], $0xffff;
	v44 =	vadd.s32 s26, v0;
	vm1 =	vmor vm1, vm2  }
0xe5: {  	vm2 =	vlt.s32 v15, v13;
	v12 =	vsel vm1, v17, v12;
	vm0 =	veq.f32 v18, v14  }
0xe6: {  	s25 =	sadd.s32 $0x1A, s19;
	v17 =	vand.u32 $0x3FF8, v45;
	vm15 =	vgt.f32 v18, v14;
	v11 =	vsel vm1, v39, v11  }
0xe7: {  	v39 =	vadd.s32 s25, v0;
	v45 =	vand.u32 $0x1FF, v44;
	vm0 =	vmand vm0, vm2  }
0xe8: {  	v17 =	vor.u32 v21, v17;
	v21 =	vand.u32 $0x1FF8, v49;
	v40 =	vand.u32 $0x1FF, v39  }
0xe9: {  	v46 =	vor.u32 v4, v45;
	vm0 =	vmor vm15, vm0;
	vm1 =	vgt.f32 v43, v12  }
0xea: {  	vm2 =	veq.f32 v43, v12;
	vm15 =	vlt.s32 v15, v11;
	v21 =	vor.u32 v16, v21  }
0xeb: {  	v16 =	vor.u32 v16, v51;
	v14 =	vsel vm0, v18, v14;
	vm2 =	vmand vm2, vm15  }
0xec: {  	v13 =	vsel vm0, v15, v13;
	vm1 =	vmor vm1, vm2;
	vm0 =	veq.f32 v47, v14  }
0xed: {  	vm2 =	vlt.s32 v41, v13;
	vm15 =	vgt.f32 v47, v14;
	v12 =	vsel vm1, v43, v12;
	v17 =	vld.idx.msk [tilespmem:v17+s3+$0x0], $0xffff  }
0xee: {  	s29 =	sadd.s32 $0x1D, s19;
	vm0 =	vmand vm0, vm2;
	v11 =	vsel vm1, v15, v11;
	v15 =	vand.u32 $0x1FF, v52  }
0xef: {  	v43 =	vor.u32 v8, v40;
	v52 =	vadd.s32 s29, v0;
	v54 =	vor.u32 v4, v15;
	v53 =	vld.idx.msk [tilespmem:v21+s3+$0x0], $0xffff  }
0xf0: {  	vm0 =	vmor vm15, vm0;
	vm2 =	vlt.s32 v41, v11;
	v21 =	vand.u32 $0x1FF8, v54  }
0xf1: {  	v55 =	vor.u32 v8, v15;
	v14 =	vsel vm0, v47, v14;
	v21 =	vor.u32 v19, v21  }
0xf2: {  	v16 =	vld.idx.msk [tilespmem:v16+s3+$0x0], $0xffff;
	v13 =	vsel vm0, v41, v13;
	v56 =	vand.u32 $0x3FF8, v55;
	vm1 =	veq.f32 v17, v12  }
0xf3: {  	v47 =	vor.u32 v8, v45;
	vm15 =	vgt.f32 v17, v12;
	vm1 =	vmand vm1, vm2  }
0xf4: {  	vm2 =	vgt.f32 v53, v14;
	vm0 =	vmor vm15, vm1;
	vm1 =	vlt.s32 v48, v13  }
0xf5: {  	v12 =	vsel vm0, v17, v12;
	v11 =	vsel vm0, v41, v11;
	v17 =	vor.u32 v19, v56  }
0xf6: {  	s30 =	sadd.s32 $0x1E, s19;
	v21 =	vld.idx.msk [tilespmem:v21+s3+$0x0], $0xffff;
	vm0 =	veq.f32 v53, v14;
	v19 =	vand.u32 $0x7, v57;
	v41 =	vor.u32 v4, v40  }
0xf7: {  	v57 =	vadd.s32 s30, v0;
	vm0 =	vmand vm0, vm1;
	vm1 =	vgt.f32 v16, v12  }
0xf8: {  	vm15 =	vlt.s32 v48, v11;
	vm0 =	vmor vm2, vm0;
	vm2 =	veq.f32 v16, v12  }
0xf9: {  	v60 =	vor.u32 v19, v23;
	v23 =	vand.u32 $0x1FF8, v24;
	vm2 =	vmand vm2, vm15  }
0xfa: {  	v42 =	vand.u32 $0x1FF8, v41;
	v14 =	vsel vm0, v53, v14;
	vm1 =	vmor vm1, vm2;
	v17 =	vld.idx.msk [tilespmem:v17+s3+$0x0], $0xffff  }
0xfb: {  	v13 =	vsel vm0, v48, v13;
	vm0 =	veq.f32 v21, v14;
	v12 =	vsel vm1, v16, v12  }
0xfc: {  	v11 =	vsel vm1, v48, v11;
	v16 =	vand.u32 $0x3FF8, v61;
	vm1 =	vlt.s32 v15, v13  }
0xfd: {  	s31 =	sadd.s32 $0x1F, s19;
	vm2 =	vgt.f32 v21, v14;
	v16 =	vor.u32 v19, v16;
	vm0 =	vmand vm0, vm1  }
0xfe: {  	v24 =	vadd.s32 s31, v0;
	v19 =	vand.u32 $0x7, v62;
	vm0 =	vmor vm2, vm0  }
0xff: {  	v18 =	vld.idx.msk [tilespmem:v60+s3+$0x0], $0xffff;
	vm2 =	vlt.s32 v15, v11;
	v23 =	vor.u32 v19, v23;
	vm1 =	veq.f32 v17, v12  }
0x100: {  	v53 =	vand.u32 $0x1FF, v52;
	vm15 =	vgt.f32 v17, v12;
	vm1 =	vmand vm1, vm2  }
0x101: {  	v54 =	vor.u32 v4, v53;
	v55 =	vor.u32 v8, v53;
	vm1 =	vmor vm15, vm1  }
0x102: {  	s28 =	sadd.s32 $0x1C, s19;
	v13 =	vsel vm0, v15, v13;
	v16 =	vld.idx.msk [tilespmem:v16+s3+$0x0], $0xffff;
	v11 =	vsel vm1, v15, v11;
	v15 =	vor.u32 v8, v63  }
0x103: {  	v48 =	vadd.s32 s28, v0;
	v14 =	vsel vm0, v21, v14;
	v15 =	vand.u32 $0x3FF8, v15  }
0x104: {  	vm0 =	vgt.f32 v18, v14;
	vm2 =	vlt.s32 v58, v13;
	v26 =	vld.idx.msk [tilespmem:v23+s3+$0x0], $0xffff;
	v15 =	vor.u32 v19, v15  }
0x105: {  	v23 =	vand.u32 $0x1FF8, v28;
	v12 =	vsel vm1, v17, v12;
	vm1 =	veq.f32 v18, v14  }
0x106: {  	v17 =	vand.u32 $0x7, v25;
	vm1 =	vmand vm1, vm2;
	vm2 =	vlt.s32 v58, v11  }
0x107: {  	v23 =	vor.u32 v17, v23;
	vm0 =	vmor vm0, vm1;
	vm1 =	veq.f32 v16, v12  }
0x108: {  	vm15 =	vgt.f32 v16, v12;
	v14 =	vsel vm0, v18, v14;
	v13 =	vsel vm0, v58, v13  }
0x109: {  	v18 =	vand.u32 $0x1FF, v30;
	vm1 =	vmand vm1, vm2;
	vm0 =	vgt.f32 v26, v14;
	v15 =	vld.idx.msk [tilespmem:v15+s3+$0x0], $0xffff  }
0x10a: {  	vm2 =	veq.f32 v26, v14;
	v31 =	vor.u32 v4, v18;
	vm1 =	vmor vm15, vm1  }
0x10b: {  	vm15 =	vlt.s32 v63, v13;
	v12 =	vsel vm1, v16, v12;
	v16 =	vand.u32 $0x3FF8, v29  }
0x10c: {  	v32 =	vor.u32 v8, v18;
	vm2 =	vmand vm2, vm15;
	v16 =	vor.u32 v17, v16  }
0x10d: {  	v11 =	vsel vm1, v58, v11;
	vm0 =	vmor vm0, vm2;
	v17 =	vand.u32 $0x1FF8, v31  }
0x10e: {  	v23 =	vld.idx.msk [tilespmem:v23+s3+$0x0], $0xffff;
	vm2 =	vlt.s32 v63, v11;
	v17 =	vor.u32 v3, v17;
	vm1 =	veq.f32 v15, v12  }
0x10f: {  	v33 =	vand.u32 $0x3FF8, v32;
	vm15 =	vgt.f32 v15, v12;
	vm1 =	vmand vm1, vm2  }
0x110: {  	v14 =	vsel vm0, v26, v14;
	v13 =	vsel vm0, v63, v13;
	vm0 =	vmor vm15, vm1  }
0x111: {  	v61 =	vand.u32 $0x1FF, v24;
	v12 =	vsel vm0, v15, v12;
	v15 =	vld.idx.msk [tilespmem:v16+s3+$0x0], $0xffff;
	v16 =	vor.u32 v3, v33  }
0x112: {  	v56 =	vand.u32 $0x3FF8, v55;
	v24 =	vand.u32 $0x7, v24;
	v62 =	vor.u32 v4, v61  }
0x113: {  	v21 =	vand.u32 $0x7, v34;
	vm2 =	vlt.s32 v27, v13;
	v17 =	vld.idx.msk [tilespmem:v17+s3+$0x0], $0xffff;
	vm1 =	veq.f32 v23, v14  }
0x114: {  	v20 =	vor.u32 v21, v20;
	vm15 =	vgt.f32 v23, v14;
	vm1 =	vmand vm1, vm2  }
0x115: {  	v25 =	vor.u32 v8, v61;
	v11 =	vsel vm0, v63, v11;
	vm0 =	vmor vm15, vm1  }
0x116: {  	vm2 =	vlt.s32 v27, v11;
	v14 =	vsel vm0, v23, v14;
	vm1 =	veq.f32 v15, v12;
	v16 =	vld.idx.msk [tilespmem:v16+s3+$0x0], $0xffff  }
0x117: {  	v13 =	vsel vm0, v27, v13;
	vm0 =	vgt.f32 v15, v12;
	vm1 =	vmand vm1, vm2  }
0x118: {  	v58 =	vand.u32 $0x1FF, v57;
	vm15 =	vgt.f32 v17, v14;
	vm0 =	vmor vm0, vm1  }
0x119: {  	vm2 =	vlt.s32 v18, v13;
	v12 =	vsel vm0, v15, v12;
	v15 =	vand.u32 $0x3FF8, v37  }
0x11a: {  	vm1 =	veq.f32 v17, v14;
	v11 =	vsel vm0, v27, v11;
	v15 =	vor.u32 v21, v15  }
0x11b: {  	vm1 =	vmand vm1, vm2;
	vm2 =	vlt.s32 v18, v11;
	vm0 =	veq.f32 v16, v12  }
0x11c: {  	v38 =	vld.idx.msk [tilespmem:v20+s3+$0x0], $0xffff;
	vm1 =	vmor vm15, vm1;
	vm15 =	vgt.f32 v16, v12;
	vm0 =	vmand vm0, vm2  }
0x11d: {  	v19 =	vand.u32 $0x7, v39;
	v59 =	vor.u32 v4, v58;
	vm0 =	vmor vm15, vm0  }
0x11e: {  	v60 =	vor.u32 v8, v58;
	v12 =	vsel vm0, v16, v12;
	v16 =	vor.u32 v19, v42  }
0x11f: {  	v23 =	vand.u32 $0x3FF8, v47;
	v21 =	vand.u32 $0x3FF8, v43;
	v14 =	vsel vm1, v17, v14;
	v15 =	vld.idx.msk [tilespmem:v15+s3+$0x0], $0xffff  }
0x120: {  	v13 =	vsel vm1, v18, v13;
	v17 =	vand.u32 $0x1FF8, v46;
	v19 =	vor.u32 v19, v21  }
0x121: {  	vm1 =	vgt.f32 v38, v14;
	vm2 =	veq.f32 v38, v14;
	vm15 =	vlt.s32 v35, v13  }
0x122: {  	vm2 =	vmand vm2, vm15;
	v11 =	vsel vm0, v18, v11;
	v21 =	vand.u32 $0x7, v44  }
0x123: {  	vm0 =	vmor vm1, vm2;
	vm1 =	vlt.s32 v35, v11;
	v17 =	vor.u32 v21, v17;
	v16 =	vld.idx.msk [tilespmem:v16+s3+$0x0], $0xffff  }
0x124: {  	v14 =	vsel vm0, v38, v14;
	v13 =	vsel vm0, v35, v13;
	vm0 =	veq.f32 v15, v12  }
0x125: {  	v18 =	vand.u32 $0x1FF8, v54;
	v19 =	vld.idx.msk [tilespmem:v19+s3+$0x0], $0xffff;
	vm2 =	vgt.f32 v15, v12;
	vm0 =	vmand vm0, vm1  }
0x126: {  	v21 =	vor.u32 v21, v23;
	v23 =	vand.u32 $0x7, v48;
	vm0 =	vmor vm2, vm0  }
0x127: {  	vm1 =	vlt.s32 v40, v13;
	v12 =	vsel vm0, v15, v12;
	v15 =	vand.u32 $0x1FF, v48  }
0x128: {  	v11 =	vsel vm0, v35, v11;
	vm0 =	veq.f32 v16, v14;
	v49 =	vor.u32 v4, v15  }
0x129: {  	v17 =	vld.idx.msk [tilespmem:v17+s3+$0x0], $0xffff;
	vm2 =	vlt.s32 v40, v11;
	vm15 =	vgt.f32 v16, v14;
	v22 =	vand.u32 $0x1FF8, v49  }
0x12a: {  	vm0 =	vmand vm0, vm1;
	vm1 =	veq.f32 v19, v12;
	v22 =	vor.u32 v23, v22  }
0x12b: {  	v21 =	vld.idx.msk [tilespmem:v21+s3+$0x0], $0xffff;
	vm1 =	vmand vm1, vm2;
	vm2 =	vgt.f32 v19, v12;
	vm0 =	vmor vm15, vm0  }
0x12c: {  	v50 =	vor.u32 v8, v15;
	vm1 =	vmor vm2, vm1;
	v14 =	vsel vm0, v16, v14  }
0x12d: {  	v13 =	vsel vm0, v40, v13;
	v16 =	vand.u32 $0x3FF8, v50;
	v12 =	vsel vm1, v19, v12  }
0x12e: {  	vm0 =	veq.f32 v17, v14;
	vm2 =	vlt.s32 v45, v13;
	v16 =	vor.u32 v23, v16  }
0x12f: {  	v11 =	vsel vm1, v40, v11;
	vm15 =	vgt.f32 v17, v14;
	vm0 =	vmand vm0, vm2  }
0x130: {  	v19 =	vand.u32 $0x7, v57;
	vm1 =	veq.f32 v21, v12;
	vm0 =	vmor vm15, vm0;
	v51 =	vld.idx.msk [tilespmem:v22+s3+$0x0], $0xffff  }
0x131: {  	vm2 =	vlt.s32 v45, v11;
	v14 =	vsel vm0, v17, v14;
	v17 =	vand.u32 $0x7, v52  }
0x132: {  	vm1 =	vmand vm1, vm2;
	vm2 =	vgt.f32 v21, v12;
	v18 =	vor.u32 v17, v18  }
0x133: {  	v23 =	vand.u32 $0x3FF8, v60;
	vm1 =	vmor vm2, vm1;
	v17 =	vor.u32 v17, v56;
	v16 =	vld.idx.msk [tilespmem:v16+s3+$0x0], $0xffff  }
0x134: {  	v13 =	vsel vm0, v45, v13;
	v22 =	vand.u32 $0x1FF8, v59;
	v12 =	vsel vm1, v21, v12  }
0x135: {  	vm2 =	vlt.s32 v15, v13;
	v11 =	vsel vm1, v45, v11;
	vm0 =	veq.f32 v51, v14  }
0x136: {  	v22 =	vor.u32 v19, v22;
	vm15 =	vgt.f32 v51, v14;
	vm0 =	vmand vm0, vm2  }
0x137: {  	v19 =	vor.u32 v19, v23;
	vm1 =	vlt.s32 v15, v11;
	v18 =	vld.idx.msk [tilespmem:v18+s3+$0x0], $0xffff;
	vm0 =	vmor vm15, vm0  }
0x138: {  	v17 =	vld.idx.msk [tilespmem:v17+s3+$0x0], $0xffff;
	v14 =	vsel vm0, v51, v14;
	v13 =	vsel vm0, v15, v13;
	vm0 =	veq.f32 v16, v12  }
0x139: {  	v25 =	vand.u32 $0x3FF8, v25;
	vm2 =	vgt.f32 v16, v12;
	vm0 =	vmand vm0, vm1  }
0x13a: {  	v63 =	vor.u32 v24, v25;
	vm0 =	vmor vm2, vm0;
	vm2 =	vlt.s32 v53, v13  }
0x13b: {  	v12 =	vsel vm0, v16, v12;
	v16 =	vand.u32 $0x1FF8, v62;
	v11 =	vsel vm0, v15, v11  }
0x13c: {  	v22 =	vld.idx.msk [tilespmem:v22+s3+$0x0], $0xffff;
	vm0 =	vgt.f32 v18, v14;
	vm1 =	veq.f32 v18, v14;
	v15 =	vor.u32 v24, v16  }
0x13d: {  	v19 =	vld.idx.msk [tilespmem:v19+s3+$0x0], $0xffff;
	vm1 =	vmand vm1, vm2;
	vm2 =	veq.f32 v17, v12;
	vm15 =	vlt.s32 v53, v11  }
0x13e: {  	vm0 =	vmor vm0, vm1;
	vm1 =	vmand vm2, vm15;
	vm2 =	vgt.f32 v17, v12  }
0x13f: {  	v14 =	vsel vm0, v18, v14;
	vm1 =	vmor vm2, vm1  }
0x140: {  	v13 =	vsel vm0, v53, v13;
	v12 =	vsel vm1, v17, v12;
	v11 =	vsel vm1, v53, v11  }
0x141: {  	vm0 =	vgt.f32 v22, v14;
	vm1 =	veq.f32 v22, v14;
	vm2 =	vlt.s32 v58, v13;
	v15 =	vld.idx.msk [tilespmem:v15+s3+$0x0], $0xffff  }
0x142: {  	v16 =	vld.idx.msk [tilespmem:v63+s3+$0x0], $0xffff;
	vm1 =	vmand vm1, vm2;
	vm2 =	veq.f32 v19, v12;
	vm15 =	vlt.s32 v58, v11  }
0x143: {  	vm0 =	vmor vm0, vm1;
	vm1 =	vmand vm2, vm15;
	vm2 =	vgt.f32 v19, v12  }
0x144: {  	v14 =	vsel vm0, v22, v14;
	vm1 =	vmor vm2, vm1  }
0x145: {  	p0 =	slt.u32 s19, $0x1E0;
	v13 =	vsel vm0, v58, v13;
	v12 =	vsel vm1, v19, v12;
	v11 =	vsel vm1, v58, v11  }
.Ltmp0:
0x146: {  	vm2 =	vlt.s32 v61, v13;
	vm15 =	vlt.s32 v61, v11;
	vm1 =	veq.f32 v15, v14;
	(pc) =	sbr.rel @p0 .LBB2_2-.Ltmp0, $4  }
0x147: {  	vm0 =	vgt.f32 v15, v14;
	vm1 =	vmand vm1, vm2;
	vm2 =	veq.f32 v16, v12  }
0x148: {  	vm0 =	vmor vm0, vm1;
	vm1 =	vmand vm2, vm15;
	vm2 =	vgt.f32 v16, v12  }
0x149: {  	v14 =	vsel vm0, v15, v14;
	vm1 =	vmor vm2, vm1  }
0x14a: {  	s19 =	sadd.s32 $0x20, s19;
	v13 =	vsel vm0, v61, v13;
	v12 =	vsel vm1, v16, v12;
	v11 =	vsel vm1, v61, v11  }
0x14b: {  	[tilespmem:$0x8000] =	vst v13  }
0x14c: {  	[tilespmem:$0x8010] =	vst v11;
	s0 =	simm.s32 $0x2  }
0x14d: {  	_ =	swait.ge [sflag:s0], $0x4000  }
0x14e: {  	v12 =	vimm.f32 $-Inf;
	[sflag:s0] =	ssyncset.done $0x0  }
0x14f: {  	s19 =	simm.s32 $0x0;
	v11 =	vimm.s32 $0x0;
	v15 =	vimm.s32 $0x0;
	v16 =	vimm.f32 $-Inf;
	[sflag:s0] =	ssyncadd.s32 $0xFFFFC000  }
.LBB2_4:
0x150: {  	v14 =	vor.u32 $0x4000, v1;
	v17 =	vor.u32 $0x5FE8, v3  }
0x151: {  	v19 =	vor.u32 $0x7FE8, v3;
	s0 =	sadd.s32 $0x1, s19;
	v21 =	vor.u32 s19, v0;
	s29 =	sadd.s32 $0x2, s19;
	v13 =	vor.u32 s19, v14  }
0x152: {  	s30 =	sadd.s32 $0x3, s19;
	s31 =	sadd.s32 $0x4, s19;
	vm1 =	vlt.s32 v21, v15;
	v22 =	vadd.s32 s0, v0;
	v23 =	vadd.s32 s29, v14  }
0x153: {  	s1 =	sadd.s32 $0x5, s19;
	v40 =	vadd.s32 s30, v14;
	v44 =	vadd.s32 s31, v14;
	v46 =	vadd.s32 s31, v0  }
0x154: {  	s4 =	sadd.s32 $0x7, s19;
	v47 =	vadd.s32 s1, v14;
	v17 =	vand.u32 v17, v13;
	v13 =	vor.u32 $0x6000, v1  }
0x155: {  	s5 =	sadd.s32 $0x8, s19;
	v49 =	vadd.s32 s1, v0;
	v51 =	vadd.s32 s4, v14;
	v18 =	vor.u32 s19, v13  }
0x156: {  	s6 =	sadd.s32 $0x9, s19;
	s7 =	sadd.s32 $0xA, s19;
	v52 =	vadd.s32 s4, v0;
	v53 =	vadd.s32 s5, v14;
	v18 =	vand.u32 v19, v18  }
0x157: {  	s8 =	sadd.s32 $0xB, s19;
	s10 =	sadd.s32 $0xC, s19;
	v55 =	vadd.s32 s5, v0;
	v56 =	vadd.s32 s6, v14;
	v58 =	vadd.s32 s7, v14  }
0x158: {  	s11 =	sadd.s32 $0xD, s19;
	v62 =	vadd.s32 s8, v14;
	v30 =	vadd.s32 s10, v14;
	v20 =	vadd.s32 s0, v13  }
0x159: {  	s12 =	sadd.s32 $0xE, s19;
	v33 =	vadd.s32 s10, v0;
	v34 =	vadd.s32 s11, v14;
	v19 =	vadd.s32 s0, v14;
	v17 =	vld.idx.msk [tilespmem:v17+s3+$0x0], $0xffff  }
0x15a: {  	s2 =	sadd.s32 $0x6, s19;
	v36 =	vadd.s32 s11, v0;
	v26 =	vadd.s32 s12, v14;
	v24 =	vadd.s32 s29, v13  }
0x15b: {  	s13 =	sadd.s32 $0xF, s19;
	v39 =	vadd.s32 s12, v0;
	v42 =	vadd.s32 s30, v13;
	v50 =	vadd.s32 s2, v13;
	v18 =	vld.idx.msk [tilespmem:v18+s3+$0x0], $0xffff  }
0x15c: {  	v54 =	vadd.s32 s5, v13;
	v25 =	vadd.s32 s6, v13;
	v43 =	vld.idx.msk [tilespmem:v40+s3+$0x0], $0xffff;
	v40 =	vadd.s32 s13, v14  }
0x15d: {  	v60 =	vadd.s32 s7, v13;
	v28 =	vadd.s32 s8, v13;
	v32 =	vadd.s32 s10, v13;
	v20 =	vld.idx.msk [tilespmem:v20+s3+$0x0], $0xffff  }
0x15e: {  	v35 =	vadd.s32 s11, v13;
	v37 =	vadd.s32 s12, v13;
	v19 =	vld.idx.msk [tilespmem:v19+s3+$0x0], $0xffff;
	vm0 =	veq.f32 v17, v16  }
0x15f: {  	v41 =	vld.idx.msk [tilespmem:v24+s3+$0x0], $0xffff;
	v24 =	vand.u32 $0x7FF8, v54;
	vm2 =	vgt.f32 v17, v16;
	vm0 =	vmand vm1, vm0  }
0x160: {  	s24 =	sadd.s32 $0x19, s19;
	v45 =	vld.idx.msk [tilespmem:v42+s3+$0x0], $0xffff;
	vm0 =	vmor vm2, vm0;
	vm1 =	veq.f32 v18, v12;
	vm2 =	vlt.s32 v21, v11  }
0x161: {  	v42 =	vld.idx.msk [tilespmem:v40+s3+$0x0], $0xffff;
	v40 =	vadd.s32 s24, v0;
	vm15 =	vgt.f32 v18, v12;
	vm1 =	vmand vm2, vm1  }
0x162: {  	v16 =	vsel vm0, v17, v16;
	v15 =	vsel vm0, v21, v15;
	v17 =	vadd.s32 s29, v0  }
0x163: {  	vm0 =	vmor vm15, vm1;
	vm1 =	veq.f32 v19, v16;
	vm2 =	vlt.s32 v22, v15  }
0x164: {  	vm15 =	vgt.f32 v19, v16;
	v12 =	vsel vm0, v18, v12;
	v11 =	vsel vm0, v21, v11  }
0x165: {  	s16 =	sadd.s32 $0x12, s19;
	vm0 =	vmand vm1, vm2;
	v18 =	vld.idx.msk [tilespmem:v23+s3+$0x0], $0xffff;
	vm1 =	veq.f32 v20, v12;
	vm2 =	vlt.s32 v22, v11  }
0x166: {  	v23 =	vld.idx.msk [tilespmem:v51+s3+$0x0], $0xffff;
	v51 =	vadd.s32 s16, v0;
	vm0 =	vmor vm15, vm0;
	vm1 =	vmand vm1, vm2  }
0x167: {  	vm2 =	vgt.f32 v20, v12;
	v16 =	vsel vm0, v19, v16;
	v15 =	vsel vm0, v22, v15  }
0x168: {  	v19 =	vadd.s32 s30, v0;
	vm1 =	vmor vm2, vm1;
	vm2 =	vlt.s32 v17, v15  }
0x169: {  	s23 =	sadd.s32 $0x18, s19;
	v12 =	vsel vm1, v20, v12;
	v11 =	vsel vm1, v22, v11;
	v22 =	vand.u32 $0x5FF8, v53  }
0x16a: {  	v20 =	vld.idx.msk [tilespmem:v37+s3+$0x0], $0xffff;
	v37 =	vadd.s32 s23, v0;
	vm0 =	vgt.f32 v18, v16;
	vm1 =	veq.f32 v18, v16  }
0x16b: {  	vm15 =	vlt.s32 v17, v11;
	vm1 =	vmand vm1, vm2;
	vm2 =	veq.f32 v41, v12  }
0x16c: {  	vm0 =	vmor vm0, vm1;
	vm1 =	vgt.f32 v41, v12;
	vm2 =	vmand vm2, vm15  }
0x16d: {  	v16 =	vsel vm0, v18, v16;
	vm1 =	vmor vm1, vm2;
	v18 =	vadd.s32 s31, v13  }
0x16e: {  	v22 =	vor.u32 v3, v22;
	v15 =	vsel vm0, v17, v15;
	v12 =	vsel vm1, v41, v12  }
0x16f: {  	v21 =	vld.idx.msk [tilespmem:v44+s3+$0x0], $0xffff;
	vm0 =	veq.f32 v43, v16;
	vm2 =	vlt.s32 v19, v15;
	v11 =	vsel vm1, v17, v11  }
0x170: {  	vm1 =	vgt.f32 v43, v16;
	v41 =	vadd.s32 s13, v13;
	vm0 =	vmand vm0, vm2  }
0x171: {  	vm2 =	vlt.s32 v19, v11;
	vm0 =	vmor vm1, vm0;
	vm1 =	veq.f32 v45, v12  }
0x172: {  	s14 =	sadd.s32 $0x11, s19;
	vm15 =	vgt.f32 v45, v12;
	vm1 =	vmand vm1, vm2;
	v17 =	vld.idx.msk [tilespmem:v18+s3+$0x0], $0xffff;
	v18 =	vadd.s32 s1, v13  }
0x173: {  	v16 =	vsel vm0, v43, v16;
	v15 =	vsel vm0, v19, v15;
	v43 =	vadd.s32 s14, v0  }
0x174: {  	vm0 =	vmor vm15, vm1;
	vm1 =	veq.f32 v21, v16;
	vm2 =	vlt.s32 v46, v15  }
0x175: {  	v48 =	vld.idx.msk [tilespmem:v47+s3+$0x0], $0xffff;
	vm15 =	vgt.f32 v21, v16;
	v47 =	vand.u32 $0x1FF, v43;
	v12 =	vsel vm0, v45, v12  }
0x176: {  	s15 =	sadd.s32 $0x10, s19;
	vm1 =	vmand vm1, vm2;
	v11 =	vsel vm0, v19, v11;
	v19 =	vadd.s32 s2, v14  }
0x177: {  	v14 =	vor.u32 s15, v14;
	vm0 =	vmor vm15, vm1;
	vm2 =	vlt.s32 v46, v11;
	v18 =	vld.idx.msk [tilespmem:v18+s3+$0x0], $0xffff  }
0x178: {  	v16 =	vsel vm0, v21, v16;
	v15 =	vsel vm0, v46, v15;
	vm1 =	veq.f32 v17, v12  }
0x179: {  	vm15 =	vlt.s32 v49, v15;
	vm0 =	vgt.f32 v17, v12;
	vm1 =	vmand vm1, vm2  }
0x17a: {  	vm2 =	veq.f32 v48, v16;
	vm0 =	vmor vm0, vm1;
	vm1 =	vgt.f32 v48, v16  }
0x17b: {  	vm2 =	vmand vm2, vm15;
	v12 =	vsel vm0, v17, v12;
	v11 =	vsel vm0, v46, v11  }
0x17c: {  	vm0 =	vmor vm1, vm2;
	v17 =	vld.idx.msk [tilespmem:v19+s3+$0x0], $0xffff;
	vm2 =	vlt.s32 v49, v11;
	vm1 =	veq.f32 v18, v12  }
0x17d: {  	v45 =	vor.u32 $0x5FF8, v0;
	v21 =	vld.idx.msk [tilespmem:v50+s3+$0x0], $0xffff;
	vm15 =	vgt.f32 v18, v12;
	vm1 =	vmand vm1, vm2  }
0x17e: {  	v16 =	vsel vm0, v48, v16;
	v15 =	vsel vm0, v49, v15;
	vm0 =	vmor vm15, vm1  }
0x17f: {  	v19 =	vadd.s32 s2, v0;
	v12 =	vsel vm0, v18, v12;
	v18 =	vadd.s32 s4, v13  }
0x180: {  	v44 =	vld.idx.msk [tilespmem:v41+s3+$0x0], $0xffff;
	v41 =	vand.u32 $0x1FF, v40;
	v46 =	vor.u32 $0x7FF8, v0;
	vm1 =	vlt.s32 v19, v15  }
0x181: {  	v11 =	vsel vm0, v49, v11;
	vm0 =	veq.f32 v17, v16;
	vm2 =	vgt.f32 v17, v16  }
0x182: {  	v13 =	vor.u32 s15, v13;
	vm0 =	vmand vm0, vm1;
	vm1 =	veq.f32 v21, v12  }
0x183: {  	vm15 =	vgt.f32 v21, v12;
	vm0 =	vmor vm2, vm0;
	vm2 =	vlt.s32 v19, v11  }
0x184: {  	vm1 =	vmand vm1, vm2;
	v16 =	vsel vm0, v17, v16;
	v17 =	vor.u32 v3, v24;
	v18 =	vld.idx.msk [tilespmem:v18+s3+$0x0], $0xffff  }
0x185: {  	v14 =	vand.u32 v45, v14;
	v13 =	vand.u32 v46, v13;
	vm1 =	vmor vm15, vm1  }
0x186: {  	v15 =	vsel vm0, v19, v15;
	vm0 =	veq.f32 v23, v16;
	v12 =	vsel vm1, v21, v12  }
0x187: {  	v22 =	vld.idx.msk [tilespmem:v22+s3+$0x0], $0xffff;
	v19 =	vsel vm1, v19, v11;
	vm1 =	vlt.s32 v52, v15;
	v11 =	vor.u32 $0x4000, v4  }
0x188: {  	vm2 =	vgt.f32 v23, v16;
	vm0 =	vmand vm0, vm1;
	v48 =	vor.u32 v11, v47  }
0x189: {  	vm0 =	vmor vm2, vm0;
	vm2 =	vlt.s32 v52, v19;
	v17 =	vld.idx.msk [tilespmem:v17+s3+$0x0], $0xffff;
	vm1 =	veq.f32 v18, v12  }
0x18a: {  	v16 =	vsel vm0, v23, v16;
	vm15 =	vgt.f32 v18, v12;
	vm1 =	vmand vm1, vm2  }
0x18b: {  	v15 =	vsel vm0, v52, v15;
	v23 =	vand.u32 $0x5FF8, v48;
	vm1 =	vmor vm15, vm1  }
0x18c: {  	vm0 =	veq.f32 v22, v16;
	vm2 =	vgt.f32 v22, v16;
	v12 =	vsel vm1, v18, v12  }
0x18d: {  	v57 =	vld.idx.msk [tilespmem:v56+s3+$0x0], $0xffff;
	v18 =	vsel vm1, v52, v19;
	vm1 =	vlt.s32 v55, v15;
	v19 =	vadd.s32 s6, v0  }
0x18e: {  	v52 =	vand.u32 $0x1FF, v51;
	vm0 =	vmand vm0, vm1;
	vm1 =	veq.f32 v17, v12  }
0x18f: {  	v59 =	vld.idx.msk [tilespmem:v25+s3+$0x0], $0xffff;
	vm15 =	vgt.f32 v17, v12;
	vm0 =	vmor vm2, vm0;
	vm2 =	vlt.s32 v55, v18  }
0x190: {  	s21 =	sadd.s32 $0x16, s19;
	v53 =	vor.u32 v11, v52;
	vm1 =	vmand vm1, vm2;
	v16 =	vsel vm0, v22, v16  }
0x191: {  	v15 =	vsel vm0, v55, v15;
	v22 =	vld.idx.msk [tilespmem:v30+s3+$0x0], $0xffff;
	v30 =	vadd.s32 s21, v0;
	vm0 =	vmor vm15, vm1  }
0x192: {  	v61 =	vld.idx.msk [tilespmem:v58+s3+$0x0], $0xffff;
	vm1 =	veq.f32 v57, v16;
	vm2 =	vlt.s32 v19, v15;
	vm15 =	vgt.f32 v57, v16  }
0x193: {  	v12 =	vsel vm0, v17, v12;
	v17 =	vsel vm0, v55, v18;
	vm0 =	vmand vm1, vm2  }
0x194: {  	v63 =	vld.idx.msk [tilespmem:v60+s3+$0x0], $0xffff;
	v18 =	vadd.s32 s7, v0;
	vm1 =	veq.f32 v59, v12;
	vm2 =	vlt.s32 v19, v17  }
0x195: {  	vm0 =	vmor vm15, vm0;
	vm1 =	vmand vm1, vm2;
	vm2 =	vgt.f32 v59, v12  }
0x196: {  	v16 =	vsel vm0, v57, v16;
	v15 =	vsel vm0, v19, v15;
	vm1 =	vmor vm2, vm1  }
0x197: {  	v29 =	vld.idx.msk [tilespmem:v62+s3+$0x0], $0xffff;
	vm0 =	vgt.f32 v61, v16;
	vm2 =	vlt.s32 v18, v15;
	v12 =	vsel vm1, v59, v12  }
0x198: {  	v17 =	vsel vm1, v19, v17;
	v19 =	vadd.s32 s8, v0;
	vm1 =	veq.f32 v61, v16  }
0x199: {  	v31 =	vld.idx.msk [tilespmem:v28+s3+$0x0], $0xffff;
	vm1 =	vmand vm1, vm2;
	vm2 =	veq.f32 v63, v12;
	vm15 =	vlt.s32 v18, v17  }
0x19a: {  	vm0 =	vmor vm0, vm1;
	vm1 =	vgt.f32 v63, v12;
	vm2 =	vmand vm2, vm15  }
0x19b: {  	v16 =	vsel vm0, v61, v16;
	vm1 =	vmor vm1, vm2;
	v15 =	vsel vm0, v18, v15  }
0x19c: {  	v12 =	vsel vm1, v63, v12;
	vm0 =	veq.f32 v29, v16;
	vm2 =	vlt.s32 v19, v15  }
0x19d: {  	v17 =	vsel vm1, v18, v17;
	vm1 =	vgt.f32 v29, v16;
	vm0 =	vmand vm0, vm2  }
0x19e: {  	s22 =	sadd.s32 $0x17, s19;
	v18 =	vld.idx.msk [tilespmem:v32+s3+$0x0], $0xffff;
	vm2 =	vlt.s32 v19, v17;
	vm0 =	vmor vm1, vm0;
	vm1 =	veq.f32 v31, v12  }
0x19f: {  	v32 =	vadd.s32 s22, v0;
	vm15 =	vgt.f32 v31, v12;
	vm1 =	vmand vm1, vm2  }
0x1a0: {  	v16 =	vsel vm0, v29, v16;
	v15 =	vsel vm0, v19, v15;
	vm0 =	vmor vm15, vm1  }
0x1a1: {  	v25 =	vld.idx.msk [tilespmem:v34+s3+$0x0], $0xffff;
	vm1 =	veq.f32 v22, v16;
	vm2 =	vlt.s32 v33, v15;
	vm15 =	vgt.f32 v22, v16  }
0x1a2: {  	vm1 =	vmand vm1, vm2;
	v24 =	vsel vm0, v31, v12;
	v17 =	vsel vm0, v19, v17  }
0x1a3: {  	v12 =	vor.u32 $0x6000, v4;
	vm0 =	vmor vm15, vm1;
	vm1 =	veq.f32 v18, v24  }
0x1a4: {  	vm2 =	vlt.s32 v33, v17;
	v50 =	vor.u32 v12, v47;
	v16 =	vsel vm0, v22, v16  }
0x1a5: {  	v15 =	vsel vm0, v33, v15;
	vm0 =	vgt.f32 v18, v24;
	vm1 =	vmand vm1, vm2  }
0x1a6: {  	v19 =	vld.idx.msk [tilespmem:v35+s3+$0x0], $0xffff;
	v22 =	vand.u32 $0x7, v43;
	v43 =	vor.u32 v12, v41;
	vm2 =	veq.f32 v25, v16  }
0x1a7: {  	s28 =	sadd.s32 $0x1C, s19;
	vm15 =	vlt.s32 v36, v15;
	vm0 =	vmor vm0, vm1;
	vm1 =	vgt.f32 v25, v16  }
0x1a8: {  	v49 =	vor.u32 v22, v23;
	v23 =	vand.u32 $0x7FF8, v50;
	v50 =	vadd.s32 s28, v0  }
0x1a9: {  	v38 =	vld.idx.msk [tilespmem:v26+s3+$0x0], $0xffff;
	vm2 =	vmand vm2, vm15;
	v18 =	vsel vm0, v18, v24;
	v17 =	vsel vm0, v33, v17  }
0x1aa: {  	v22 =	vor.u32 v22, v23;
	v23 =	vand.u32 $0x7, v51;
	v33 =	vand.u32 $0x1FF, v32  }
0x1ab: {  	v51 =	vand.u32 $0x1FF, v50;
	vm1 =	vmor vm1, vm2;
	vm0 =	veq.f32 v19, v18  }
0x1ac: {  	vm2 =	vlt.s32 v36, v17;
	v35 =	vor.u32 v11, v33;
	v16 =	vsel vm1, v25, v16  }
0x1ad: {  	v15 =	vsel vm1, v36, v15;
	vm1 =	vgt.f32 v19, v18;
	vm0 =	vmand vm0, vm2  }
0x1ae: {  	vm2 =	veq.f32 v38, v16;
	vm15 =	vlt.s32 v39, v15;
	vm0 =	vmor vm1, vm0  }
0x1af: {  	vm1 =	vgt.f32 v38, v16;
	vm2 =	vmand vm2, vm15;
	v18 =	vsel vm0, v19, v18  }
0x1b0: {  	v17 =	vsel vm0, v36, v17;
	v19 =	vadd.s32 s13, v0;
	vm0 =	vmor vm1, vm2  }
0x1b1: {  	vm1 =	vgt.f32 v20, v18;
	vm2 =	veq.f32 v20, v18;
	vm15 =	vlt.s32 v39, v17  }
0x1b2: {  	v16 =	vsel vm0, v38, v16;
	vm2 =	vmand vm2, vm15;
	v15 =	vsel vm0, v39, v15  }
0x1b3: {  	vm0 =	vmor vm1, vm2;
	vm1 =	veq.f32 v42, v16;
	vm2 =	vlt.s32 v19, v15  }
0x1b4: {  	v14 =	vld.idx.msk [tilespmem:v14+s3+$0x0], $0xffff;
	v18 =	vsel vm0, v20, v18;
	v17 =	vsel vm0, v39, v17;
	vm0 =	vgt.f32 v42, v16  }
0x1b5: {  	vm1 =	vmand vm1, vm2;
	vm2 =	veq.f32 v44, v18;
	vm15 =	vlt.s32 v19, v17  }
0x1b6: {  	v13 =	vld.idx.msk [tilespmem:v13+s3+$0x0], $0xffff;
	vm0 =	vmor vm0, vm1;
	vm1 =	vgt.f32 v44, v18;
	vm2 =	vmand vm2, vm15  }
0x1b7: {  	v25 =	vand.u32 $0x5FF8, v53;
	v16 =	vsel vm0, v42, v16;
	vm1 =	vmor vm1, vm2  }
0x1b8: {  	v15 =	vsel vm0, v19, v15;
	v17 =	vsel vm1, v19, v17;
	v19 =	vor.u32 s15, v0  }
0x1b9: {  	v21 =	vld.idx.msk [tilespmem:v49+s3+$0x0], $0xffff;
	vm0 =	veq.f32 v14, v16;
	v18 =	vsel vm1, v44, v18;
	vm1 =	vlt.s32 v19, v15  }
0x1ba: {  	v54 =	vor.u32 v23, v25;
	vm2 =	vgt.f32 v14, v16;
	vm0 =	vmand vm0, vm1  }
0x1bb: {  	vm15 =	vlt.s32 v19, v17;
	vm0 =	vmor vm2, vm0;
	vm2 =	veq.f32 v13, v18  }
0x1bc: {  	vm1 =	vgt.f32 v13, v18;
	vm2 =	vmand vm2, vm15;
	v14 =	vsel vm0, v14, v16  }
0x1bd: {  	v16 =	vld.idx.msk [tilespmem:v22+s3+$0x0], $0xffff;
	v15 =	vsel vm0, v19, v15;
	v22 =	vand.u32 $0x7, v30;
	vm1 =	vmor vm1, vm2  }
0x1be: {  	vm0 =	veq.f32 v21, v14;
	vm2 =	vlt.s32 v47, v15;
	vm15 =	vgt.f32 v21, v14  }
0x1bf: {  	s17 =	sadd.s32 $0x13, s19;
	v13 =	vsel vm1, v13, v18;
	v18 =	vor.u32 v12, v52;
	vm0 =	vmand vm0, vm2  }
0x1c0: {  	v17 =	vsel vm1, v19, v17;
	v19 =	vadd.s32 s17, v0;
	v18 =	vand.u32 $0x7FF8, v18  }
0x1c1: {  	v55 =	vld.idx.msk [tilespmem:v54+s3+$0x0], $0xffff;
	vm0 =	vmor vm15, vm0;
	v56 =	vand.u32 $0x1FF, v19;
	v18 =	vor.u32 v23, v18  }
0x1c2: {  	vm15 =	vlt.s32 v47, v17;
	v19 =	vand.u32 $0x7, v19;
	v57 =	vor.u32 v11, v56  }
0x1c3: {  	v14 =	vsel vm0, v21, v14;
	vm2 =	veq.f32 v16, v13;
	v23 =	vand.u32 $0x5FF8, v57  }
0x1c4: {  	vm1 =	vgt.f32 v16, v13;
	vm2 =	vmand vm2, vm15;
	v23 =	vor.u32 v19, v23  }
0x1c5: {  	v58 =	vor.u32 v12, v56;
	v15 =	vsel vm0, v47, v15;
	vm1 =	vmor vm1, vm2  }
0x1c6: {  	vm0 =	veq.f32 v55, v14;
	v13 =	vsel vm1, v16, v13;
	v16 =	vand.u32 $0x7FF8, v58;
	v18 =	vld.idx.msk [tilespmem:v18+s3+$0x0], $0xffff  }
0x1c7: {  	s18 =	sadd.s32 $0x14, s19;
	vm15 =	vgt.f32 v55, v14;
	vm2 =	vlt.s32 v52, v15;
	v16 =	vor.u32 v19, v16  }
0x1c8: {  	vm0 =	vmand vm0, vm2;
	v17 =	vsel vm1, v47, v17;
	v19 =	vadd.s32 s18, v0  }
0x1c9: {  	vm0 =	vmor vm15, vm0;
	vm2 =	vlt.s32 v52, v17;
	v59 =	vand.u32 $0x1FF, v19;
	v60 =	vld.idx.msk [tilespmem:v23+s3+$0x0], $0xffff  }
0x1ca: {  	v14 =	vsel vm0, v55, v14;
	v19 =	vand.u32 $0x7, v19;
	v61 =	vor.u32 v11, v59  }
0x1cb: {  	v15 =	vsel vm0, v52, v15;
	v23 =	vand.u32 $0x5FF8, v61;
	vm1 =	veq.f32 v18, v13  }
0x1cc: {  	v23 =	vor.u32 v19, v23;
	vm15 =	vgt.f32 v18, v13;
	v16 =	vld.idx.msk [tilespmem:v16+s3+$0x0], $0xffff;
	vm1 =	vmand vm1, vm2  }
0x1cd: {  	v62 =	vor.u32 v12, v59;
	vm0 =	vmor vm15, vm1;
	vm1 =	vlt.s32 v56, v15  }
0x1ce: {  	vm2 =	vgt.f32 v60, v14;
	v13 =	vsel vm0, v18, v13;
	v18 =	vand.u32 $0x7FF8, v62  }
0x1cf: {  	s20 =	sadd.s32 $0x15, s19;
	v17 =	vsel vm0, v52, v17;
	vm0 =	veq.f32 v60, v14;
	v18 =	vor.u32 v19, v18  }
0x1d0: {  	vm0 =	vmand vm0, vm1;
	v19 =	vadd.s32 s20, v0;
	vm15 =	vlt.s32 v56, v17  }
0x1d1: {  	v23 =	vld.idx.msk [tilespmem:v23+s3+$0x0], $0xffff;
	vm0 =	vmor vm2, vm0;
	vm1 =	vgt.f32 v16, v13;
	v63 =	vand.u32 $0x1FF, v19  }
0x1d2: {  	vm2 =	veq.f32 v16, v13;
	v19 =	vand.u32 $0x7, v19;
	v28 =	vor.u32 v11, v63  }
0x1d3: {  	vm2 =	vmand vm2, vm15;
	v14 =	vsel vm0, v60, v14;
	v25 =	vand.u32 $0x5FF8, v28  }
0x1d4: {  	v15 =	vsel vm0, v56, v15;
	vm1 =	vmor vm1, vm2;
	v29 =	vor.u32 v19, v25;
	v18 =	vld.idx.msk [tilespmem:v18+s3+$0x0], $0xffff  }
0x1d5: {  	v13 =	vsel vm1, v16, v13;
	v16 =	vsel vm1, v56, v17;
	v17 =	vor.u32 v12, v63  }
0x1d6: {  	vm2 =	vlt.s32 v59, v15;
	vm0 =	vgt.f32 v23, v14;
	v17 =	vand.u32 $0x7FF8, v17  }
0x1d7: {  	vm1 =	veq.f32 v23, v14;
	v17 =	vor.u32 v19, v17;
	v19 =	vand.u32 $0x1FF, v30  }
0x1d8: {  	vm1 =	vmand vm1, vm2;
	vm2 =	vlt.s32 v59, v16;
	v31 =	vor.u32 v11, v19  }
0x1d9: {  	vm0 =	vmor vm0, vm1;
	v25 =	vand.u32 $0x5FF8, v31;
	vm1 =	veq.f32 v18, v13  }
0x1da: {  	v14 =	vsel vm0, v23, v14;
	v21 =	vld.idx.msk [tilespmem:v29+s3+$0x0], $0xffff;
	vm15 =	vgt.f32 v18, v13;
	vm1 =	vmand vm1, vm2  }
0x1db: {  	v15 =	vsel vm0, v59, v15;
	v25 =	vor.u32 v22, v25;
	vm0 =	vmor vm15, vm1  }
0x1dc: {  	v53 =	vor.u32 v12, v51;
	v17 =	vld.idx.msk [tilespmem:v17+s3+$0x0], $0xffff;
	v13 =	vsel vm0, v18, v13;
	v18 =	vor.u32 v12, v19  }
0x1dd: {  	s29 =	sadd.s32 $0x1D, s19;
	v36 =	vor.u32 v12, v33;
	v20 =	vand.u32 $0x7, v32;
	v18 =	vand.u32 $0x7FF8, v18  }
0x1de: {  	v54 =	vadd.s32 s29, v0;
	v42 =	vor.u32 v11, v41;
	v18 =	vor.u32 v22, v18  }
0x1df: {  	s30 =	sadd.s32 $0x1E, s19;
	vm1 =	vlt.s32 v63, v15;
	v16 =	vsel vm0, v59, v16;
	vm0 =	veq.f32 v21, v14  }
0x1e0: {  	v57 =	vadd.s32 s30, v0;
	vm2 =	vgt.f32 v21, v14;
	v34 =	vld.idx.msk [tilespmem:v25+s3+$0x0], $0xffff;
	vm0 =	vmand vm0, vm1  }
0x1e1: {  	vm0 =	vmor vm2, vm0;
	vm1 =	veq.f32 v17, v13;
	vm2 =	vlt.s32 v63, v16  }
0x1e2: {  	v25 =	vand.u32 $0x5FF8, v35;
	vm15 =	vgt.f32 v17, v13;
	vm1 =	vmand vm1, vm2  }
0x1e3: {  	v14 =	vsel vm0, v21, v14;
	v15 =	vsel vm0, v63, v15;
	vm0 =	vmor vm15, vm1;
	v18 =	vld.idx.msk [tilespmem:v18+s3+$0x0], $0xffff  }
0x1e4: {  	v25 =	vor.u32 v20, v25;
	vm2 =	vlt.s32 v19, v15;
	v13 =	vsel vm0, v17, v13  }
0x1e5: {  	vm1 =	veq.f32 v34, v14;
	v17 =	vand.u32 $0x7FF8, v36;
	vm15 =	vgt.f32 v34, v14  }
0x1e6: {  	v16 =	vsel vm0, v63, v16;
	v17 =	vor.u32 v20, v17;
	v20 =	vand.u32 $0x1FF, v37  }
0x1e7: {  	vm1 =	vmand vm1, vm2;
	vm2 =	vlt.s32 v19, v16;
	v39 =	vor.u32 v11, v20  }
0x1e8: {  	vm0 =	vmor vm15, vm1;
	v24 =	vand.u32 $0x5FF8, v39;
	vm1 =	veq.f32 v18, v13  }
0x1e9: {  	v38 =	vld.idx.msk [tilespmem:v25+s3+$0x0], $0xffff;
	v24 =	vor.u32 v3, v24;
	vm15 =	vgt.f32 v18, v13;
	vm1 =	vmand vm1, vm2  }
0x1ea: {  	s26 =	sadd.s32 $0x1B, s19;
	v14 =	vsel vm0, v34, v14;
	v15 =	vsel vm0, v19, v15;
	vm0 =	vmor vm15, vm1  }
0x1eb: {  	v47 =	vadd.s32 s26, v0;
	v13 =	vsel vm0, v18, v13;
	v18 =	vor.u32 v12, v20  }
0x1ec: {  	v58 =	vand.u32 $0x1FF, v57;
	v55 =	vand.u32 $0x1FF, v54;
	v17 =	vld.idx.msk [tilespmem:v17+s3+$0x0], $0xffff;
	v18 =	vand.u32 $0x7FF8, v18  }
0x1ed: {  	v52 =	vor.u32 v11, v51;
	v23 =	vand.u32 $0x7, v40;
	v18 =	vor.u32 v3, v18  }
0x1ee: {  	vm2 =	veq.f32 v38, v14;
	vm15 =	vlt.s32 v33, v15;
	v16 =	vsel vm0, v19, v16;
	v19 =	vld.idx.msk [tilespmem:v24+s3+$0x0], $0xffff  }
0x1ef: {  	v21 =	vand.u32 $0x5FF8, v42;
	vm1 =	vgt.f32 v38, v14;
	vm2 =	vmand vm2, vm15  }
0x1f0: {  	v21 =	vor.u32 v23, v21;
	v25 =	vand.u32 $0x7FF8, v43;
	vm0 =	vmor vm1, vm2  }
0x1f1: {  	vm2 =	vlt.s32 v33, v16;
	v14 =	vsel vm0, v38, v14;
	vm1 =	veq.f32 v17, v13  }
0x1f2: {  	vm15 =	vgt.f32 v17, v13;
	v15 =	vsel vm0, v33, v15;
	vm1 =	vmand vm1, vm2;
	v18 =	vld.idx.msk [tilespmem:v18+s3+$0x0], $0xffff  }
0x1f3: {  	vm2 =	vlt.s32 v20, v15;
	vm0 =	vmor vm15, vm1;
	vm1 =	veq.f32 v19, v14  }
0x1f4: {  	v23 =	vor.u32 v23, v25;
	vm15 =	vgt.f32 v19, v14;
	vm1 =	vmand vm1, vm2  }
0x1f5: {  	s25 =	sadd.s32 $0x1A, s19;
	v13 =	vsel vm0, v17, v13;
	v16 =	vsel vm0, v33, v16;
	vm0 =	vmor vm15, vm1  }
0x1f6: {  	v17 =	vld.idx.msk [tilespmem:v21+s3+$0x0], $0xffff;
	vm1 =	vlt.s32 v20, v16;
	v14 =	vsel vm0, v19, v14;
	v19 =	vadd.s32 s25, v0  }
0x1f7: {  	v15 =	vsel vm0, v20, v15;
	v44 =	vand.u32 $0x1FF, v19;
	vm0 =	veq.f32 v18, v13  }
0x1f8: {  	v19 =	vand.u32 $0x7, v19;
	vm2 =	vgt.f32 v18, v13;
	vm0 =	vmand vm0, vm1  }
0x1f9: {  	v45 =	vor.u32 v11, v44;
	v46 =	vor.u32 v12, v44;
	vm0 =	vmor vm2, vm0  }
0x1fa: {  	v22 =	vand.u32 $0x5FF8, v45;
	vm1 =	vlt.s32 v41, v15;
	v13 =	vsel vm0, v18, v13  }
0x1fb: {  	v16 =	vsel vm0, v20, v16;
	v18 =	vor.u32 v19, v22;
	vm0 =	veq.f32 v17, v14  }
0x1fc: {  	s31 =	sadd.s32 $0x1F, s19;
	v23 =	vld.idx.msk [tilespmem:v23+s3+$0x0], $0xffff;
	vm2 =	vgt.f32 v17, v14;
	v20 =	vand.u32 $0x7FF8, v46;
	vm0 =	vmand vm0, vm1  }
0x1fd: {  	v60 =	vadd.s32 s31, v0;
	v19 =	vor.u32 v19, v20;
	vm0 =	vmor vm2, vm0  }
0x1fe: {  	v62 =	vand.u32 $0x1FF, v60;
	v14 =	vsel vm0, v17, v14;
	v17 =	vand.u32 $0x1FF, v47  }
0x1ff: {  	v56 =	vor.u32 v12, v55;
	vm15 =	vlt.s32 v41, v16;
	v48 =	vor.u32 v11, v17  }
0x200: {  	v20 =	vand.u32 $0x7, v47;
	v49 =	vor.u32 v12, v17;
	v18 =	vld.idx.msk [tilespmem:v18+s3+$0x0], $0xffff;
	v22 =	vand.u32 $0x5FF8, v48  }
0x201: {  	vm2 =	veq.f32 v23, v13;
	v25 =	vand.u32 $0x7FF8, v49;
	v22 =	vor.u32 v20, v22  }
0x202: {  	vm1 =	vgt.f32 v23, v13;
	vm2 =	vmand vm2, vm15;
	v19 =	vld.idx.msk [tilespmem:v19+s3+$0x0], $0xffff;
	v20 =	vor.u32 v20, v25  }
0x203: {  	v59 =	vor.u32 v12, v58;
	v24 =	vand.u32 $0x5FF8, v52;
	vm1 =	vmor vm1, vm2  }
0x204: {  	v15 =	vsel vm0, v41, v15;
	v13 =	vsel vm1, v23, v13;
	v16 =	vsel vm1, v41, v16  }
0x205: {  	vm1 =	vlt.s32 v44, v15;
	v25 =	vand.u32 $0x7, v50;
	vm0 =	veq.f32 v18, v14  }
0x206: {  	v24 =	vor.u32 v25, v24;
	vm2 =	vgt.f32 v18, v14;
	vm0 =	vmand vm0, vm1;
	v22 =	vld.idx.msk [tilespmem:v22+s3+$0x0], $0xffff  }
0x207: {  	vm1 =	veq.f32 v19, v13;
	v20 =	vld.idx.msk [tilespmem:v20+s3+$0x0], $0xffff;
	vm0 =	vmor vm2, vm0;
	vm2 =	vlt.s32 v44, v16  }
0x208: {  	vm15 =	vgt.f32 v19, v13;
	vm1 =	vmand vm1, vm2;
	v14 =	vsel vm0, v18, v14  }
0x209: {  	v18 =	vand.u32 $0x7FF8, v53;
	v15 =	vsel vm0, v44, v15;
	vm1 =	vmor vm15, vm1  }
0x20a: {  	v18 =	vor.u32 v25, v18;
	v13 =	vsel vm1, v19, v13;
	v16 =	vsel vm1, v44, v16  }
0x20b: {  	vm1 =	vlt.s32 v17, v15;
	vm0 =	veq.f32 v22, v14;
	vm2 =	vlt.s32 v17, v16  }
0x20c: {  	v19 =	vld.idx.msk [tilespmem:v24+s3+$0x0], $0xffff;
	vm15 =	vgt.f32 v22, v14;
	vm0 =	vmand vm0, vm1;
	vm1 =	veq.f32 v20, v13  }
0x20d: {  	vm1 =	vmand vm1, vm2;
	vm2 =	vgt.f32 v20, v13;
	vm0 =	vmor vm15, vm0  }
0x20e: {  	vm1 =	vmor vm2, vm1;
	v14 =	vsel vm0, v22, v14;
	v15 =	vsel vm0, v17, v15  }
0x20f: {  	v18 =	vld.idx.msk [tilespmem:v18+s3+$0x0], $0xffff;
	v22 =	vand.u32 $0x7FF8, v56;
	v16 =	vsel vm1, v17, v16;
	v17 =	vor.u32 v11, v55  }
0x210: {  	v13 =	vsel vm1, v20, v13;
	v20 =	vand.u32 $0x7, v54;
	v17 =	vand.u32 $0x5FF8, v17  }
0x211: {  	vm0 =	veq.f32 v19, v14;
	vm2 =	vlt.s32 v51, v15;
	v17 =	vor.u32 v20, v17  }
0x212: {  	vm15 =	vgt.f32 v19, v14;
	vm0 =	vmand vm0, vm2;
	v20 =	vor.u32 v20, v22  }
0x213: {  	vm2 =	vlt.s32 v51, v16;
	vm0 =	vmor vm15, vm0;
	v22 =	vand.u32 $0x7, v57  }
0x214: {  	v14 =	vsel vm0, v19, v14;
	v19 =	vor.u32 v11, v58;
	vm1 =	veq.f32 v18, v13  }
0x215: {  	vm15 =	vgt.f32 v18, v13;
	v19 =	vand.u32 $0x5FF8, v19;
	vm1 =	vmand vm1, vm2  }
0x216: {  	v25 =	vand.u32 $0x7FF8, v59;
	v19 =	vor.u32 v22, v19;
	vm1 =	vmor vm15, vm1;
	v17 =	vld.idx.msk [tilespmem:v17+s3+$0x0], $0xffff  }
0x217: {  	v12 =	vor.u32 v12, v62;
	v61 =	vor.u32 v22, v25;
	v13 =	vsel vm1, v18, v13;
	v18 =	vld.idx.msk [tilespmem:v20+s3+$0x0], $0xffff  }
0x218: {  	v63 =	vand.u32 $0x7, v60;
	v12 =	vand.u32 $0x7FF8, v12;
	v11 =	vor.u32 v11, v62  }
0x219: {  	v12 =	vor.u32 v63, v12;
	v11 =	vand.u32 $0x5FF8, v11  }
0x21a: {  	v15 =	vsel vm0, v51, v15;
	v11 =	vor.u32 v63, v11;
	v16 =	vsel vm1, v51, v16  }
0x21b: {  	vm2 =	vlt.s32 v55, v15;
	vm15 =	vlt.s32 v55, v16;
	v19 =	vld.idx.msk [tilespmem:v19+s3+$0x0], $0xffff;
	vm1 =	veq.f32 v17, v14  }
0x21c: {  	v20 =	vld.idx.msk [tilespmem:v61+s3+$0x0], $0xffff;
	vm0 =	vgt.f32 v17, v14;
	vm1 =	vmand vm1, vm2;
	vm2 =	veq.f32 v18, v13  }
0x21d: {  	vm0 =	vmor vm0, vm1;
	vm1 =	vmand vm2, vm15;
	vm2 =	vgt.f32 v18, v13  }
0x21e: {  	v14 =	vsel vm0, v17, v14;
	vm1 =	vmor vm2, vm1  }
0x21f: {  	v15 =	vsel vm0, v55, v15;
	v13 =	vsel vm1, v18, v13;
	v16 =	vsel vm1, v55, v16  }
0x220: {  	v11 =	vld.idx.msk [tilespmem:v11+s3+$0x0], $0xffff;
	vm0 =	vgt.f32 v19, v14;
	vm1 =	veq.f32 v19, v14;
	vm2 =	vlt.s32 v58, v15  }
0x221: {  	v12 =	vld.idx.msk [tilespmem:v12+s3+$0x0], $0xffff;
	vm1 =	vmand vm1, vm2;
	vm2 =	veq.f32 v20, v13;
	vm15 =	vlt.s32 v58, v16  }
0x222: {  	vm0 =	vmor vm0, vm1;
	vm1 =	vmand vm2, vm15;
	vm2 =	vgt.f32 v20, v13  }
0x223: {  	v14 =	vsel vm0, v19, v14;
	vm1 =	vmor vm2, vm1  }
0x224: {  	p0 =	slt.u32 s19, $0x1E0;
	v15 =	vsel vm0, v58, v15;
	v13 =	vsel vm1, v20, v13;
	v17 =	vsel vm1, v58, v16  }
.Ltmp1:
0x225: {  	vm0 =	vgt.f32 v11, v14;
	vm1 =	veq.f32 v11, v14;
	vm2 =	vlt.s32 v62, v15;
	(pc) =	sbr.rel @p0 .LBB2_4-.Ltmp1, $4  }
0x226: {  	vm1 =	vmand vm1, vm2;
	vm2 =	veq.f32 v12, v13;
	vm15 =	vlt.s32 v62, v17  }
0x227: {  	vm0 =	vmor vm0, vm1;
	vm1 =	vmand vm2, vm15;
	vm2 =	vgt.f32 v12, v13  }
0x228: {  	v16 =	vsel vm0, v11, v14;
	vm1 =	vmor vm2, vm1  }
0x229: {  	s19 =	sadd.s32 $0x20, s19;
	v15 =	vsel vm0, v62, v15;
	v12 =	vsel vm1, v12, v13;
	v11 =	vsel vm1, v62, v17  }
0x22a: {  	[tilespmem:$0x8020] =	vst v15  }
0x22b: {  	[tilespmem:$0x8030] =	vst v11;
	s1 =	rddreg [dreg:$0x5];
	s2 =	simm.s32 $0x8440  }
0x22c: {  	[spmem:s1] =	stream.linear.scatter [tilespmem:s2], [sflag:$0x3], $0x200, $0x38;
	[tilespmem:$0x8860] =	vst v63  }
0x22d: {  	_ =	swait.ge [sflag:s9], $0x200  }
0x22e: {  	[sflag:s9] =	ssyncset.done $0x0  }
0x22f: {  	[sflag:s9] =	ssyncadd.s32 $0xFFFFFE00  }
0x230: {  	s4 =	simm.s32 $0x40;
	[bflag:$0x0] =	sbarrier.arrive $0xFFFF  }
0x231: {  	s5 =	simm.s32 $0x8000;
	s6 =	simm.s32 $0x8040;
	s0 =	rddreg [dreg:$0x1]  }
0x232: {  	[spmem:s0] =	stream.indirect.scatter.add.s32 [tilespmem:s6], [sflag:$0x3], $0x10, s5, s4, $0xb8;
	[tilespmem:$0x8860] =	vst v63  }
0x233: {  	_ =	swait.ge [sflag:s9], $0x400  }
0x234: {  	[sflag:s9] =	ssyncset.done $0x0  }
0x235: {  	[sflag:s9] =	ssyncadd.s32 $0xFFFFFC00  }
0x236: {  	[bflag:$0x0] =	sbarrier.arrive $0xFFFF  }
0x237: {  	[tilespmem:s2], [sflag:$0x3] =	stream.linear.gather [spmem:s1], $0x200, $0x38;
	[tilespmem:$0x8860] =	vst v63  }
0x238: {  	_ =	swait.ge [sflag:s9], $0x200  }
0x239: {  	[sflag:s9] =	ssyncset.done $0x0  }
0x23a: {  	[sflag:s9] =	ssyncadd.s32 $0xFFFFFE00  }
0x23b: {  	v11 =	vld [tilespmem:$0x8440]  }
0x23c: {  	v12 =	vld [tilespmem:$0x8450]  }
0x23d: {  	v13 =	vld [tilespmem:$0x8460]  }
0x23e: {  	v14 =	vld [tilespmem:$0x8470]  }
0x23f: {  	v53 =	vld [tilespmem:$0x8480]  }
0x240: {  	v16 =	vld [tilespmem:$0x8490];
	v11 =	vxor.u32 $0x80000000, v11  }
0x241: {  	v54 =	vld [tilespmem:$0x84A0];
	(xrf0) =	vmax.scan.msk.u32 $0xffff, v11;
	v11 =	vxor.u32 $0x80000000, v12  }
0x242: {  	v55 =	vld [tilespmem:$0x84B0];
	(xrf0) =	vmax.scan.msk.u32 $0xffff, v11;
	v11 =	vxor.u32 $0x80000000, v13  }
0x243: {  	v56 =	vld [tilespmem:$0x84C0];
	(xrf0) =	vmax.scan.msk.u32 $0xffff, v11;
	v11 =	vxor.u32 $0x80000000, v14  }
0x244: {  	v57 =	vld [tilespmem:$0x84D0];
	(xrf0) =	vmax.scan.msk.u32 $0xffff, v11;
	v11 =	vxor.u32 $0x80000000, v53  }
0x245: {  	v58 =	vld [tilespmem:$0x84E0];
	(xrf0) =	vmax.scan.msk.u32 $0xffff, v11;
	v11 =	vxor.u32 $0x80000000, v16  }
0x246: {  	v59 =	vld [tilespmem:$0x84F0];
	(xrf0) =	vmax.scan.msk.u32 $0xffff, v11;
	v11 =	vxor.u32 $0x80000000, v54  }
0x247: {  	v60 =	vld [tilespmem:$0x8500];
	v17, _, _ =	vpop (xrf0);
	(xrf0) =	vmax.scan.msk.u32 $0xffff, v11;
	v11 =	vxor.u32 $0x80000000, v55  }
0x248: {  	v62 =	vld [tilespmem:$0x8510];
	v61, _, _ =	vpop (xrf0);
	(xrf0) =	vmax.scan.msk.u32 $0xffff, v11;
	v11 =	vxor.u32 $0x80000000, v56  }
0x249: {  	v20 =	vld [tilespmem:$0x8520];
	(v2sf) =	vpush v17, $0xF;
	v63, _, _ =	vpop (xrf0);
	(xrf0) =	vmax.scan.msk.u32 $0xffff, v11;
	v11 =	vxor.u32 $0x80000000, v57  }
0x24a: {  	v22 =	vld [tilespmem:$0x8530];
	(v2sf) =	vpush v61, $0xF;
	v21, _, _ =	vpop (xrf0);
	(xrf0) =	vmax.scan.msk.u32 $0xffff, v11;
	v11 =	vxor.u32 $0x80000000, v58  }
0x24b: {  	v24 =	vld [tilespmem:$0x8540];
	(v2sf) =	vpush v63, $0xF;
	v23, _, _ =	vpop (xrf0);
	(xrf0) =	vmax.scan.msk.u32 $0xffff, v11;
	v11 =	vxor.u32 $0x80000000, v59  }
0x24c: {  	v26 =	vld [tilespmem:$0x8550];
	(v2sf) =	vpush v21, $0xF;
	v25, _, _ =	vpop (xrf0);
	(xrf0) =	vmax.scan.msk.u32 $0xffff, v11;
	v11 =	vxor.u32 $0x80000000, v60  }
0x24d: {  	v28 =	vld [tilespmem:$0x8560];
	(v2sf) =	vpush v23, $0xF;
	v27, _, _ =	vpop (xrf0);
	(xrf0) =	vmax.scan.msk.u32 $0xffff, v11;
	v11 =	vxor.u32 $0x80000000, v62  }
0x24e: {  	v30 =	vld [tilespmem:$0x8570];
	(v2sf) =	vpush v25, $0xF;
	v29, _, _ =	vpop (xrf0);
	(xrf0) =	vmax.scan.msk.u32 $0xffff, v11;
	v11 =	vxor.u32 $0x80000000, v20  }
0x24f: {  	v32 =	vld [tilespmem:$0x8580];
	(v2sf) =	vpush v27, $0xF;
	v31, _, _ =	vpop (xrf0);
	(xrf0) =	vmax.scan.msk.u32 $0xffff, v11;
	v11 =	vxor.u32 $0x80000000, v22  }
0x250: {  	v34 =	vld [tilespmem:$0x8590];
	(v2sf) =	vpush v29, $0xF;
	v33, _, _ =	vpop (xrf0);
	(xrf0) =	vmax.scan.msk.u32 $0xffff, v11;
	v11 =	vxor.u32 $0x80000000, v24  }
0x251: {  	v36 =	vld [tilespmem:$0x85A0];
	(v2sf) =	vpush v31, $0xF;
	v35, _, _ =	vpop (xrf0);
	(xrf0) =	vmax.scan.msk.u32 $0xffff, v11;
	v11 =	vxor.u32 $0x80000000, v26  }
0x252: {  	v38 =	vld [tilespmem:$0x85B0];
	(v2sf) =	vpush v33, $0xF;
	v37, _, _ =	vpop (xrf0);
	(xrf0) =	vmax.scan.msk.u32 $0xffff, v11;
	v11 =	vxor.u32 $0x80000000, v28  }
0x253: {  	v40 =	vld [tilespmem:$0x85C0];
	(v2sf) =	vpush v35, $0xF;
	v39, _, _ =	vpop (xrf0);
	(xrf0) =	vmax.scan.msk.u32 $0xffff, v11;
	v11 =	vxor.u32 $0x80000000, v30  }
0x254: {  	v42 =	vld [tilespmem:$0x85D0];
	(v2sf) =	vpush v37, $0xF;
	v41, _, _ =	vpop (xrf0);
	(xrf0) =	vmax.scan.msk.u32 $0xffff, v11;
	v11 =	vxor.u32 $0x80000000, v32  }
0x255: {  	v44 =	vld [tilespmem:$0x85E0];
	(v2sf) =	vpush v39, $0xF;
	v43, _, _ =	vpop (xrf0);
	(xrf0) =	vmax.scan.msk.u32 $0xffff, v11;
	v11 =	vxor.u32 $0x80000000, v34  }
0x256: {  	v46 =	vld [tilespmem:$0x85F0];
	(v2sf) =	vpush v41, $0xF;
	v45, _, _ =	vpop (xrf0);
	(xrf0) =	vmax.scan.msk.u32 $0xffff, v11;
	v11 =	vxor.u32 $0x80000000, v36  }
0x257: {  	v48 =	vld [tilespmem:$0x8600];
	(v2sf) =	vpush v43, $0xF;
	v47, _, _ =	vpop (xrf0);
	(xrf0) =	vmax.scan.msk.u32 $0xffff, v11;
	v11 =	vxor.u32 $0x80000000, v38  }
0x258: {  	v50 =	vld [tilespmem:$0x8610];
	s12 =	spop (v2sf);
	(v2sf) =	vpush v45, $0xF;
	v49, _, _ =	vpop (xrf0);
	(xrf0) =	vmax.scan.msk.u32 $0xffff, v11;
	v11 =	vxor.u32 $0x80000000, v40  }
0x259: {  	v52 =	vld [tilespmem:$0x8620];
	s13 =	spop (v2sf);
	(v2sf) =	vpush v47, $0xF;
	v51, _, _ =	vpop (xrf0);
	(xrf0) =	vmax.scan.msk.u32 $0xffff, v11;
	v11 =	vxor.u32 $0x80000000, v42  }
0x25a: {  	v54 =	vld [tilespmem:$0x8630];
	s14 =	spop (v2sf);
	(v2sf) =	vpush v49, $0xF;
	v53, _, _ =	vpop (xrf0);
	(xrf0) =	vmax.scan.msk.u32 $0xffff, v11;
	v11 =	vxor.u32 $0x80000000, v44  }
0x25b: {  	s22 =	spop (v2sf);
	(v2sf) =	vpush v51, $0xF;
	v55, _, _ =	vpop (xrf0);
	(xrf0) =	vmax.scan.msk.u32 $0xffff, v11;
	v11 =	vxor.u32 $0x80000000, v46  }
0x25c: {  	(v2sf) =	vpush v53, $0xF;
	s24 =	spop (v2sf);
	v56, _, _ =	vpop (xrf0);
	(xrf0) =	vmax.scan.msk.u32 $0xffff, v11;
	v11 =	vxor.u32 $0x80000000, v48  }
0x25d: {  	(v2sf) =	vpush v55, $0xF;
	s26 =	spop (v2sf);
	v57, _, _ =	vpop (xrf0);
	(xrf0) =	vmax.scan.msk.u32 $0xffff, v11;
	v11 =	vxor.u32 $0x80000000, v50  }
0x25e: {  	(v2sf) =	vpush v56, $0xF;
	s29 =	spop (v2sf);
	v58, _, _ =	vpop (xrf0);
	(xrf0) =	vmax.scan.msk.u32 $0xffff, v11;
	v11 =	vxor.u32 $0x80000000, v52  }
0x25f: {  	(v2sf) =	vpush v57, $0xF;
	s21 =	spop (v2sf);
	v59, _, _ =	vpop (xrf0);
	(xrf0) =	vmax.scan.msk.u32 $0xffff, v11;
	v11 =	vxor.u32 $0x80000000, v54  }
0x260: {  	(v2sf) =	vpush v58, $0xF;
	s19 =	spop (v2sf)  }
0x261: {  	s30 =	spop (v2sf);
	(v2sf) =	vpush v59, $0xF;
	v60, _, _ =	vpop (xrf0);
	(xrf0) =	vmax.scan.msk.u32 $0xffff, v11  }
0x262: {  	s20 =	spop (v2sf);
	(v2sf) =	vpush v60, $0xF;
	v11, _, _ =	vpop (xrf0)  }
0x263: {  	s31 =	spop (v2sf);
	v61, _, _ =	vpop (xrf0);
	(v2sf) =	vpush v11, $0xF  }
0x264: {  	s28 =	spop (v2sf);
	v11, _, _ =	vpop (xrf0);
	(v2sf) =	vpush v61, $0xF  }
0x265: {  	s25 =	spop (v2sf);
	v62, _, _ =	vpop (xrf0);
	(v2sf) =	vpush v11, $0xF  }
0x266: {  	s23 =	spop (v2sf);
	v11, _, _ =	vpop (xrf0);
	(v2sf) =	vpush v62, $0xF  }
0x267: {  	s15 =	spop (v2sf);
	(v2sf) =	vpush v11, $0xF;
	v11, _, _ =	vpop (xrf0)  }
0x268: {  	s16 =	spop (v2sf);
	(v2sf) =	vpush v11, $0xF  }
0x269: {  	s1 =	spop (v2sf)  }
0x26a: {  	s17 =	spop (v2sf)  }
0x26b: {  	[dreg:$0x9] =	wrdreg s12;
	s12 =	spop (v2sf)  }
0x26c: {  	s4 =	spop (v2sf)  }
0x26d: {  	s5 =	spop (v2sf)  }
0x26e: {  	s7 =	spop (v2sf)  }
0x26f: {  	s8 =	spop (v2sf)  }
0x270: {  	s10 =	spop (v2sf)  }
0x271: {  	s11 =	spop (v2sf)  }
0x272: {  	s6 =	spop (v2sf)  }
0x273: {  	[dreg:$0xa] =	wrdreg s13;
	s13 =	spop (v2sf)  }
0x274: {  	s18 =	spop (v2sf)  }
0x275: {  	s2 =	spop (v2sf)  }
0x276: {  	[dreg:$0xb] =	wrdreg s14;
	s15 =	sxor.u32 $0x80000000, s15;
	s14 =	spop (v2sf)  }
0x277: {  	v11 =	vmov s15;
	s15 =	rddreg [dreg:$0x9];
	s0 =	spop (v2sf)  }
0x278: {  	vm0 =	vcmask $0x300;
	s15 =	sxor.u32 $0x80000000, s15;
	s0 =	sxor.u32 $0x80000000, s0  }
0x279: {  	s16 =	sxor.u32 $0x80000000, s16;
	v11 =	vsel vm0, s15, v11;
	s15 =	rddreg [dreg:$0xa];
	v63 =	vmov s0  }
0x27a: {  	vm1 =	vcmask $0x704;
	s0 =	sxor.u32 $0x80000000, s15;
	v12 =	vsel vm0, s16, v63;
	s16 =	rddreg [dreg:$0xb]  }
0x27b: {  	s1 =	sxor.u32 $0x80000000, s1;
	v11 =	vsel vm1, s0, v11;
	vm0 =	vcmask $0xB08;
	s0 =	sxor.u32 $0x80000000, s16  }
0x27c: {  	s15 =	sxor.u32 $0x80000000, s17;
	v12 =	vsel vm1, s1, v12;
	s1 =	sxor.u32 $0x80000000, s22;
	v11 =	vsel vm0, s0, v11  }
0x27d: {  	s17 =	sxor.u32 $0x80000000, s12;
	s16 =	sxor.u32 $0x80000000, s24;
	v12 =	vsel vm0, s15, v12;
	v11 =	vsel vm3, s1, v11  }
0x27e: {  	s22 =	sxor.u32 $0x80000000, s26;
	s24 =	sxor.u32 $0x80000000, s4;
	v12 =	vsel vm3, s17, v12;
	v11 =	vsel vm4, s16, v11  }
0x27f: {  	s26 =	sxor.u32 $0x80000000, s29;
	s29 =	sxor.u32 $0x80000000, s5;
	v12 =	vsel vm4, s24, v12;
	v11 =	vsel vm5, s22, v11  }
0x280: {  	s4 =	sxor.u32 $0x80000000, s7;
	s1 =	sxor.u32 $0x80000000, s21;
	v12 =	vsel vm5, s29, v12;
	v11 =	vsel vm6, s26, v11  }
0x281: {  	s5 =	sxor.u32 $0x80000000, s19;
	s7 =	sxor.u32 $0x80000000, s8;
	v12 =	vsel vm6, s4, v12;
	v11 =	vsel vm7, s1, v11  }
0x282: {  	s10 =	sxor.u32 $0x80000000, s10;
	s8 =	sxor.u32 $0x80000000, s30;
	v12 =	vsel vm7, s7, v12;
	v11 =	vsel vm8, s5, v11  }
0x283: {  	s12 =	sxor.u32 $0x80000000, s20;
	s15 =	sxor.u32 $0x80000000, s11;
	v12 =	vsel vm8, s10, v12;
	v11 =	vsel vm9, s8, v11  }
0x284: {  	s17 =	sxor.u32 $0x80000000, s6;
	s16 =	sxor.u32 $0x80000000, s31;
	v12 =	vsel vm9, s15, v12;
	v11 =	vsel vm10, s12, v11  }
0x285: {  	s20 =	sxor.u32 $0x80000000, s13;
	s19 =	sxor.u32 $0x80000000, s28;
	v12 =	vsel vm10, s17, v12;
	v11 =	vsel vm11, s16, v11  }
0x286: {  	s21 =	sxor.u32 $0x80000000, s25;
	s22 =	sxor.u32 $0x80000000, s18;
	v12 =	vsel vm11, s20, v12;
	v11 =	vsel vm12, s19, v11  }
0x287: {  	s25 =	sxor.u32 $0x80000000, s2;
	s24 =	sxor.u32 $0x80000000, s23;
	v12 =	vsel vm12, s22, v12;
	v11 =	vsel vm13, s21, v11  }
0x288: {  	s26 =	sxor.u32 $0x80000000, s14;
	v12 =	vsel vm13, s25, v12;
	v11 =	vsel vm14, s24, v11  }
0x289: {  	v12 =	vsel vm14, s26, v12;
	[tilespmem:$0x8640] =	vst v11  }
0x28a: {  	s28 =	rddreg [dreg:$0x6];
	s29 =	simm.s32 $0x8640;
	[tilespmem:$0x8650] =	vst v12  }
0x28b: {  	[hbm4b:s28+s3] =	stream.linear.scatter [tilespmem:s29], [sflag:$0x3], $0x20, $0x38;
	[tilespmem:$0x8860] =	vst v63  }
0x28c: {  	_ =	swait.ge [sflag:s9], $0x20  }
0x28d: {  	s30 =	rddreg [dreg:$0x8]  }
0x28e: {  	s31 =	rddreg [dreg:$0x7];
	s1 =	sadd.s32 $0x1, s30  }
0x28f: {  	p0 =	sne.s32 s1, s31  }
.Ltmp2:
0x290: {  	_ = 	snop;
	(pc) =	sbr.rel @p0 .LBB2_1-.Ltmp2, $3  }
0x291: {  	_ =	sdelay $0x1  }
0x292: {  	[sflag:s9] =	ssyncset.done $0x0  }
0x293: {  	[sflag:s9] =	ssyncadd.s32 $0xFFFFFFE0  }
0x294: {  	_ =	sfence.sel $0x180000  }
0x295: {  	[bflag:$0x0] =	sbarrier.arrive $0xFFFF  }
0x296: {  	_ =	strace $0x90000047  }
0x297: {  	s0 =	stileid.u32;
	[bflag:$0x2] =	sbarrier.arrive $0xFFFF  }
0x298: {  	p0 =	sne.s32 s0, $0x0;
	s0 =	rddreg [dreg:$0x2]  }
0x299: {  	s0 =	sadd.s32 @!p0 $0x100000, s0  }
0x29a: {  	[sflag:s0] =	ssyncadd.tile.s32 @!p0 $0x1;
	_ =	shalt  }
.Lfunc_end2:
_tile_overlayer_lowered:
.L_overlay_start_2:
0x29b: {  	(tag) =	ssettag $0x2  }
0x29c: {  	s0 =	rddreg [dreg:$0x0];
	s2 =	stileid.u32  }
0x29d: {  	s1 =	rddreg [dreg:$0x1];
	p0 =	sne.s32 s2, $0x0  }
0x29e: {  	s3 =	rddreg [dreg:$0x2];
	[bflag:$0x3] =	sbarrier.arrive $0xFFFF;
	s2 =	simm.s32 @!p0 $0x1C03  }
0x29f: {  	[timem:s3], [sflag:s2] =	dma.local @!p0 [hbm:s0], s1  }
0x2a0: {  	s0 =	simm.s32 @!p0 $0x3  }
0x2a1: {  	_ =	swait.ge @!p0 [sflag:s0], s1  }
0x2a2: {  	s1 =	ssub.s32 @!p0 $0x0, s1;
	[sflag:s0] =	ssyncset.done @!p0 $0x0  }
0x2a3: {  	[sflag:s0] =	ssyncadd.s32 @!p0 s1  }
0x2a4: {  	[bflag:$0x3] =	sbarrier.arrive $0xFFFF  }
0x2a5: {  	_ =	shalt  }

</sc_bundles>
